<compile_context>
chip_gen: v7x
topology: tpu7x:2x2x1
jax: 0.10.2.dev20260603
libtpu: 0.0.44.dev20260713+nightly
codegen_flags: <defaults>
</compile_context>

<pallas_src>
import functools

import jax
import jax.numpy as jnp
from jax import lax
from jax.experimental import pallas as pl
from jax.experimental.pallas import tpu as pltpu
from jax.experimental.pallas import tpu_sc as plsc

N = 10000
NP = 10240
E = 320000
EC = 81
E_PAD = 32 * EC * 128
G = 64
GP = 128
NC, NS, L = 2, 16, 16
RPT = NP // (NC * NS)
RPS = NP // NS
BW = 64
BC = RPT // BW
BLK = 2048

_MESH = plsc.VectorSubcoreMesh(
    core_axis_name="c", subcore_axis_name="s", num_cores=NC, num_subcores=NS)
_SC_PARAMS = pltpu.CompilerParams(use_tc_tiling_on_sc=False)


def _sc_degree(ei_r, batch_r):
    @functools.partial(
        pl.kernel,
        out_type=(jax.ShapeDtypeStruct((NC, NP), jnp.float32),
                  jax.ShapeDtypeStruct((NC, GP), jnp.float32)),
        mesh=_MESH,
        compiler_params=_SC_PARAMS,
        scratch_types=[
            pltpu.VMEM((EC, 128), jnp.int32),
            pltpu.VMEM((BC, BW), jnp.int32),
            pltpu.VMEM((128,), jnp.float32),
            pltpu.VMEM((128,), jnp.float32),
            pltpu.VMEM_SHARED((NP,), jnp.float32),
            pltpu.VMEM_SHARED((GP,), jnp.float32),
            pltpu.SemaphoreType.DMA,
        ],
    )
    def k(ei_hbm, batch_hbm, deg_out, cnt_out, didx, bidx, ones, zbuf, dacc,
          cacc, sem):
        c = lax.axis_index("c")
        s = lax.axis_index("s")
        pltpu.sync_copy(ei_hbm.at[1, c, s], didx)
        pltpu.sync_copy(batch_hbm.at[c, s], bidx)

        @pl.loop(0, 128, step=L)
        def _(i):
            ones[pl.ds(i, L)] = jnp.ones((L,), jnp.float32)
            zbuf[pl.ds(i, L)] = jnp.zeros((L,), jnp.float32)

        @pl.loop(0, RPS, step=128)
        def _(r):
            pltpu.sync_copy(zbuf, dacc.at[pl.ds(s * RPS + r, 128)])

        @pl.when(s == 0)
        def _():
            pltpu.sync_copy(zbuf, cacc)

        plsc.subcore_barrier()

        @pl.loop(0, EC)
        def _(j):
            pltpu.async_copy(ones, dacc.at[didx.at[j]], sem, add=True)

        @pl.loop(0, BC)
        def _(j):
            pltpu.async_copy(ones.at[pl.ds(0, BW)], cacc.at[bidx.at[j]], sem,
                             add=True)

        pltpu.make_async_copy(ei_hbm.at[1, c, s], didx, sem).wait()
        pltpu.make_async_copy(batch_hbm.at[c, s], bidx, sem).wait()

        plsc.subcore_barrier()
        pltpu.sync_copy(dacc.at[pl.ds(s * RPS, RPS)],
                        deg_out.at[c, pl.ds(s * RPS, RPS)])

        @pl.when(s == 0)
        def _():
            pltpu.sync_copy(cacc, cnt_out.at[c])

    return k(ei_r, batch_r)


def _sc_aggregate(y, ei_r, d, dt=jnp.bfloat16):
    zw = 32 if dt == jnp.bfloat16 else L

    @functools.partial(
        pl.kernel,
        out_type=jax.ShapeDtypeStruct((NC, NP, d), dt),
        mesh=_MESH,
        compiler_params=_SC_PARAMS,
        scratch_types=[
            pltpu.VMEM((EC, 128), jnp.int32),
            pltpu.VMEM((EC, 128), jnp.int32),
            pltpu.VMEM((2, 128, d), dt),
            pltpu.VMEM_SHARED((NP, d), dt),
            pltpu.VMEM_SHARED((NP, d), dt),
            [pltpu.SemaphoreType.DMA] * 2,
        ],
    )
    def k(y_hbm, ei_hbm, out_hbm, sidx, didx, rows,
          ysh, acc, gsem):
        c = lax.axis_index("c")
        s = lax.axis_index("s")
        pltpu.sync_copy(ei_hbm.at[0, c, s], sidx)
        pltpu.sync_copy(ei_hbm.at[1, c, s], didx)
        pltpu.sync_copy(y_hbm.at[pl.ds(s * RPS, RPS)],
                        ysh.at[pl.ds(s * RPS, RPS)])

        @pl.loop(0, 128)
        def _(r):
            for colk in range(d // zw):
                rows[0, r, pl.ds(colk * zw, zw)] = jnp.zeros((zw,), dt)

        @pl.loop(0, RPS, step=128)
        def _(r):
            pltpu.sync_copy(rows.at[0], acc.at[pl.ds(s * RPS + r, 128)])

        plsc.subcore_barrier()

        pltpu.make_async_copy(ysh.at[sidx.at[0]], rows.at[0], gsem[0]).start()

        @pl.loop(0, (EC - 1) // 2)
        def _(p):
            j0 = p * 2
            j1 = j0 + 1
            pltpu.make_async_copy(ysh.at[sidx.at[j1]], rows.at[1],
                                  gsem[1]).start()
            pltpu.make_async_copy(ysh.at[sidx.at[j0]], rows.at[0],
                                  gsem[0]).wait()
            pltpu.sync_copy(rows.at[0], acc.at[didx.at[j0]], add=True)
            pltpu.make_async_copy(ysh.at[sidx.at[j0 + 2]], rows.at[0],
                                  gsem[0]).start()
            pltpu.make_async_copy(ysh.at[sidx.at[j1]], rows.at[1],
                                  gsem[1]).wait()
            pltpu.sync_copy(rows.at[1], acc.at[didx.at[j1]], add=True)

        pltpu.make_async_copy(ysh.at[sidx.at[EC - 1]], rows.at[0],
                              gsem[0]).wait()
        pltpu.sync_copy(rows.at[0], acc.at[didx.at[EC - 1]], add=True)

        plsc.subcore_barrier()
        pltpu.sync_copy(acc.at[pl.ds(s * RPS, RPS)],
                        out_hbm.at[c, pl.ds(s * RPS, RPS)])

    return k(y, ei_r)


def _tc_matmul(x, w):
    dout = w.shape[1]

    def body(x_ref, w_ref, o_ref):
        o_ref[...] = jnp.dot(x_ref[...], w_ref[...],
                             preferred_element_type=jnp.float32)

    return pl.pallas_call(
        body,
        grid=(NP // BLK,),
        in_specs=[pl.BlockSpec((BLK, x.shape[1]), lambda i: (i, 0)),
                  pl.BlockSpec(w.shape, lambda i: (0, 0))],
        out_specs=pl.BlockSpec((BLK, dout), lambda i: (i, 0)),
        out_shape=jax.ShapeDtypeStruct((NP, dout), jnp.float32),
    )(x, w)


def _tc_scale(deg0, deg1, t):
    d = t.shape[1]

    def body(d0, d1, t_ref, o_ref):
        dinv = lax.rsqrt(d0[...] + d1[...] + 1.0)
        o_ref[...] = (t_ref[...] * dinv).astype(jnp.bfloat16)

    return pl.pallas_call(
        body,
        grid=(NP // BLK,),
        in_specs=[pl.BlockSpec((BLK, 1), lambda i: (i, 0)),
                  pl.BlockSpec((BLK, 1), lambda i: (i, 0)),
                  pl.BlockSpec((BLK, d), lambda i: (i, 0))],
        out_specs=pl.BlockSpec((BLK, d), lambda i: (i, 0)),
        out_shape=jax.ShapeDtypeStruct((NP, d), jnp.bfloat16),
    )(deg0, deg1, t)


def _tc_layer1(a_p, t1, deg0, deg1, b1):
    d = t1.shape[1]

    def body(a_ref, t_ref, d0, d1, b_ref, z_ref, u_ref):
        dinv = lax.rsqrt(d0[...] + d1[...] + 1.0)
        a = a_ref[0].astype(jnp.float32) + a_ref[1].astype(jnp.float32)
        z = jnp.maximum(a * dinv + t_ref[...] * (dinv * dinv) + b_ref[...], 0.0)
        z_ref[...] = z
        u_ref[...] = (z * dinv).astype(jnp.bfloat16)

    return pl.pallas_call(
        body,
        grid=(NP // BLK,),
        in_specs=[pl.BlockSpec((NC, BLK, d), lambda i: (0, i, 0)),
                  pl.BlockSpec((BLK, d), lambda i: (i, 0)),
                  pl.BlockSpec((BLK, 1), lambda i: (i, 0)),
                  pl.BlockSpec((BLK, 1), lambda i: (i, 0)),
                  pl.BlockSpec((1, d), lambda i: (0, 0))],
        out_specs=[pl.BlockSpec((BLK, d), lambda i: (i, 0)),
                   pl.BlockSpec((BLK, d), lambda i: (i, 0))],
        out_shape=[jax.ShapeDtypeStruct((NP, d), jnp.float32),
                   jax.ShapeDtypeStruct((NP, d), jnp.bfloat16)],
    )(a_p, t1, deg0, deg1, b1)


def _tc_layer23(a_p, z1, deg0, deg1, w2, b2, w3):
    def body(a_ref, z1_ref, d0, d1, w2_ref, b2_ref, w3_ref,
             y3_ref, t3_ref):
        dinv = lax.rsqrt(d0[...] + d1[...] + 1.0)
        a = a_ref[0].astype(jnp.float32) + a_ref[1].astype(jnp.float32)
        q = a * dinv + z1_ref[...] * (dinv * dinv)
        z2 = jnp.maximum(
            jnp.dot(q, w2_ref[...], preferred_element_type=jnp.float32)
            + b2_ref[...], 0.0)
        t3 = jnp.dot(z2, w3_ref[...], preferred_element_type=jnp.float32)
        t3_ref[...] = t3
        y3_ref[...] = (t3 * dinv).astype(jnp.bfloat16)

    return pl.pallas_call(
        body,
        grid=(NP // BLK,),
        in_specs=[pl.BlockSpec((NC, BLK, 64), lambda i: (0, i, 0)),
                  pl.BlockSpec((BLK, 64), lambda i: (i, 0)),
                  pl.BlockSpec((BLK, 1), lambda i: (i, 0)),
                  pl.BlockSpec((BLK, 1), lambda i: (i, 0)),
                  pl.BlockSpec((64, 128), lambda i: (0, 0)),
                  pl.BlockSpec((1, 128), lambda i: (0, 0)),
                  pl.BlockSpec((128, 128), lambda i: (0, 0))],
        out_specs=[pl.BlockSpec((BLK, 128), lambda i: (i, 0)),
                   pl.BlockSpec((BLK, 128), lambda i: (i, 0))],
        out_shape=[jax.ShapeDtypeStruct((NP, 128), jnp.bfloat16),
                   jax.ShapeDtypeStruct((NP, 128), jnp.float32)],
    )(a_p, z1, deg0, deg1, w2, b2, w3)


def _tc_layer3_pool_fc(a_p, t3, deg0, deg1, b3, batch_p, cnt_p, fcw, fcb):
    nblk = NP // BLK

    def body(a_ref, t_ref, d0, d1, b_ref, bat_ref, c_ref, w_ref, fb_ref,
             o_ref, s_ref):
        i = pl.program_id(0)
        dinv = lax.rsqrt(d0[...] + d1[...] + 1.0)
        a = a_ref[0].astype(jnp.float32) + a_ref[1].astype(jnp.float32)
        z = jnp.maximum(
            a * dinv + t_ref[...] * (dinv * dinv) + b_ref[...], 0.0)
        onehot = (bat_ref[...] == jax.lax.broadcasted_iota(
            jnp.int32, (BLK, G), 1)).astype(jnp.float32)
        part = jax.lax.dot_general(
            onehot, z, (((0,), (0,)), ((), ())),
            preferred_element_type=jnp.float32)

        @pl.when(i == 0)
        def _():
            s_ref[...] = part

        @pl.when(i > 0)
        def _():
            s_ref[...] += part

        @pl.when(i == nblk - 1)
        def _():
            cnt = jnp.maximum(c_ref[0] + c_ref[1], 1.0)[:G, None]
            pooled = s_ref[...] / cnt
            o_ref[...] = jnp.dot(pooled, w_ref[...],
                                 preferred_element_type=jnp.float32) + fb_ref[...]

    out, _ = pl.pallas_call(
        body,
        grid=(nblk,),
        in_specs=[pl.BlockSpec((NC, BLK, 128), lambda i: (0, i, 0)),
                  pl.BlockSpec((BLK, 128), lambda i: (i, 0)),
                  pl.BlockSpec((BLK, 1), lambda i: (i, 0)),
                  pl.BlockSpec((BLK, 1), lambda i: (i, 0)),
                  pl.BlockSpec((1, 128), lambda i: (0, 0)),
                  pl.BlockSpec((BLK, 1), lambda i: (i, 0)),
                  pl.BlockSpec((NC, GP), lambda i: (0, 0)),
                  pl.BlockSpec((128, 16), lambda i: (0, 0)),
                  pl.BlockSpec((1, 16), lambda i: (0, 0))],
        out_specs=[pl.BlockSpec((G, 16), lambda i: (0, 0)),
                   pl.BlockSpec((G, 128), lambda i: (0, 0))],
        out_shape=[jax.ShapeDtypeStruct((G, 16), jnp.float32),
                   jax.ShapeDtypeStruct((G, 128), jnp.float32)],
    )(a_p, t3, deg0, deg1, b3, batch_p, cnt_p, fcw, fcb)
    return out


def kernel(x, edge_index, batch, W1, b1, W2, b2, W3, b3, fcW, fcb):
    f32 = jnp.float32
    ei_pad = jnp.stack([jnp.zeros((E_PAD - E,), jnp.int32),
                        jnp.full((E_PAD - E,), N, jnp.int32)])
    ei_r = jnp.concatenate([edge_index, ei_pad],
                           axis=1).reshape(2, NC, NS, EC, 128)
    batch_p = jnp.concatenate([batch, jnp.full((NP - N,), G, jnp.int32)])
    batch_r = batch_p.reshape(NC, NS, BC, BW)
    x_p = jnp.concatenate([x, jnp.zeros((NP - N, x.shape[1]), f32)])

    deg_p, cnt_p = _sc_degree(ei_r, batch_r)
    t1 = _tc_matmul(x_p, W1)

    deg0 = deg_p[0][:, None]
    deg1 = deg_p[1][:, None]

    y1 = _tc_scale(deg0, deg1, t1)
    a1 = _sc_aggregate(y1, ei_r, 64)
    z1, u1 = _tc_layer1(a1, t1, deg0, deg1, b1.reshape(1, 64))
    a2 = _sc_aggregate(u1, ei_r, 64)
    y3, t3 = _tc_layer23(a2, z1, deg0, deg1, W2, b2.reshape(1, 128), W3)
    a3 = _sc_aggregate(y3, ei_r, 128)

    batch_col = batch_p[:, None]
    fcw_p = jnp.pad(fcW, ((0, 0), (0, 6)))
    fcb_p = jnp.pad(fcb, (0, 6)).reshape(1, 16)
    res = _tc_layer3_pool_fc(a3, t3, deg0, deg1, b3.reshape(1, 128),
                             batch_col, cnt_p, fcw_p, fcb_p)
    return res[:, :10]

# --- scband reference (transcript-rebuilt; emitter-appended) ---
"""Pipeline reference for scband-gcnmodel-59141699666122 (READ-ONLY COPY).

The authoritative reference and input builder live on the scoring server;
editing this copy changes nothing except your own understanding.
"""

import jax, jax.numpy as jnp
import numpy as np

N_NODES = 10000
N_EDGES = 320000
D_FEAT = 128
N_GRAPHS = 64
NUM_CLASSES = 10


def gcn_conv(x, edge_index, W, b):
    N = x.shape[0]
    loop = jnp.arange(N, dtype=edge_index.dtype)
    src = jnp.concatenate([edge_index[0], loop])
    dst = jnp.concatenate([edge_index[1], loop])
    deg = jnp.zeros((N,), x.dtype).at[dst].add(1.0)
    dinv = jnp.where(deg > 0, jax.lax.rsqrt(deg), 0.0)
    norm = dinv[src] * dinv[dst]
    h = x @ W
    msg = h[src] * norm[:, None]
    out = jnp.zeros((N, W.shape[1]), x.dtype).at[dst].add(msg)
    return out + b


def setup_inputs(seed: int = 0) -> dict:
    key = jax.random.key(seed)
    ks = jax.random.split(key, 12)
    x = jax.random.normal(ks[0], (N_NODES, D_FEAT), jnp.float32)
    edge_index = jax.random.randint(ks[1], (2, N_EDGES), 0, N_NODES, jnp.int32)
    batch = jnp.sort(jax.random.randint(ks[2], (N_NODES,), 0, N_GRAPHS, jnp.int32))
    W1 = jax.random.normal(ks[3], (D_FEAT, 64), jnp.float32) * 0.05
    b1 = jnp.zeros((64,), jnp.float32)
    W2 = jax.random.normal(ks[4], (64, 128), jnp.float32) * 0.05
    b2 = jnp.zeros((128,), jnp.float32)
    W3 = jax.random.normal(ks[5], (128, 128), jnp.float32) * 0.05
    b3 = jnp.zeros((128,), jnp.float32)
    fcW = jax.random.normal(ks[6], (128, NUM_CLASSES), jnp.float32) * 0.05
    fcb = jnp.zeros((NUM_CLASSES,), jnp.float32)
    return {"x": x, "edge_index": edge_index, "batch": batch,
            "W1": W1, "b1": b1, "W2": W2, "b2": b2, "W3": W3, "b3": b3,
            "fcW": fcW, "fcb": fcb}


def reference(x, edge_index, batch, W1, b1, W2, b2, W3, b3, fcW, fcb):
    h = jax.nn.relu(gcn_conv(x, edge_index, W1, b1))
    h = jax.nn.relu(gcn_conv(h, edge_index, W2, b2))
    h = jax.nn.relu(gcn_conv(h, edge_index, W3, b3))
    sums = jnp.zeros((N_GRAPHS, h.shape[1]), h.dtype).at[batch].add(h)
    cnt = jnp.zeros((N_GRAPHS,), h.dtype).at[batch].add(1.0)
    pooled = sums / jnp.maximum(cnt, 1.0)[:, None]
    return pooled @ fcW + fcb

if __name__ == "__main__":
    import jax
    _d = setup_inputs()
    print(jax.jit(kernel)(*tuple(_d.values())))

</pallas_src>

<mosaic_0001>
#map = affine_map<(d0, d1) -> (0, 0, 0, 0, 0)>
#map1 = affine_map<(d0, d1) -> (0, 0, 0, 0)>
#map2 = affine_map<(d0, d1) -> (0, 0)>
module attributes {stable_mosaic.version = 14 : i64} {
  func.func @k(%arg0: i32, %arg1: i32, %arg2: memref<2x2x16x81x128xi32, #tpu.memory_space<hbm>>, %arg3: memref<2x16x5x64xi32, #tpu.memory_space<hbm>>, %arg4: memref<2x10240xf32, #tpu.memory_space<hbm>>, %arg5: memref<2x128xf32, #tpu.memory_space<hbm>>, %arg6: memref<81x128xi32, #tpu.memory_space<vmem>>, %arg7: memref<5x64xi32, #tpu.memory_space<vmem>>, %arg8: memref<128xf32, #tpu.memory_space<vmem>>, %arg9: memref<128xf32, #tpu.memory_space<vmem>>, %arg10: memref<10240xf32, #tpu.memory_space<vmem_shared>>, %arg11: memref<128xf32, #tpu.memory_space<vmem_shared>>, %arg12: memref<!tpu.dma_semaphore, #tpu.memory_space<semaphore_mem>>) attributes {dimension_semantics = [#tpu.dimension_semantics<core_parallel>, #tpu.dimension_semantics<subcore_parallel>], iteration_bounds = array<i64: 2, 16>, scalar_prefetch = 0 : i64, scratch_operands = 7 : i64, tpu.core_type = #tpu.core_type<sc_vector_subcore>, window_params = [{transform_indices = #map}, {transform_indices = #map1}, {transform_indices = #map2}, {transform_indices = #map2}]} {
    %run_scoped3A = arith.constant 1 : i32
    "tpu.region"() ({
      %run_scoped3A_46 = tpu.sem_alloc : memref<!tpu.dma_semaphore, #tpu.memory_space<semaphore_mem>>
      %dma_start3A = arith.constant 0 : i32
      %dma_start3A_47 = arith.constant 0 : i32
      %dma_start3A_48 = tpu.memref_slice %arg2[%run_scoped3A, %arg0, %arg1, %dma_start3A, %dma_start3A_47] : memref<2x2x16x81x128xi32, #tpu.memory_space<hbm>> -> memref<1x1x1x81x128xi32, #tpu.memory_space<hbm>>
      %dma_start3A_49 = tpu.memref_squeeze %dma_start3A_48 : memref<1x1x1x81x128xi32, #tpu.memory_space<hbm>> -> memref<81x128xi32, #tpu.memory_space<hbm>>
      %dma_start3A_50 = arith.constant 0 : i32
      %dma_start3A_51 = arith.constant 0 : i32
      %dma_start3A_52 = tpu.memref_slice %arg2[%run_scoped3A, %arg0, %arg1, %dma_start3A_50, %dma_start3A_51] : memref<2x2x16x81x128xi32, #tpu.memory_space<hbm>> -> memref<1x1x1x81x128xi32, #tpu.memory_space<hbm>>
      %dma_start3A_53 = tpu.memref_squeeze %dma_start3A_52 : memref<1x1x1x81x128xi32, #tpu.memory_space<hbm>> -> memref<81x128xi32, #tpu.memory_space<hbm>>
      tpu.enqueue_dma source(%dma_start3A_53 : memref<81x128xi32, #tpu.memory_space<hbm>>) target(%arg6 : memref<81x128xi32, #tpu.memory_space<vmem>>) target_semaphore(%run_scoped3A_46 : memref<!tpu.dma_semaphore, #tpu.memory_space<semaphore_mem>>)
      %dma_wait3A_54 = arith.constant 0 : i32
      %dma_wait3A_55 = arith.constant 0 : i32
      %dma_wait3A_56 = tpu.memref_slice %arg2[%run_scoped3A, %arg0, %arg1, %dma_wait3A_54, %dma_wait3A_55] : memref<2x2x16x81x128xi32, #tpu.memory_space<hbm>> -> memref<1x1x1x81x128xi32, #tpu.memory_space<hbm>>
      %dma_wait3A_57 = tpu.memref_squeeze %dma_wait3A_56 : memref<1x1x1x81x128xi32, #tpu.memory_space<hbm>> -> memref<81x128xi32, #tpu.memory_space<hbm>>
      %dma_wait3A_58 = arith.constant 0 : i32
      %dma_wait3A_59 = arith.constant 0 : i32
      %dma_wait3A_60 = tpu.memref_slice %arg2[%run_scoped3A, %arg0, %arg1, %dma_wait3A_58, %dma_wait3A_59] : memref<2x2x16x81x128xi32, #tpu.memory_space<hbm>> -> memref<1x1x1x81x128xi32, #tpu.memory_space<hbm>>
      %dma_wait3A_61 = tpu.memref_squeeze %dma_wait3A_60 : memref<1x1x1x81x128xi32, #tpu.memory_space<hbm>> -> memref<81x128xi32, #tpu.memory_space<hbm>>
      tpu.wait_dma2 semaphore(%run_scoped3A_46 : memref<!tpu.dma_semaphore, #tpu.memory_space<semaphore_mem>>) src(%dma_wait3A_61 : memref<81x128xi32, #tpu.memory_space<hbm>>) dst(%arg6 : memref<81x128xi32, #tpu.memory_space<vmem>>)
      tpu.yield
    }) : () -> ()
    "tpu.region"() ({
      %run_scoped3A_46 = tpu.sem_alloc : memref<!tpu.dma_semaphore, #tpu.memory_space<semaphore_mem>>
      %dma_start3A = arith.constant 0 : i32
      %dma_start3A_47 = arith.constant 0 : i32
      %dma_start3A_48 = tpu.memref_slice %arg3[%arg0, %arg1, %dma_start3A, %dma_start3A_47] : memref<2x16x5x64xi32, #tpu.memory_space<hbm>> -> memref<1x1x5x64xi32, #tpu.memory_space<hbm>>
      %dma_start3A_49 = tpu.memref_squeeze %dma_start3A_48 : memref<1x1x5x64xi32, #tpu.memory_space<hbm>> -> memref<5x64xi32, #tpu.memory_space<hbm>>
      %dma_start3A_50 = arith.constant 0 : i32
      %dma_start3A_51 = arith.constant 0 : i32
      %dma_start3A_52 = tpu.memref_slice %arg3[%arg0, %arg1, %dma_start3A_50, %dma_start3A_51] : memref<2x16x5x64xi32, #tpu.memory_space<hbm>> -> memref<1x1x5x64xi32, #tpu.memory_space<hbm>>
      %dma_start3A_53 = tpu.memref_squeeze %dma_start3A_52 : memref<1x1x5x64xi32, #tpu.memory_space<hbm>> -> memref<5x64xi32, #tpu.memory_space<hbm>>
      tpu.enqueue_dma source(%dma_start3A_53 : memref<5x64xi32, #tpu.memory_space<hbm>>) target(%arg7 : memref<5x64xi32, #tpu.memory_space<vmem>>) target_semaphore(%run_scoped3A_46 : memref<!tpu.dma_semaphore, #tpu.memory_space<semaphore_mem>>)
      %dma_wait3A_54 = arith.constant 0 : i32
      %dma_wait3A_55 = arith.constant 0 : i32
      %dma_wait3A_56 = tpu.memref_slice %arg3[%arg0, %arg1, %dma_wait3A_54, %dma_wait3A_55] : memref<2x16x5x64xi32, #tpu.memory_space<hbm>> -> memref<1x1x5x64xi32, #tpu.memory_space<hbm>>
      %dma_wait3A_57 = tpu.memref_squeeze %dma_wait3A_56 : memref<1x1x5x64xi32, #tpu.memory_space<hbm>> -> memref<5x64xi32, #tpu.memory_space<hbm>>
      %dma_wait3A_58 = arith.constant 0 : i32
      %dma_wait3A_59 = arith.constant 0 : i32
      %dma_wait3A_60 = tpu.memref_slice %arg3[%arg0, %arg1, %dma_wait3A_58, %dma_wait3A_59] : memref<2x16x5x64xi32, #tpu.memory_space<hbm>> -> memref<1x1x5x64xi32, #tpu.memory_space<hbm>>
      %dma_wait3A_61 = tpu.memref_squeeze %dma_wait3A_60 : memref<1x1x5x64xi32, #tpu.memory_space<hbm>> -> memref<5x64xi32, #tpu.memory_space<hbm>>
      tpu.wait_dma2 semaphore(%run_scoped3A_46 : memref<!tpu.dma_semaphore, #tpu.memory_space<semaphore_mem>>) src(%dma_wait3A_61 : memref<5x64xi32, #tpu.memory_space<hbm>>) dst(%arg7 : memref<5x64xi32, #tpu.memory_space<vmem>>)
      tpu.yield
    }) : () -> ()
    %scan3A = arith.constant 0 : i32
    %scan3A_0 = arith.constant 8 : i32
    %scan3A_1 = arith.addi %scan3A, %scan3A_0 : i32
    %scan3A_2 = arith.constant 1 : i32
    scf.for %scan3A_46 = %scan3A to %scan3A_1 step %scan3A_2  : i32 {
      %mul3A_47 = arith.constant 16 : i32
      %mul3A_48 = arith.muli %scan3A_46, %mul3A_47 : i32
      %add3A = arith.constant 0 : i32
      %add3A_49 = arith.addi %add3A, %mul3A_48 : i32
      %broadcast_in_dim3A = arith.constant 1.000000e+00 : f32
      %broadcast_in_dim3A_50 = vector.broadcast %broadcast_in_dim3A : f32 to vector<16xf32>
      %swap3A = arith.index_cast %add3A_49 : i32 to index
      %swap3A_51 = tpu.vector_load %arg8[%swap3A] {strides = array<i32>} : memref<128xf32, #tpu.memory_space<vmem>>, vector<16xf32>,
      %swap3A_52 = vector.shape_cast %swap3A_51 : vector<16xf32> to vector<16xf32>
      %swap3A_53 = vector.shape_cast %broadcast_in_dim3A_50 : vector<16xf32> to vector<16xf32>
      tpu.vector_store %arg8[%swap3A], %swap3A_53 {strides = array<i32>} : memref<128xf32, #tpu.memory_space<vmem>>, vector<16xf32>,
      %broadcast_in_dim3A_54 = arith.constant 0.000000e+00 : f32
      %broadcast_in_dim3A_55 = vector.broadcast %broadcast_in_dim3A_54 : f32 to vector<16xf32>
      %swap3A_56 = arith.index_cast %add3A_49 : i32 to index
      %swap3A_57 = tpu.vector_load %arg9[%swap3A_56] {strides = array<i32>} : memref<128xf32, #tpu.memory_space<vmem>>, vector<16xf32>,
      %swap3A_58 = vector.shape_cast %swap3A_57 : vector<16xf32> to vector<16xf32>
      %swap3A_59 = vector.shape_cast %broadcast_in_dim3A_55 : vector<16xf32> to vector<16xf32>
      tpu.vector_store %arg9[%swap3A_56], %swap3A_59 {strides = array<i32>} : memref<128xf32, #tpu.memory_space<vmem>>, vector<16xf32>,
    }
    %scan3A_3 = arith.constant 8 : i32
    %scan3A_4 = arith.constant 0 : i32
    %scan3A_5 = arith.constant 5 : i32
    %scan3A_6 = arith.addi %scan3A_4, %scan3A_5 : i32
    %scan3A_7 = arith.constant 1 : i32
    scf.for %scan3A_46 = %scan3A_4 to %scan3A_6 step %scan3A_7  : i32 {
      %mul3A_47 = arith.constant 128 : i32
      %mul3A_48 = arith.muli %scan3A_46, %mul3A_47 : i32
      %add3A = arith.constant 0 : i32
      %add3A_49 = arith.addi %add3A, %mul3A_48 : i32
      %mul3A_50 = arith.constant 640 : i32
      %mul3A_51 = arith.muli %arg1, %mul3A_50 : i32
      %add3A_52 = arith.addi %mul3A_51, %add3A_49 : i32
      "tpu.region"() ({
        %run_scoped3A_53 = tpu.sem_alloc : memref<!tpu.dma_semaphore, #tpu.memory_space<semaphore_mem>>
        %dma_start3A = tpu.memref_slice %arg10[%add3A_52] : memref<10240xf32, #tpu.memory_space<vmem_shared>> -> memref<128xf32, #tpu.memory_space<vmem_shared>>
        %dma_start3A_54 = tpu.memref_slice %arg10[%add3A_52] : memref<10240xf32, #tpu.memory_space<vmem_shared>> -> memref<128xf32, #tpu.memory_space<vmem_shared>>
        tpu.enqueue_dma source(%arg9 : memref<128xf32, #tpu.memory_space<vmem>>) target(%dma_start3A_54 : memref<128xf32, #tpu.memory_space<vmem_shared>>) target_semaphore(%run_scoped3A_53 : memref<!tpu.dma_semaphore, #tpu.memory_space<semaphore_mem>>)
        %dma_wait3A_55 = tpu.memref_slice %arg10[%add3A_52] : memref<10240xf32, #tpu.memory_space<vmem_shared>> -> memref<128xf32, #tpu.memory_space<vmem_shared>>
        %dma_wait3A_56 = tpu.memref_slice %arg10[%add3A_52] : memref<10240xf32, #tpu.memory_space<vmem_shared>> -> memref<128xf32, #tpu.memory_space<vmem_shared>>
        tpu.wait_dma2 semaphore(%run_scoped3A_53 : memref<!tpu.dma_semaphore, #tpu.memory_space<semaphore_mem>>) src(%arg9 : memref<128xf32, #tpu.memory_space<vmem>>) dst(%dma_wait3A_56 : memref<128xf32, #tpu.memory_space<vmem_shared>>)
        tpu.yield
      }) : () -> ()
    }
    %scan3A_8 = arith.constant 5 : i32
    %eq3A = arith.constant 0 : i32
    %eq3A_9 = arith.cmpi eq, %arg1, %eq3A : i32
    %convert_element_type3A = arith.extui %eq3A_9 : i1 to i32
    %cond3A = arith.constant 0 : i32
    %cond3A_10 = arith.cmpi ne, %convert_element_type3A, %cond3A : i32
    scf.if %cond3A_10 {
      "tpu.region"() ({
        %run_scoped3A_46 = tpu.sem_alloc : memref<!tpu.dma_semaphore, #tpu.memory_space<semaphore_mem>>
        tpu.enqueue_dma source(%arg9 : memref<128xf32, #tpu.memory_space<vmem>>) target(%arg11 : memref<128xf32, #tpu.memory_space<vmem_shared>>) target_semaphore(%run_scoped3A_46 : memref<!tpu.dma_semaphore, #tpu.memory_space<semaphore_mem>>)
        tpu.wait_dma2 semaphore(%run_scoped3A_46 : memref<!tpu.dma_semaphore, #tpu.memory_space<semaphore_mem>>) src(%arg9 : memref<128xf32, #tpu.memory_space<vmem>>) dst(%arg11 : memref<128xf32, #tpu.memory_space<vmem_shared>>)
        tpu.yield
      }) : () -> ()
    } else {
    }
    %barrier3A = arith.constant 0 : index
    tpu.barrier barrier_id(%barrier3A)
    %scan3A_11 = arith.constant 0 : i32
    %scan3A_12 = arith.constant 81 : i32
    %scan3A_13 = arith.addi %scan3A_11, %scan3A_12 : i32
    %scan3A_14 = arith.constant 1 : i32
    scf.for %scan3A_46 = %scan3A_11 to %scan3A_13 step %scan3A_14  : i32 {
      %mul3A_47 = arith.constant 1 : i32
      %mul3A_48 = arith.muli %scan3A_46, %mul3A_47 : i32
      %add3A = arith.constant 0 : i32
      %add3A_49 = arith.addi %add3A, %mul3A_48 : i32
      %dma_start3A = arith.constant 0 : i32
      %dma_start3A_50 = tpu.memref_slice %arg6[%add3A_49, %dma_start3A] : memref<81x128xi32, #tpu.memory_space<vmem>> -> memref<1x128xi32, #tpu.memory_space<vmem>>
      %dma_start3A_51 = tpu.memref_squeeze %dma_start3A_50 : memref<1x128xi32, #tpu.memory_space<vmem>> -> memref<128xi32, #tpu.memory_space<vmem>>
      %dma_start3A_52 = arith.constant 0 : i32
      %dma_start3A_53 = tpu.memref_slice %arg10[%dma_start3A_52] : memref<10240xf32, #tpu.memory_space<vmem_shared>> -> memref<10240xf32, #tpu.memory_space<vmem_shared>>
      tpu.enqueue_indirect_dma source(%arg8 : memref<128xf32, #tpu.memory_space<vmem>>) target(%dma_start3A_53 : memref<10240xf32, #tpu.memory_space<vmem_shared>>) offsets(%dma_start3A_51 : memref<128xi32, #tpu.memory_space<vmem>>) semaphore(%arg12 : memref<!tpu.dma_semaphore, #tpu.memory_space<semaphore_mem>>) {add = true}
    }
    %scan3A_15 = arith.constant 81 : i32
    %scan3A_16 = arith.constant 0 : i32
    %scan3A_17 = arith.constant 5 : i32
    %scan3A_18 = arith.addi %scan3A_16, %scan3A_17 : i32
    %scan3A_19 = arith.constant 1 : i32
    scf.for %scan3A_46 = %scan3A_16 to %scan3A_18 step %scan3A_19  : i32 {
      %mul3A_47 = arith.constant 1 : i32
      %mul3A_48 = arith.muli %scan3A_46, %mul3A_47 : i32
      %add3A = arith.constant 0 : i32
      %add3A_49 = arith.addi %add3A, %mul3A_48 : i32
      %dma_start3A = arith.constant 0 : i32
      %dma_start3A_50 = tpu.memref_slice %arg8[%dma_start3A] : memref<128xf32, #tpu.memory_space<vmem>> -> memref<64xf32, #tpu.memory_space<vmem>>
      %dma_start3A_51 = arith.constant 0 : i32
      %dma_start3A_52 = tpu.memref_slice %arg7[%add3A_49, %dma_start3A_51] : memref<5x64xi32, #tpu.memory_space<vmem>> -> memref<1x64xi32, #tpu.memory_space<vmem>>
      %dma_start3A_53 = tpu.memref_squeeze %dma_start3A_52 : memref<1x64xi32, #tpu.memory_space<vmem>> -> memref<64xi32, #tpu.memory_space<vmem>>
      %dma_start3A_54 = arith.constant 0 : i32
      %dma_start3A_55 = tpu.memref_slice %arg11[%dma_start3A_54] : memref<128xf32, #tpu.memory_space<vmem_shared>> -> memref<128xf32, #tpu.memory_space<vmem_shared>>
      tpu.enqueue_indirect_dma source(%dma_start3A_50 : memref<64xf32, #tpu.memory_space<vmem>>) target(%dma_start3A_55 : memref<128xf32, #tpu.memory_space<vmem_shared>>) offsets(%dma_start3A_53 : memref<64xi32, #tpu.memory_space<vmem>>) semaphore(%arg12 : memref<!tpu.dma_semaphore, #tpu.memory_space<semaphore_mem>>) {add = true}
    }
    %scan3A_20 = arith.constant 5 : i32
    %dma_wait3A = arith.constant 1 : i32
    %dma_wait3A_21 = arith.constant 0 : i32
    %dma_wait3A_22 = arith.constant 0 : i32
    %dma_wait3A_23 = tpu.memref_slice %arg2[%dma_wait3A, %arg0, %arg1, %dma_wait3A_21, %dma_wait3A_22] : memref<2x2x16x81x128xi32, #tpu.memory_space<hbm>> -> memref<1x1x1x81x128xi32, #tpu.memory_space<hbm>>
    %dma_wait3A_24 = tpu.memref_squeeze %dma_wait3A_23 : memref<1x1x1x81x128xi32, #tpu.memory_space<hbm>> -> memref<81x128xi32, #tpu.memory_space<hbm>>
    %dma_wait3A_25 = arith.constant 0 : i32
    %dma_wait3A_26 = arith.constant 0 : i32
    %dma_wait3A_27 = tpu.memref_slice %arg2[%dma_wait3A, %arg0, %arg1, %dma_wait3A_25, %dma_wait3A_26] : memref<2x2x16x81x128xi32, #tpu.memory_space<hbm>> -> memref<1x1x1x81x128xi32, #tpu.memory_space<hbm>>
    %dma_wait3A_28 = tpu.memref_squeeze %dma_wait3A_27 : memref<1x1x1x81x128xi32, #tpu.memory_space<hbm>> -> memref<81x128xi32, #tpu.memory_space<hbm>>
    tpu.wait_dma2 semaphore(%arg12 : memref<!tpu.dma_semaphore, #tpu.memory_space<semaphore_mem>>) src(%dma_wait3A_28 : memref<81x128xi32, #tpu.memory_space<hbm>>) dst(%arg6 : memref<81x128xi32, #tpu.memory_space<vmem>>)
    %dma_wait3A_29 = arith.constant 0 : i32
    %dma_wait3A_30 = arith.constant 0 : i32
    %dma_wait3A_31 = tpu.memref_slice %arg3[%arg0, %arg1, %dma_wait3A_29, %dma_wait3A_30] : memref<2x16x5x64xi32, #tpu.memory_space<hbm>> -> memref<1x1x5x64xi32, #tpu.memory_space<hbm>>
    %dma_wait3A_32 = tpu.memref_squeeze %dma_wait3A_31 : memref<1x1x5x64xi32, #tpu.memory_space<hbm>> -> memref<5x64xi32, #tpu.memory_space<hbm>>
    %dma_wait3A_33 = arith.constant 0 : i32
    %dma_wait3A_34 = arith.constant 0 : i32
    %dma_wait3A_35 = tpu.memref_slice %arg3[%arg0, %arg1, %dma_wait3A_33, %dma_wait3A_34] : memref<2x16x5x64xi32, #tpu.memory_space<hbm>> -> memref<1x1x5x64xi32, #tpu.memory_space<hbm>>
    %dma_wait3A_36 = tpu.memref_squeeze %dma_wait3A_35 : memref<1x1x5x64xi32, #tpu.memory_space<hbm>> -> memref<5x64xi32, #tpu.memory_space<hbm>>
    tpu.wait_dma2 semaphore(%arg12 : memref<!tpu.dma_semaphore, #tpu.memory_space<semaphore_mem>>) src(%dma_wait3A_36 : memref<5x64xi32, #tpu.memory_space<hbm>>) dst(%arg7 : memref<5x64xi32, #tpu.memory_space<vmem>>)
    %barrier3A_37 = arith.constant 0 : index
    tpu.barrier barrier_id(%barrier3A_37)
    %mul3A = arith.constant 640 : i32
    %mul3A_38 = arith.muli %arg1, %mul3A : i32
    %mul3A_39 = arith.constant 640 : i32
    %mul3A_40 = arith.muli %arg1, %mul3A_39 : i32
    "tpu.region"() ({
      %run_scoped3A_46 = tpu.sem_alloc : memref<!tpu.dma_semaphore, #tpu.memory_space<semaphore_mem>>
      %dma_start3A = tpu.memref_slice %arg4[%arg0, %mul3A_40] : memref<2x10240xf32, #tpu.memory_space<hbm>> -> memref<1x640xf32, #tpu.memory_space<hbm>>
      %dma_start3A_47 = tpu.memref_squeeze %dma_start3A : memref<1x640xf32, #tpu.memory_space<hbm>> -> memref<640xf32, #tpu.memory_space<hbm>>
      %dma_start3A_48 = tpu.memref_slice %arg10[%mul3A_38] : memref<10240xf32, #tpu.memory_space<vmem_shared>> -> memref<640xf32, #tpu.memory_space<vmem_shared>>
      tpu.enqueue_dma source(%dma_start3A_48 : memref<640xf32, #tpu.memory_space<vmem_shared>>) target(%dma_start3A_47 : memref<640xf32, #tpu.memory_space<hbm>>) target_semaphore(%run_scoped3A_46 : memref<!tpu.dma_semaphore, #tpu.memory_space<semaphore_mem>>)
      %dma_wait3A_49 = tpu.memref_slice %arg4[%arg0, %mul3A_40] : memref<2x10240xf32, #tpu.memory_space<hbm>> -> memref<1x640xf32, #tpu.memory_space<hbm>>
      %dma_wait3A_50 = tpu.memref_squeeze %dma_wait3A_49 : memref<1x640xf32, #tpu.memory_space<hbm>> -> memref<640xf32, #tpu.memory_space<hbm>>
      %dma_wait3A_51 = tpu.memref_slice %arg10[%mul3A_38] : memref<10240xf32, #tpu.memory_space<vmem_shared>> -> memref<640xf32, #tpu.memory_space<vmem_shared>>
      tpu.wait_dma2 semaphore(%run_scoped3A_46 : memref<!tpu.dma_semaphore, #tpu.memory_space<semaphore_mem>>) src(%dma_wait3A_51 : memref<640xf32, #tpu.memory_space<vmem_shared>>) dst(%dma_wait3A_50 : memref<640xf32, #tpu.memory_space<hbm>>)
      tpu.yield
    }) : () -> ()
    %eq3A_41 = arith.constant 0 : i32
    %eq3A_42 = arith.cmpi eq, %arg1, %eq3A_41 : i32
    %convert_element_type3A_43 = arith.extui %eq3A_42 : i1 to i32
    %cond3A_44 = arith.constant 0 : i32
    %cond3A_45 = arith.cmpi ne, %convert_element_type3A_43, %cond3A_44 : i32
    scf.if %cond3A_45 {
      "tpu.region"() ({
        %run_scoped3A_46 = tpu.sem_alloc : memref<!tpu.dma_semaphore, #tpu.memory_space<semaphore_mem>>
        %dma_start3A = arith.constant 0 : i32
        %dma_start3A_47 = tpu.memref_slice %arg5[%arg0, %dma_start3A] : memref<2x128xf32, #tpu.memory_space<hbm>> -> memref<1x128xf32, #tpu.memory_space<hbm>>
        %dma_start3A_48 = tpu.memref_squeeze %dma_start3A_47 : memref<1x128xf32, #tpu.memory_space<hbm>> -> memref<128xf32, #tpu.memory_space<hbm>>
        tpu.enqueue_dma source(%arg11 : memref<128xf32, #tpu.memory_space<vmem_shared>>) target(%dma_start3A_48 : memref<128xf32, #tpu.memory_space<hbm>>) target_semaphore(%run_scoped3A_46 : memref<!tpu.dma_semaphore, #tpu.memory_space<semaphore_mem>>)
        %dma_wait3A_49 = arith.constant 0 : i32
        %dma_wait3A_50 = tpu.memref_slice %arg5[%arg0, %dma_wait3A_49] : memref<2x128xf32, #tpu.memory_space<hbm>> -> memref<1x128xf32, #tpu.memory_space<hbm>>
        %dma_wait3A_51 = tpu.memref_squeeze %dma_wait3A_50 : memref<1x128xf32, #tpu.memory_space<hbm>> -> memref<128xf32, #tpu.memory_space<hbm>>
        tpu.wait_dma2 semaphore(%run_scoped3A_46 : memref<!tpu.dma_semaphore, #tpu.memory_space<semaphore_mem>>) src(%arg11 : memref<128xf32, #tpu.memory_space<vmem_shared>>) dst(%dma_wait3A_51 : memref<128xf32, #tpu.memory_space<hbm>>)
        tpu.yield
      }) : () -> ()
    } else {
    }
    return
  }
}

#map = affine_map<(d0, d1) -> (0, 0)>
#map1 = affine_map<(d0, d1) -> (0, 0, 0, 0, 0)>
#map2 = affine_map<(d0, d1) -> (0, 0, 0)>
module attributes {stable_mosaic.version = 14 : i64} {
  func.func @k(%arg0: i32, %arg1: i32, %arg2: memref<10240x64xbf16, #tpu.memory_space<hbm>>, %arg3: memref<2x2x16x81x128xi32, #tpu.memory_space<hbm>>, %arg4: memref<2x10240x64xbf16, #tpu.memory_space<hbm>>, %arg5: memref<81x128xi32, #tpu.memory_space<vmem>>, %arg6: memref<81x128xi32, #tpu.memory_space<vmem>>, %arg7: memref<2x128x64xbf16, #tpu.memory_space<vmem>>, %arg8: memref<10240x64xbf16, #tpu.memory_space<vmem_shared>>, %arg9: memref<10240x64xbf16, #tpu.memory_space<vmem_shared>>, %arg10: memref<!tpu.dma_semaphore, #tpu.memory_space<semaphore_mem>>, %arg11: memref<!tpu.dma_semaphore, #tpu.memory_space<semaphore_mem>>) attributes {dimension_semantics = [#tpu.dimension_semantics<core_parallel>, #tpu.dimension_semantics<subcore_parallel>], iteration_bounds = array<i64: 2, 16>, scalar_prefetch = 0 : i64, scratch_operands = 7 : i64, tpu.core_type = #tpu.core_type<sc_vector_subcore>, window_params = [{transform_indices = #map}, {transform_indices = #map1}, {transform_indices = #map2}]} {
    %run_scoped3A = arith.constant 0 : i32
    "tpu.region"() ({
      %run_scoped3A_47 = tpu.sem_alloc : memref<!tpu.dma_semaphore, #tpu.memory_space<semaphore_mem>>
      %dma_start3A_48 = arith.constant 0 : i32
      %dma_start3A_49 = arith.constant 0 : i32
      %dma_start3A_50 = tpu.memref_slice %arg3[%run_scoped3A, %arg0, %arg1, %dma_start3A_48, %dma_start3A_49] : memref<2x2x16x81x128xi32, #tpu.memory_space<hbm>> -> memref<1x1x1x81x128xi32, #tpu.memory_space<hbm>>
      %dma_start3A_51 = tpu.memref_squeeze %dma_start3A_50 : memref<1x1x1x81x128xi32, #tpu.memory_space<hbm>> -> memref<81x128xi32, #tpu.memory_space<hbm>>
      %dma_start3A_52 = arith.constant 0 : i32
      %dma_start3A_53 = arith.constant 0 : i32
      %dma_start3A_54 = tpu.memref_slice %arg3[%run_scoped3A, %arg0, %arg1, %dma_start3A_52, %dma_start3A_53] : memref<2x2x16x81x128xi32, #tpu.memory_space<hbm>> -> memref<1x1x1x81x128xi32, #tpu.memory_space<hbm>>
      %dma_start3A_55 = tpu.memref_squeeze %dma_start3A_54 : memref<1x1x1x81x128xi32, #tpu.memory_space<hbm>> -> memref<81x128xi32, #tpu.memory_space<hbm>>
      tpu.enqueue_dma source(%dma_start3A_55 : memref<81x128xi32, #tpu.memory_space<hbm>>) target(%arg5 : memref<81x128xi32, #tpu.memory_space<vmem>>) target_semaphore(%run_scoped3A_47 : memref<!tpu.dma_semaphore, #tpu.memory_space<semaphore_mem>>)
      %dma_wait3A_56 = arith.constant 0 : i32
      %dma_wait3A_57 = arith.constant 0 : i32
      %dma_wait3A_58 = tpu.memref_slice %arg3[%run_scoped3A, %arg0, %arg1, %dma_wait3A_56, %dma_wait3A_57] : memref<2x2x16x81x128xi32, #tpu.memory_space<hbm>> -> memref<1x1x1x81x128xi32, #tpu.memory_space<hbm>>
      %dma_wait3A_59 = tpu.memref_squeeze %dma_wait3A_58 : memref<1x1x1x81x128xi32, #tpu.memory_space<hbm>> -> memref<81x128xi32, #tpu.memory_space<hbm>>
      %dma_wait3A_60 = arith.constant 0 : i32
      %dma_wait3A_61 = arith.constant 0 : i32
      %dma_wait3A_62 = tpu.memref_slice %arg3[%run_scoped3A, %arg0, %arg1, %dma_wait3A_60, %dma_wait3A_61] : memref<2x2x16x81x128xi32, #tpu.memory_space<hbm>> -> memref<1x1x1x81x128xi32, #tpu.memory_space<hbm>>
      %dma_wait3A_63 = tpu.memref_squeeze %dma_wait3A_62 : memref<1x1x1x81x128xi32, #tpu.memory_space<hbm>> -> memref<81x128xi32, #tpu.memory_space<hbm>>
      tpu.wait_dma2 semaphore(%run_scoped3A_47 : memref<!tpu.dma_semaphore, #tpu.memory_space<semaphore_mem>>) src(%dma_wait3A_63 : memref<81x128xi32, #tpu.memory_space<hbm>>) dst(%arg5 : memref<81x128xi32, #tpu.memory_space<vmem>>)
      tpu.yield
    }) : () -> ()
    %run_scoped3A_0 = arith.constant 1 : i32
    "tpu.region"() ({
      %run_scoped3A_47 = tpu.sem_alloc : memref<!tpu.dma_semaphore, #tpu.memory_space<semaphore_mem>>
      %dma_start3A_48 = arith.constant 0 : i32
      %dma_start3A_49 = arith.constant 0 : i32
      %dma_start3A_50 = tpu.memref_slice %arg3[%run_scoped3A_0, %arg0, %arg1, %dma_start3A_48, %dma_start3A_49] : memref<2x2x16x81x128xi32, #tpu.memory_space<hbm>> -> memref<1x1x1x81x128xi32, #tpu.memory_space<hbm>>
      %dma_start3A_51 = tpu.memref_squeeze %dma_start3A_50 : memref<1x1x1x81x128xi32, #tpu.memory_space<hbm>> -> memref<81x128xi32, #tpu.memory_space<hbm>>
      %dma_start3A_52 = arith.constant 0 : i32
      %dma_start3A_53 = arith.constant 0 : i32
      %dma_start3A_54 = tpu.memref_slice %arg3[%run_scoped3A_0, %arg0, %arg1, %dma_start3A_52, %dma_start3A_53] : memref<2x2x16x81x128xi32, #tpu.memory_space<hbm>> -> memref<1x1x1x81x128xi32, #tpu.memory_space<hbm>>
      %dma_start3A_55 = tpu.memref_squeeze %dma_start3A_54 : memref<1x1x1x81x128xi32, #tpu.memory_space<hbm>> -> memref<81x128xi32, #tpu.memory_space<hbm>>
      tpu.enqueue_dma source(%dma_start3A_55 : memref<81x128xi32, #tpu.memory_space<hbm>>) target(%arg6 : memref<81x128xi32, #tpu.memory_space<vmem>>) target_semaphore(%run_scoped3A_47 : memref<!tpu.dma_semaphore, #tpu.memory_space<semaphore_mem>>)
      %dma_wait3A_56 = arith.constant 0 : i32
      %dma_wait3A_57 = arith.constant 0 : i32
      %dma_wait3A_58 = tpu.memref_slice %arg3[%run_scoped3A_0, %arg0, %arg1, %dma_wait3A_56, %dma_wait3A_57] : memref<2x2x16x81x128xi32, #tpu.memory_space<hbm>> -> memref<1x1x1x81x128xi32, #tpu.memory_space<hbm>>
      %dma_wait3A_59 = tpu.memref_squeeze %dma_wait3A_58 : memref<1x1x1x81x128xi32, #tpu.memory_space<hbm>> -> memref<81x128xi32, #tpu.memory_space<hbm>>
      %dma_wait3A_60 = arith.constant 0 : i32
      %dma_wait3A_61 = arith.constant 0 : i32
      %dma_wait3A_62 = tpu.memref_slice %arg3[%run_scoped3A_0, %arg0, %arg1, %dma_wait3A_60, %dma_wait3A_61] : memref<2x2x16x81x128xi32, #tpu.memory_space<hbm>> -> memref<1x1x1x81x128xi32, #tpu.memory_space<hbm>>
      %dma_wait3A_63 = tpu.memref_squeeze %dma_wait3A_62 : memref<1x1x1x81x128xi32, #tpu.memory_space<hbm>> -> memref<81x128xi32, #tpu.memory_space<hbm>>
      tpu.wait_dma2 semaphore(%run_scoped3A_47 : memref<!tpu.dma_semaphore, #tpu.memory_space<semaphore_mem>>) src(%dma_wait3A_63 : memref<81x128xi32, #tpu.memory_space<hbm>>) dst(%arg6 : memref<81x128xi32, #tpu.memory_space<vmem>>)
      tpu.yield
    }) : () -> ()
    %mul3A = arith.constant 640 : i32
    %mul3A_1 = arith.muli %arg1, %mul3A : i32
    %mul3A_2 = arith.constant 640 : i32
    %mul3A_3 = arith.muli %arg1, %mul3A_2 : i32
    "tpu.region"() ({
      %run_scoped3A_47 = tpu.sem_alloc : memref<!tpu.dma_semaphore, #tpu.memory_space<semaphore_mem>>
      %dma_start3A_48 = arith.constant 0 : i32
      %dma_start3A_49 = tpu.memref_slice %arg8[%mul3A_3, %dma_start3A_48] : memref<10240x64xbf16, #tpu.memory_space<vmem_shared>> -> memref<640x64xbf16, #tpu.memory_space<vmem_shared>>
      %dma_start3A_50 = arith.constant 0 : i32
      %dma_start3A_51 = tpu.memref_slice %arg2[%mul3A_1, %dma_start3A_50] : memref<10240x64xbf16, #tpu.memory_space<hbm>> -> memref<640x64xbf16, #tpu.memory_space<hbm>>
      tpu.enqueue_dma source(%dma_start3A_51 : memref<640x64xbf16, #tpu.memory_space<hbm>>) target(%dma_start3A_49 : memref<640x64xbf16, #tpu.memory_space<vmem_shared>>) target_semaphore(%run_scoped3A_47 : memref<!tpu.dma_semaphore, #tpu.memory_space<semaphore_mem>>)
      %dma_wait3A_52 = arith.constant 0 : i32
      %dma_wait3A_53 = tpu.memref_slice %arg8[%mul3A_3, %dma_wait3A_52] : memref<10240x64xbf16, #tpu.memory_space<vmem_shared>> -> memref<640x64xbf16, #tpu.memory_space<vmem_shared>>
      %dma_wait3A_54 = arith.constant 0 : i32
      %dma_wait3A_55 = tpu.memref_slice %arg2[%mul3A_1, %dma_wait3A_54] : memref<10240x64xbf16, #tpu.memory_space<hbm>> -> memref<640x64xbf16, #tpu.memory_space<hbm>>
      tpu.wait_dma2 semaphore(%run_scoped3A_47 : memref<!tpu.dma_semaphore, #tpu.memory_space<semaphore_mem>>) src(%dma_wait3A_55 : memref<640x64xbf16, #tpu.memory_space<hbm>>) dst(%dma_wait3A_53 : memref<640x64xbf16, #tpu.memory_space<vmem_shared>>)
      tpu.yield
    }) : () -> ()
    %scan3A = arith.constant 0 : i32
    %scan3A_4 = arith.constant 128 : i32
    %scan3A_5 = arith.addi %scan3A, %scan3A_4 : i32
    %scan3A_6 = arith.constant 1 : i32
    scf.for %scan3A_47 = %scan3A to %scan3A_5 step %scan3A_6  : i32 {
      %mul3A_48 = arith.constant 1 : i32
      %mul3A_49 = arith.muli %scan3A_47, %mul3A_48 : i32
      %add3A = arith.constant 0 : i32
      %add3A_50 = arith.addi %add3A, %mul3A_49 : i32
      %broadcast_in_dim3A = arith.constant 0.000000e+00 : bf16
      %broadcast_in_dim3A_51 = vector.broadcast %broadcast_in_dim3A : bf16 to vector<32xbf16>
      %swap3A = arith.constant 0 : i32
      %swap3A_52 = arith.index_cast %swap3A : i32 to index
      %swap3A_53 = arith.index_cast %add3A_50 : i32 to index
      %swap3A_54 = arith.constant 0 : index
      %swap3A_55 = tpu.vector_load %arg7[%swap3A_52, %swap3A_53, %swap3A_54] {strides = array<i32>} : memref<2x128x64xbf16, #tpu.memory_space<vmem>>, vector<1x1x32xbf16>,
      %swap3A_56 = vector.shape_cast %swap3A_55 : vector<1x1x32xbf16> to vector<32xbf16>
      %swap3A_57 = vector.shape_cast %broadcast_in_dim3A_51 : vector<32xbf16> to vector<1x1x32xbf16>
      tpu.vector_store %arg7[%swap3A_52, %swap3A_53, %swap3A_54], %swap3A_57 {strides = array<i32>} : memref<2x128x64xbf16, #tpu.memory_space<vmem>>, vector<1x1x32xbf16>,
      %broadcast_in_dim3A_58 = arith.constant 0.000000e+00 : bf16
      %broadcast_in_dim3A_59 = vector.broadcast %broadcast_in_dim3A_58 : bf16 to vector<32xbf16>
      %swap3A_60 = arith.constant 0 : i32
      %swap3A_61 = arith.index_cast %swap3A_60 : i32 to index
      %swap3A_62 = arith.index_cast %add3A_50 : i32 to index
      %swap3A_63 = arith.constant 32 : index
      %swap3A_64 = tpu.vector_load %arg7[%swap3A_61, %swap3A_62, %swap3A_63] {strides = array<i32>} : memref<2x128x64xbf16, #tpu.memory_space<vmem>>, vector<1x1x32xbf16>,
      %swap3A_65 = vector.shape_cast %swap3A_64 : vector<1x1x32xbf16> to vector<32xbf16>
      %swap3A_66 = vector.shape_cast %broadcast_in_dim3A_59 : vector<32xbf16> to vector<1x1x32xbf16>
      tpu.vector_store %arg7[%swap3A_61, %swap3A_62, %swap3A_63], %swap3A_66 {strides = array<i32>} : memref<2x128x64xbf16, #tpu.memory_space<vmem>>, vector<1x1x32xbf16>,
    }
    %scan3A_7 = arith.constant 128 : i32
    %scan3A_8 = arith.constant 0 : i32
    %scan3A_9 = arith.constant 5 : i32
    %scan3A_10 = arith.addi %scan3A_8, %scan3A_9 : i32
    %scan3A_11 = arith.constant 1 : i32
    scf.for %scan3A_47 = %scan3A_8 to %scan3A_10 step %scan3A_11  : i32 {
      %mul3A_48 = arith.constant 128 : i32
      %mul3A_49 = arith.muli %scan3A_47, %mul3A_48 : i32
      %add3A = arith.constant 0 : i32
      %add3A_50 = arith.addi %add3A, %mul3A_49 : i32
      %mul3A_51 = arith.constant 640 : i32
      %mul3A_52 = arith.muli %arg1, %mul3A_51 : i32
      %add3A_53 = arith.addi %mul3A_52, %add3A_50 : i32
      %run_scoped3A_54 = arith.constant 0 : i32
      "tpu.region"() ({
        %run_scoped3A_55 = tpu.sem_alloc : memref<!tpu.dma_semaphore, #tpu.memory_space<semaphore_mem>>
        %dma_start3A_56 = arith.constant 0 : i32
        %dma_start3A_57 = arith.constant 0 : i32
        %dma_start3A_58 = tpu.memref_slice %arg7[%run_scoped3A_54, %dma_start3A_56, %dma_start3A_57] : memref<2x128x64xbf16, #tpu.memory_space<vmem>> -> memref<1x128x64xbf16, #tpu.memory_space<vmem>>
        %dma_start3A_59 = tpu.memref_squeeze %dma_start3A_58 : memref<1x128x64xbf16, #tpu.memory_space<vmem>> -> memref<128x64xbf16, #tpu.memory_space<vmem>>
        %dma_start3A_60 = arith.constant 0 : i32
        %dma_start3A_61 = tpu.memref_slice %arg9[%add3A_53, %dma_start3A_60] : memref<10240x64xbf16, #tpu.memory_space<vmem_shared>> -> memref<128x64xbf16, #tpu.memory_space<vmem_shared>>
        %dma_start3A_62 = arith.constant 0 : i32
        %dma_start3A_63 = tpu.memref_slice %arg9[%add3A_53, %dma_start3A_62] : memref<10240x64xbf16, #tpu.memory_space<vmem_shared>> -> memref<128x64xbf16, #tpu.memory_space<vmem_shared>>
        %dma_start3A_64 = arith.constant 0 : i32
        %dma_start3A_65 = arith.constant 0 : i32
        %dma_start3A_66 = tpu.memref_slice %arg7[%run_scoped3A_54, %dma_start3A_64, %dma_start3A_65] : memref<2x128x64xbf16, #tpu.memory_space<vmem>> -> memref<1x128x64xbf16, #tpu.memory_space<vmem>>
        %dma_start3A_67 = tpu.memref_squeeze %dma_start3A_66 : memref<1x128x64xbf16, #tpu.memory_space<vmem>> -> memref<128x64xbf16, #tpu.memory_space<vmem>>
        tpu.enqueue_dma source(%dma_start3A_67 : memref<128x64xbf16, #tpu.memory_space<vmem>>) target(%dma_start3A_63 : memref<128x64xbf16, #tpu.memory_space<vmem_shared>>) target_semaphore(%run_scoped3A_55 : memref<!tpu.dma_semaphore, #tpu.memory_space<semaphore_mem>>)
        %dma_wait3A_68 = arith.constant 0 : i32
        %dma_wait3A_69 = arith.constant 0 : i32
        %dma_wait3A_70 = tpu.memref_slice %arg7[%run_scoped3A_54, %dma_wait3A_68, %dma_wait3A_69] : memref<2x128x64xbf16, #tpu.memory_space<vmem>> -> memref<1x128x64xbf16, #tpu.memory_space<vmem>>
        %dma_wait3A_71 = tpu.memref_squeeze %dma_wait3A_70 : memref<1x128x64xbf16, #tpu.memory_space<vmem>> -> memref<128x64xbf16, #tpu.memory_space<vmem>>
        %dma_wait3A_72 = arith.constant 0 : i32
        %dma_wait3A_73 = tpu.memref_slice %arg9[%add3A_53, %dma_wait3A_72] : memref<10240x64xbf16, #tpu.memory_space<vmem_shared>> -> memref<128x64xbf16, #tpu.memory_space<vmem_shared>>
        %dma_wait3A_74 = arith.constant 0 : i32
        %dma_wait3A_75 = tpu.memref_slice %arg9[%add3A_53, %dma_wait3A_74] : memref<10240x64xbf16, #tpu.memory_space<vmem_shared>> -> memref<128x64xbf16, #tpu.memory_space<vmem_shared>>
        %dma_wait3A_76 = arith.constant 0 : i32
        %dma_wait3A_77 = arith.constant 0 : i32
        %dma_wait3A_78 = tpu.memref_slice %arg7[%run_scoped3A_54, %dma_wait3A_76, %dma_wait3A_77] : memref<2x128x64xbf16, #tpu.memory_space<vmem>> -> memref<1x128x64xbf16, #tpu.memory_space<vmem>>
        %dma_wait3A_79 = tpu.memref_squeeze %dma_wait3A_78 : memref<1x128x64xbf16, #tpu.memory_space<vmem>> -> memref<128x64xbf16, #tpu.memory_space<vmem>>
        tpu.wait_dma2 semaphore(%run_scoped3A_55 : memref<!tpu.dma_semaphore, #tpu.memory_space<semaphore_mem>>) src(%dma_wait3A_79 : memref<128x64xbf16, #tpu.memory_space<vmem>>) dst(%dma_wait3A_75 : memref<128x64xbf16, #tpu.memory_space<vmem_shared>>)
        tpu.yield
      }) : () -> ()
    }
    %scan3A_12 = arith.constant 5 : i32
    %barrier3A = arith.constant 0 : index
    tpu.barrier barrier_id(%barrier3A)
    %dma_start3A = arith.constant 0 : i32
    %dma_start3A_13 = arith.constant 0 : i32
    %dma_start3A_14 = arith.constant 0 : i32
    %dma_start3A_15 = arith.constant 0 : i32
    %dma_start3A_16 = tpu.memref_slice %arg7[%dma_start3A_13, %dma_start3A_14, %dma_start3A_15] : memref<2x128x64xbf16, #tpu.memory_space<vmem>> -> memref<1x128x64xbf16, #tpu.memory_space<vmem>>
    %dma_start3A_17 = tpu.memref_squeeze %dma_start3A_16 : memref<1x128x64xbf16, #tpu.memory_space<vmem>> -> memref<128x64xbf16, #tpu.memory_space<vmem>>
    %dma_start3A_18 = arith.constant 0 : i32
    %dma_start3A_19 = tpu.memref_slice %arg5[%dma_start3A, %dma_start3A_18] : memref<81x128xi32, #tpu.memory_space<vmem>> -> memref<1x128xi32, #tpu.memory_space<vmem>>
    %dma_start3A_20 = tpu.memref_squeeze %dma_start3A_19 : memref<1x128xi32, #tpu.memory_space<vmem>> -> memref<128xi32, #tpu.memory_space<vmem>>
    %dma_start3A_21 = arith.constant 0 : i32
    %dma_start3A_22 = arith.constant 0 : i32
    %dma_start3A_23 = tpu.memref_slice %arg8[%dma_start3A_21, %dma_start3A_22] : memref<10240x64xbf16, #tpu.memory_space<vmem_shared>> -> memref<10240x64xbf16, #tpu.memory_space<vmem_shared>>
    tpu.enqueue_indirect_dma source(%dma_start3A_23 : memref<10240x64xbf16, #tpu.memory_space<vmem_shared>>) target(%dma_start3A_17 : memref<128x64xbf16, #tpu.memory_space<vmem>>) offsets(%dma_start3A_20 : memref<128xi32, #tpu.memory_space<vmem>>) semaphore(%arg10 : memref<!tpu.dma_semaphore, #tpu.memory_space<semaphore_mem>>)
    %scan3A_24 = arith.constant 0 : i32
    %scan3A_25 = arith.constant 40 : i32
    %scan3A_26 = arith.addi %scan3A_24, %scan3A_25 : i32
    %scan3A_27 = arith.constant 1 : i32
    scf.for %scan3A_47 = %scan3A_24 to %scan3A_26 step %scan3A_27  : i32 {
      %mul3A_48 = arith.constant 1 : i32
      %mul3A_49 = arith.muli %scan3A_47, %mul3A_48 : i32
      %add3A = arith.constant 0 : i32
      %add3A_50 = arith.addi %add3A, %mul3A_49 : i32
      %mul3A_51 = arith.constant 2 : i32
      %mul3A_52 = arith.muli %add3A_50, %mul3A_51 : i32
      %add3A_53 = arith.constant 1 : i32
      %add3A_54 = arith.addi %mul3A_52, %add3A_53 : i32
      %dma_start3A_55 = arith.constant 1 : i32
      %dma_start3A_56 = arith.constant 0 : i32
      %dma_start3A_57 = arith.constant 0 : i32
      %dma_start3A_58 = tpu.memref_slice %arg7[%dma_start3A_55, %dma_start3A_56, %dma_start3A_57] : memref<2x128x64xbf16, #tpu.memory_space<vmem>> -> memref<1x128x64xbf16, #tpu.memory_space<vmem>>
      %dma_start3A_59 = tpu.memref_squeeze %dma_start3A_58 : memref<1x128x64xbf16, #tpu.memory_space<vmem>> -> memref<128x64xbf16, #tpu.memory_space<vmem>>
      %dma_start3A_60 = arith.constant 0 : i32
      %dma_start3A_61 = tpu.memref_slice %arg5[%add3A_54, %dma_start3A_60] : memref<81x128xi32, #tpu.memory_space<vmem>> -> memref<1x128xi32, #tpu.memory_space<vmem>>
      %dma_start3A_62 = tpu.memref_squeeze %dma_start3A_61 : memref<1x128xi32, #tpu.memory_space<vmem>> -> memref<128xi32, #tpu.memory_space<vmem>>
      %dma_start3A_63 = arith.constant 0 : i32
      %dma_start3A_64 = arith.constant 0 : i32
      %dma_start3A_65 = tpu.memref_slice %arg8[%dma_start3A_63, %dma_start3A_64] : memref<10240x64xbf16, #tpu.memory_space<vmem_shared>> -> memref<10240x64xbf16, #tpu.memory_space<vmem_shared>>
      tpu.enqueue_indirect_dma source(%dma_start3A_65 : memref<10240x64xbf16, #tpu.memory_space<vmem_shared>>) target(%dma_start3A_59 : memref<128x64xbf16, #tpu.memory_space<vmem>>) offsets(%dma_start3A_62 : memref<128xi32, #tpu.memory_space<vmem>>) semaphore(%arg11 : memref<!tpu.dma_semaphore, #tpu.memory_space<semaphore_mem>>)
      %dma_wait3A_66 = arith.constant 0 : i32
      %dma_wait3A_67 = arith.constant 0 : i32
      %dma_wait3A_68 = arith.constant 0 : i32
      %dma_wait3A_69 = tpu.memref_slice %arg7[%dma_wait3A_66, %dma_wait3A_67, %dma_wait3A_68] : memref<2x128x64xbf16, #tpu.memory_space<vmem>> -> memref<1x128x64xbf16, #tpu.memory_space<vmem>>
      %dma_wait3A_70 = tpu.memref_squeeze %dma_wait3A_69 : memref<1x128x64xbf16, #tpu.memory_space<vmem>> -> memref<128x64xbf16, #tpu.memory_space<vmem>>
      %dma_wait3A_71 = arith.constant 0 : i32
      %dma_wait3A_72 = tpu.memref_slice %arg5[%mul3A_52, %dma_wait3A_71] : memref<81x128xi32, #tpu.memory_space<vmem>> -> memref<1x128xi32, #tpu.memory_space<vmem>>
      %dma_wait3A_73 = tpu.memref_squeeze %dma_wait3A_72 : memref<1x128xi32, #tpu.memory_space<vmem>> -> memref<128xi32, #tpu.memory_space<vmem>>
      %dma_wait3A_74 = arith.constant 0 : i32
      %dma_wait3A_75 = arith.constant 0 : i32
      %dma_wait3A_76 = tpu.memref_slice %arg8[%dma_wait3A_74, %dma_wait3A_75] : memref<10240x64xbf16, #tpu.memory_space<vmem_shared>> -> memref<10240x64xbf16, #tpu.memory_space<vmem_shared>>
      tpu.wait_indirect_dma semaphore(%arg10 : memref<!tpu.dma_semaphore, #tpu.memory_space<semaphore_mem>>) src(%dma_wait3A_76 : memref<10240x64xbf16, #tpu.memory_space<vmem_shared>>) dst(%dma_wait3A_70 : memref<128x64xbf16, #tpu.memory_space<vmem>>)
      %run_scoped3A_77 = arith.constant 0 : i32
      "tpu.region"() ({
        %run_scoped3A_103 = tpu.sem_alloc : memref<!tpu.dma_semaphore, #tpu.memory_space<semaphore_mem>>
        %dma_start3A_104 = arith.constant 0 : i32
        %dma_start3A_105 = arith.constant 0 : i32
        %dma_start3A_106 = tpu.memref_slice %arg7[%run_scoped3A_77, %dma_start3A_104, %dma_start3A_105] : memref<2x128x64xbf16, #tpu.memory_space<vmem>> -> memref<1x128x64xbf16, #tpu.memory_space<vmem>>
        %dma_start3A_107 = tpu.memref_squeeze %dma_start3A_106 : memref<1x128x64xbf16, #tpu.memory_space<vmem>> -> memref<128x64xbf16, #tpu.memory_space<vmem>>
        %dma_start3A_108 = arith.constant 0 : i32
        %dma_start3A_109 = tpu.memref_slice %arg6[%mul3A_52, %dma_start3A_108] : memref<81x128xi32, #tpu.memory_space<vmem>> -> memref<1x128xi32, #tpu.memory_space<vmem>>
        %dma_start3A_110 = tpu.memref_squeeze %dma_start3A_109 : memref<1x128xi32, #tpu.memory_space<vmem>> -> memref<128xi32, #tpu.memory_space<vmem>>
        %dma_start3A_111 = arith.constant 0 : i32
        %dma_start3A_112 = arith.constant 0 : i32
        %dma_start3A_113 = tpu.memref_slice %arg9[%dma_start3A_111, %dma_start3A_112] : memref<10240x64xbf16, #tpu.memory_space<vmem_shared>> -> memref<10240x64xbf16, #tpu.memory_space<vmem_shared>>
        tpu.enqueue_indirect_dma source(%dma_start3A_107 : memref<128x64xbf16, #tpu.memory_space<vmem>>) target(%dma_start3A_113 : memref<10240x64xbf16, #tpu.memory_space<vmem_shared>>) offsets(%dma_start3A_110 : memref<128xi32, #tpu.memory_space<vmem>>) semaphore(%run_scoped3A_103 : memref<!tpu.dma_semaphore, #tpu.memory_space<semaphore_mem>>) {add = true}
        %dma_wait3A_114 = arith.constant 0 : i32
        %dma_wait3A_115 = arith.constant 0 : i32
        %dma_wait3A_116 = tpu.memref_slice %arg7[%run_scoped3A_77, %dma_wait3A_114, %dma_wait3A_115] : memref<2x128x64xbf16, #tpu.memory_space<vmem>> -> memref<1x128x64xbf16, #tpu.memory_space<vmem>>
        %dma_wait3A_117 = tpu.memref_squeeze %dma_wait3A_116 : memref<1x128x64xbf16, #tpu.memory_space<vmem>> -> memref<128x64xbf16, #tpu.memory_space<vmem>>
        %dma_wait3A_118 = arith.constant 0 : i32
        %dma_wait3A_119 = tpu.memref_slice %arg6[%mul3A_52, %dma_wait3A_118] : memref<81x128xi32, #tpu.memory_space<vmem>> -> memref<1x128xi32, #tpu.memory_space<vmem>>
        %dma_wait3A_120 = tpu.memref_squeeze %dma_wait3A_119 : memref<1x128xi32, #tpu.memory_space<vmem>> -> memref<128xi32, #tpu.memory_space<vmem>>
        %dma_wait3A_121 = arith.constant 0 : i32
        %dma_wait3A_122 = arith.constant 0 : i32
        %dma_wait3A_123 = tpu.memref_slice %arg9[%dma_wait3A_121, %dma_wait3A_122] : memref<10240x64xbf16, #tpu.memory_space<vmem_shared>> -> memref<10240x64xbf16, #tpu.memory_space<vmem_shared>>
        tpu.wait_indirect_dma semaphore(%run_scoped3A_103 : memref<!tpu.dma_semaphore, #tpu.memory_space<semaphore_mem>>) src(%dma_wait3A_117 : memref<128x64xbf16, #tpu.memory_space<vmem>>) dst(%dma_wait3A_123 : memref<10240x64xbf16, #tpu.memory_space<vmem_shared>>)
        tpu.yield
      }) : () -> ()
      %add3A_78 = arith.constant 2 : i32
      %add3A_79 = arith.addi %mul3A_52, %add3A_78 : i32
      %dma_start3A_80 = arith.constant 0 : i32
      %dma_start3A_81 = arith.constant 0 : i32
      %dma_start3A_82 = arith.constant 0 : i32
      %dma_start3A_83 = tpu.memref_slice %arg7[%dma_start3A_80, %dma_start3A_81, %dma_start3A_82] : memref<2x128x64xbf16, #tpu.memory_space<vmem>> -> memref<1x128x64xbf16, #tpu.memory_space<vmem>>
      %dma_start3A_84 = tpu.memref_squeeze %dma_start3A_83 : memref<1x128x64xbf16, #tpu.memory_space<vmem>> -> memref<128x64xbf16, #tpu.memory_space<vmem>>
      %dma_start3A_85 = arith.constant 0 : i32
      %dma_start3A_86 = tpu.memref_slice %arg5[%add3A_79, %dma_start3A_85] : memref<81x128xi32, #tpu.memory_space<vmem>> -> memref<1x128xi32, #tpu.memory_space<vmem>>
      %dma_start3A_87 = tpu.memref_squeeze %dma_start3A_86 : memref<1x128xi32, #tpu.memory_space<vmem>> -> memref<128xi32, #tpu.memory_space<vmem>>
      %dma_start3A_88 = arith.constant 0 : i32
      %dma_start3A_89 = arith.constant 0 : i32
      %dma_start3A_90 = tpu.memref_slice %arg8[%dma_start3A_88, %dma_start3A_89] : memref<10240x64xbf16, #tpu.memory_space<vmem_shared>> -> memref<10240x64xbf16, #tpu.memory_space<vmem_shared>>
      tpu.enqueue_indirect_dma source(%dma_start3A_90 : memref<10240x64xbf16, #tpu.memory_space<vmem_shared>>) target(%dma_start3A_84 : memref<128x64xbf16, #tpu.memory_space<vmem>>) offsets(%dma_start3A_87 : memref<128xi32, #tpu.memory_space<vmem>>) semaphore(%arg10 : memref<!tpu.dma_semaphore, #tpu.memory_space<semaphore_mem>>)
      %dma_wait3A_91 = arith.constant 1 : i32
      %dma_wait3A_92 = arith.constant 0 : i32
      %dma_wait3A_93 = arith.constant 0 : i32
      %dma_wait3A_94 = tpu.memref_slice %arg7[%dma_wait3A_91, %dma_wait3A_92, %dma_wait3A_93] : memref<2x128x64xbf16, #tpu.memory_space<vmem>> -> memref<1x128x64xbf16, #tpu.memory_space<vmem>>
      %dma_wait3A_95 = tpu.memref_squeeze %dma_wait3A_94 : memref<1x128x64xbf16, #tpu.memory_space<vmem>> -> memref<128x64xbf16, #tpu.memory_space<vmem>>
      %dma_wait3A_96 = arith.constant 0 : i32
      %dma_wait3A_97 = tpu.memref_slice %arg5[%add3A_54, %dma_wait3A_96] : memref<81x128xi32, #tpu.memory_space<vmem>> -> memref<1x128xi32, #tpu.memory_space<vmem>>
      %dma_wait3A_98 = tpu.memref_squeeze %dma_wait3A_97 : memref<1x128xi32, #tpu.memory_space<vmem>> -> memref<128xi32, #tpu.memory_space<vmem>>
      %dma_wait3A_99 = arith.constant 0 : i32
      %dma_wait3A_100 = arith.constant 0 : i32
      %dma_wait3A_101 = tpu.memref_slice %arg8[%dma_wait3A_99, %dma_wait3A_100] : memref<10240x64xbf16, #tpu.memory_space<vmem_shared>> -> memref<10240x64xbf16, #tpu.memory_space<vmem_shared>>
      tpu.wait_indirect_dma semaphore(%arg11 : memref<!tpu.dma_semaphore, #tpu.memory_space<semaphore_mem>>) src(%dma_wait3A_101 : memref<10240x64xbf16, #tpu.memory_space<vmem_shared>>) dst(%dma_wait3A_95 : memref<128x64xbf16, #tpu.memory_space<vmem>>)
      %run_scoped3A_102 = arith.constant 1 : i32
      "tpu.region"() ({
        %run_scoped3A_103 = tpu.sem_alloc : memref<!tpu.dma_semaphore, #tpu.memory_space<semaphore_mem>>
        %dma_start3A_104 = arith.constant 0 : i32
        %dma_start3A_105 = arith.constant 0 : i32
        %dma_start3A_106 = tpu.memref_slice %arg7[%run_scoped3A_102, %dma_start3A_104, %dma_start3A_105] : memref<2x128x64xbf16, #tpu.memory_space<vmem>> -> memref<1x128x64xbf16, #tpu.memory_space<vmem>>
        %dma_start3A_107 = tpu.memref_squeeze %dma_start3A_106 : memref<1x128x64xbf16, #tpu.memory_space<vmem>> -> memref<128x64xbf16, #tpu.memory_space<vmem>>
        %dma_start3A_108 = arith.constant 0 : i32
        %dma_start3A_109 = tpu.memref_slice %arg6[%add3A_54, %dma_start3A_108] : memref<81x128xi32, #tpu.memory_space<vmem>> -> memref<1x128xi32, #tpu.memory_space<vmem>>
        %dma_start3A_110 = tpu.memref_squeeze %dma_start3A_109 : memref<1x128xi32, #tpu.memory_space<vmem>> -> memref<128xi32, #tpu.memory_space<vmem>>
        %dma_start3A_111 = arith.constant 0 : i32
        %dma_start3A_112 = arith.constant 0 : i32
        %dma_start3A_113 = tpu.memref_slice %arg9[%dma_start3A_111, %dma_start3A_112] : memref<10240x64xbf16, #tpu.memory_space<vmem_shared>> -> memref<10240x64xbf16, #tpu.memory_space<vmem_shared>>
        tpu.enqueue_indirect_dma source(%dma_start3A_107 : memref<128x64xbf16, #tpu.memory_space<vmem>>) target(%dma_start3A_113 : memref<10240x64xbf16, #tpu.memory_space<vmem_shared>>) offsets(%dma_start3A_110 : memref<128xi32, #tpu.memory_space<vmem>>) semaphore(%run_scoped3A_103 : memref<!tpu.dma_semaphore, #tpu.memory_space<semaphore_mem>>) {add = true}
        %dma_wait3A_114 = arith.constant 0 : i32
        %dma_wait3A_115 = arith.constant 0 : i32
        %dma_wait3A_116 = tpu.memref_slice %arg7[%run_scoped3A_102, %dma_wait3A_114, %dma_wait3A_115] : memref<2x128x64xbf16, #tpu.memory_space<vmem>> -> memref<1x128x64xbf16, #tpu.memory_space<vmem>>
        %dma_wait3A_117 = tpu.memref_squeeze %dma_wait3A_116 : memref<1x128x64xbf16, #tpu.memory_space<vmem>> -> memref<128x64xbf16, #tpu.memory_space<vmem>>
        %dma_wait3A_118 = arith.constant 0 : i32
        %dma_wait3A_119 = tpu.memref_slice %arg6[%add3A_54, %dma_wait3A_118] : memref<81x128xi32, #tpu.memory_space<vmem>> -> memref<1x128xi32, #tpu.memory_space<vmem>>
        %dma_wait3A_120 = tpu.memref_squeeze %dma_wait3A_119 : memref<1x128xi32, #tpu.memory_space<vmem>> -> memref<128xi32, #tpu.memory_space<vmem>>
        %dma_wait3A_121 = arith.constant 0 : i32
        %dma_wait3A_122 = arith.constant 0 : i32
        %dma_wait3A_123 = tpu.memref_slice %arg9[%dma_wait3A_121, %dma_wait3A_122] : memref<10240x64xbf16, #tpu.memory_space<vmem_shared>> -> memref<10240x64xbf16, #tpu.memory_space<vmem_shared>>
        tpu.wait_indirect_dma semaphore(%run_scoped3A_103 : memref<!tpu.dma_semaphore, #tpu.memory_space<semaphore_mem>>) src(%dma_wait3A_117 : memref<128x64xbf16, #tpu.memory_space<vmem>>) dst(%dma_wait3A_123 : memref<10240x64xbf16, #tpu.memory_space<vmem_shared>>)
        tpu.yield
      }) : () -> ()
    }
    %scan3A_28 = arith.constant 40 : i32
    %dma_wait3A = arith.constant 80 : i32
    %dma_wait3A_29 = arith.constant 0 : i32
    %dma_wait3A_30 = arith.constant 0 : i32
    %dma_wait3A_31 = arith.constant 0 : i32
    %dma_wait3A_32 = tpu.memref_slice %arg7[%dma_wait3A_29, %dma_wait3A_30, %dma_wait3A_31] : memref<2x128x64xbf16, #tpu.memory_space<vmem>> -> memref<1x128x64xbf16, #tpu.memory_space<vmem>>
    %dma_wait3A_33 = tpu.memref_squeeze %dma_wait3A_32 : memref<1x128x64xbf16, #tpu.memory_space<vmem>> -> memref<128x64xbf16, #tpu.memory_space<vmem>>
    %dma_wait3A_34 = arith.constant 0 : i32
    %dma_wait3A_35 = tpu.memref_slice %arg5[%dma_wait3A, %dma_wait3A_34] : memref<81x128xi32, #tpu.memory_space<vmem>> -> memref<1x128xi32, #tpu.memory_space<vmem>>
    %dma_wait3A_36 = tpu.memref_squeeze %dma_wait3A_35 : memref<1x128xi32, #tpu.memory_space<vmem>> -> memref<128xi32, #tpu.memory_space<vmem>>
    %dma_wait3A_37 = arith.constant 0 : i32
    %dma_wait3A_38 = arith.constant 0 : i32
    %dma_wait3A_39 = tpu.memref_slice %arg8[%dma_wait3A_37, %dma_wait3A_38] : memref<10240x64xbf16, #tpu.memory_space<vmem_shared>> -> memref<10240x64xbf16, #tpu.memory_space<vmem_shared>>
    tpu.wait_indirect_dma semaphore(%arg10 : memref<!tpu.dma_semaphore, #tpu.memory_space<semaphore_mem>>) src(%dma_wait3A_39 : memref<10240x64xbf16, #tpu.memory_space<vmem_shared>>) dst(%dma_wait3A_33 : memref<128x64xbf16, #tpu.memory_space<vmem>>)
    %run_scoped3A_40 = arith.constant 0 : i32
    %run_scoped3A_41 = arith.constant 80 : i32
    "tpu.region"() ({
      %run_scoped3A_47 = tpu.sem_alloc : memref<!tpu.dma_semaphore, #tpu.memory_space<semaphore_mem>>
      %dma_start3A_48 = arith.constant 0 : i32
      %dma_start3A_49 = arith.constant 0 : i32
      %dma_start3A_50 = tpu.memref_slice %arg7[%run_scoped3A_40, %dma_start3A_48, %dma_start3A_49] : memref<2x128x64xbf16, #tpu.memory_space<vmem>> -> memref<1x128x64xbf16, #tpu.memory_space<vmem>>
      %dma_start3A_51 = tpu.memref_squeeze %dma_start3A_50 : memref<1x128x64xbf16, #tpu.memory_space<vmem>> -> memref<128x64xbf16, #tpu.memory_space<vmem>>
      %dma_start3A_52 = arith.constant 0 : i32
      %dma_start3A_53 = tpu.memref_slice %arg6[%run_scoped3A_41, %dma_start3A_52] : memref<81x128xi32, #tpu.memory_space<vmem>> -> memref<1x128xi32, #tpu.memory_space<vmem>>
      %dma_start3A_54 = tpu.memref_squeeze %dma_start3A_53 : memref<1x128xi32, #tpu.memory_space<vmem>> -> memref<128xi32, #tpu.memory_space<vmem>>
      %dma_start3A_55 = arith.constant 0 : i32
      %dma_start3A_56 = arith.constant 0 : i32
      %dma_start3A_57 = tpu.memref_slice %arg9[%dma_start3A_55, %dma_start3A_56] : memref<10240x64xbf16, #tpu.memory_space<vmem_shared>> -> memref<10240x64xbf16, #tpu.memory_space<vmem_shared>>
      tpu.enqueue_indirect_dma source(%dma_start3A_51 : memref<128x64xbf16, #tpu.memory_space<vmem>>) target(%dma_start3A_57 : memref<10240x64xbf16, #tpu.memory_space<vmem_shared>>) offsets(%dma_start3A_54 : memref<128xi32, #tpu.memory_space<vmem>>) semaphore(%run_scoped3A_47 : memref<!tpu.dma_semaphore, #tpu.memory_space<semaphore_mem>>) {add = true}
      %dma_wait3A_58 = arith.constant 0 : i32
      %dma_wait3A_59 = arith.constant 0 : i32
      %dma_wait3A_60 = tpu.memref_slice %arg7[%run_scoped3A_40, %dma_wait3A_58, %dma_wait3A_59] : memref<2x128x64xbf16, #tpu.memory_space<vmem>> -> memref<1x128x64xbf16, #tpu.memory_space<vmem>>
      %dma_wait3A_61 = tpu.memref_squeeze %dma_wait3A_60 : memref<1x128x64xbf16, #tpu.memory_space<vmem>> -> memref<128x64xbf16, #tpu.memory_space<vmem>>
      %dma_wait3A_62 = arith.constant 0 : i32
      %dma_wait3A_63 = tpu.memref_slice %arg6[%run_scoped3A_41, %dma_wait3A_62] : memref<81x128xi32, #tpu.memory_space<vmem>> -> memref<1x128xi32, #tpu.memory_space<vmem>>
      %dma_wait3A_64 = tpu.memref_squeeze %dma_wait3A_63 : memref<1x128xi32, #tpu.memory_space<vmem>> -> memref<128xi32, #tpu.memory_space<vmem>>
      %dma_wait3A_65 = arith.constant 0 : i32
      %dma_wait3A_66 = arith.constant 0 : i32
      %dma_wait3A_67 = tpu.memref_slice %arg9[%dma_wait3A_65, %dma_wait3A_66] : memref<10240x64xbf16, #tpu.memory_space<vmem_shared>> -> memref<10240x64xbf16, #tpu.memory_space<vmem_shared>>
      tpu.wait_indirect_dma semaphore(%run_scoped3A_47 : memref<!tpu.dma_semaphore, #tpu.memory_space<semaphore_mem>>) src(%dma_wait3A_61 : memref<128x64xbf16, #tpu.memory_space<vmem>>) dst(%dma_wait3A_67 : memref<10240x64xbf16, #tpu.memory_space<vmem_shared>>)
      tpu.yield
    }) : () -> ()
    %barrier3A_42 = arith.constant 0 : index
    tpu.barrier barrier_id(%barrier3A_42)
    %mul3A_43 = arith.constant 640 : i32
    %mul3A_44 = arith.muli %arg1, %mul3A_43 : i32
    %mul3A_45 = arith.constant 640 : i32
    %mul3A_46 = arith.muli %arg1, %mul3A_45 : i32
    "tpu.region"() ({
      %run_scoped3A_47 = tpu.sem_alloc : memref<!tpu.dma_semaphore, #tpu.memory_space<semaphore_mem>>
      %dma_start3A_48 = arith.constant 0 : i32
      %dma_start3A_49 = tpu.memref_slice %arg4[%arg0, %mul3A_46, %dma_start3A_48] : memref<2x10240x64xbf16, #tpu.memory_space<hbm>> -> memref<1x640x64xbf16, #tpu.memory_space<hbm>>
      %dma_start3A_50 = tpu.memref_squeeze %dma_start3A_49 : memref<1x640x64xbf16, #tpu.memory_space<hbm>> -> memref<640x64xbf16, #tpu.memory_space<hbm>>
      %dma_start3A_51 = arith.constant 0 : i32
      %dma_start3A_52 = tpu.memref_slice %arg9[%mul3A_44, %dma_start3A_51] : memref<10240x64xbf16, #tpu.memory_space<vmem_shared>> -> memref<640x64xbf16, #tpu.memory_space<vmem_shared>>
      tpu.enqueue_dma source(%dma_start3A_52 : memref<640x64xbf16, #tpu.memory_space<vmem_shared>>) target(%dma_start3A_50 : memref<640x64xbf16, #tpu.memory_space<hbm>>) target_semaphore(%run_scoped3A_47 : memref<!tpu.dma_semaphore, #tpu.memory_space<semaphore_mem>>)
      %dma_wait3A_53 = arith.constant 0 : i32
      %dma_wait3A_54 = tpu.memref_slice %arg4[%arg0, %mul3A_46, %dma_wait3A_53] : memref<2x10240x64xbf16, #tpu.memory_space<hbm>> -> memref<1x640x64xbf16, #tpu.memory_space<hbm>>
      %dma_wait3A_55 = tpu.memref_squeeze %dma_wait3A_54 : memref<1x640x64xbf16, #tpu.memory_space<hbm>> -> memref<640x64xbf16, #tpu.memory_space<hbm>>
      %dma_wait3A_56 = arith.constant 0 : i32
      %dma_wait3A_57 = tpu.memref_slice %arg9[%mul3A_44, %dma_wait3A_56] : memref<10240x64xbf16, #tpu.memory_space<vmem_shared>> -> memref<640x64xbf16, #tpu.memory_space<vmem_shared>>
      tpu.wait_dma2 semaphore(%run_scoped3A_47 : memref<!tpu.dma_semaphore, #tpu.memory_space<semaphore_mem>>) src(%dma_wait3A_57 : memref<640x64xbf16, #tpu.memory_space<vmem_shared>>) dst(%dma_wait3A_55 : memref<640x64xbf16, #tpu.memory_space<hbm>>)
      tpu.yield
    }) : () -> ()
    return
  }
}

#map = affine_map<(d0, d1) -> (0, 0)>
#map1 = affine_map<(d0, d1) -> (0, 0, 0, 0, 0)>
#map2 = affine_map<(d0, d1) -> (0, 0, 0)>
module attributes {stable_mosaic.version = 14 : i64} {
  func.func @k(%arg0: i32, %arg1: i32, %arg2: memref<10240x128xbf16, #tpu.memory_space<hbm>>, %arg3: memref<2x2x16x81x128xi32, #tpu.memory_space<hbm>>, %arg4: memref<2x10240x128xbf16, #tpu.memory_space<hbm>>, %arg5: memref<81x128xi32, #tpu.memory_space<vmem>>, %arg6: memref<81x128xi32, #tpu.memory_space<vmem>>, %arg7: memref<2x128x128xbf16, #tpu.memory_space<vmem>>, %arg8: memref<10240x128xbf16, #tpu.memory_space<vmem_shared>>, %arg9: memref<10240x128xbf16, #tpu.memory_space<vmem_shared>>, %arg10: memref<!tpu.dma_semaphore, #tpu.memory_space<semaphore_mem>>, %arg11: memref<!tpu.dma_semaphore, #tpu.memory_space<semaphore_mem>>) attributes {dimension_semantics = [#tpu.dimension_semantics<core_parallel>, #tpu.dimension_semantics<subcore_parallel>], iteration_bounds = array<i64: 2, 16>, scalar_prefetch = 0 : i64, scratch_operands = 7 : i64, tpu.core_type = #tpu.core_type<sc_vector_subcore>, window_params = [{transform_indices = #map}, {transform_indices = #map1}, {transform_indices = #map2}]} {
    %run_scoped3A = arith.constant 0 : i32
    "tpu.region"() ({
      %run_scoped3A_47 = tpu.sem_alloc : memref<!tpu.dma_semaphore, #tpu.memory_space<semaphore_mem>>
      %dma_start3A_48 = arith.constant 0 : i32
      %dma_start3A_49 = arith.constant 0 : i32
      %dma_start3A_50 = tpu.memref_slice %arg3[%run_scoped3A, %arg0, %arg1, %dma_start3A_48, %dma_start3A_49] : memref<2x2x16x81x128xi32, #tpu.memory_space<hbm>> -> memref<1x1x1x81x128xi32, #tpu.memory_space<hbm>>
      %dma_start3A_51 = tpu.memref_squeeze %dma_start3A_50 : memref<1x1x1x81x128xi32, #tpu.memory_space<hbm>> -> memref<81x128xi32, #tpu.memory_space<hbm>>
      %dma_start3A_52 = arith.constant 0 : i32
      %dma_start3A_53 = arith.constant 0 : i32
      %dma_start3A_54 = tpu.memref_slice %arg3[%run_scoped3A, %arg0, %arg1, %dma_start3A_52, %dma_start3A_53] : memref<2x2x16x81x128xi32, #tpu.memory_space<hbm>> -> memref<1x1x1x81x128xi32, #tpu.memory_space<hbm>>
      %dma_start3A_55 = tpu.memref_squeeze %dma_start3A_54 : memref<1x1x1x81x128xi32, #tpu.memory_space<hbm>> -> memref<81x128xi32, #tpu.memory_space<hbm>>
      tpu.enqueue_dma source(%dma_start3A_55 : memref<81x128xi32, #tpu.memory_space<hbm>>) target(%arg5 : memref<81x128xi32, #tpu.memory_space<vmem>>) target_semaphore(%run_scoped3A_47 : memref<!tpu.dma_semaphore, #tpu.memory_space<semaphore_mem>>)
      %dma_wait3A_56 = arith.constant 0 : i32
      %dma_wait3A_57 = arith.constant 0 : i32
      %dma_wait3A_58 = tpu.memref_slice %arg3[%run_scoped3A, %arg0, %arg1, %dma_wait3A_56, %dma_wait3A_57] : memref<2x2x16x81x128xi32, #tpu.memory_space<hbm>> -> memref<1x1x1x81x128xi32, #tpu.memory_space<hbm>>
      %dma_wait3A_59 = tpu.memref_squeeze %dma_wait3A_58 : memref<1x1x1x81x128xi32, #tpu.memory_space<hbm>> -> memref<81x128xi32, #tpu.memory_space<hbm>>
      %dma_wait3A_60 = arith.constant 0 : i32
      %dma_wait3A_61 = arith.constant 0 : i32
      %dma_wait3A_62 = tpu.memref_slice %arg3[%run_scoped3A, %arg0, %arg1, %dma_wait3A_60, %dma_wait3A_61] : memref<2x2x16x81x128xi32, #tpu.memory_space<hbm>> -> memref<1x1x1x81x128xi32, #tpu.memory_space<hbm>>
      %dma_wait3A_63 = tpu.memref_squeeze %dma_wait3A_62 : memref<1x1x1x81x128xi32, #tpu.memory_space<hbm>> -> memref<81x128xi32, #tpu.memory_space<hbm>>
      tpu.wait_dma2 semaphore(%run_scoped3A_47 : memref<!tpu.dma_semaphore, #tpu.memory_space<semaphore_mem>>) src(%dma_wait3A_63 : memref<81x128xi32, #tpu.memory_space<hbm>>) dst(%arg5 : memref<81x128xi32, #tpu.memory_space<vmem>>)
      tpu.yield
    }) : () -> ()
    %run_scoped3A_0 = arith.constant 1 : i32
    "tpu.region"() ({
      %run_scoped3A_47 = tpu.sem_alloc : memref<!tpu.dma_semaphore, #tpu.memory_space<semaphore_mem>>
      %dma_start3A_48 = arith.constant 0 : i32
      %dma_start3A_49 = arith.constant 0 : i32
      %dma_start3A_50 = tpu.memref_slice %arg3[%run_scoped3A_0, %arg0, %arg1, %dma_start3A_48, %dma_start3A_49] : memref<2x2x16x81x128xi32, #tpu.memory_space<hbm>> -> memref<1x1x1x81x128xi32, #tpu.memory_space<hbm>>
      %dma_start3A_51 = tpu.memref_squeeze %dma_start3A_50 : memref<1x1x1x81x128xi32, #tpu.memory_space<hbm>> -> memref<81x128xi32, #tpu.memory_space<hbm>>
      %dma_start3A_52 = arith.constant 0 : i32
      %dma_start3A_53 = arith.constant 0 : i32
      %dma_start3A_54 = tpu.memref_slice %arg3[%run_scoped3A_0, %arg0, %arg1, %dma_start3A_52, %dma_start3A_53] : memref<2x2x16x81x128xi32, #tpu.memory_space<hbm>> -> memref<1x1x1x81x128xi32, #tpu.memory_space<hbm>>
      %dma_start3A_55 = tpu.memref_squeeze %dma_start3A_54 : memref<1x1x1x81x128xi32, #tpu.memory_space<hbm>> -> memref<81x128xi32, #tpu.memory_space<hbm>>
      tpu.enqueue_dma source(%dma_start3A_55 : memref<81x128xi32, #tpu.memory_space<hbm>>) target(%arg6 : memref<81x128xi32, #tpu.memory_space<vmem>>) target_semaphore(%run_scoped3A_47 : memref<!tpu.dma_semaphore, #tpu.memory_space<semaphore_mem>>)
      %dma_wait3A_56 = arith.constant 0 : i32
      %dma_wait3A_57 = arith.constant 0 : i32
      %dma_wait3A_58 = tpu.memref_slice %arg3[%run_scoped3A_0, %arg0, %arg1, %dma_wait3A_56, %dma_wait3A_57] : memref<2x2x16x81x128xi32, #tpu.memory_space<hbm>> -> memref<1x1x1x81x128xi32, #tpu.memory_space<hbm>>
      %dma_wait3A_59 = tpu.memref_squeeze %dma_wait3A_58 : memref<1x1x1x81x128xi32, #tpu.memory_space<hbm>> -> memref<81x128xi32, #tpu.memory_space<hbm>>
      %dma_wait3A_60 = arith.constant 0 : i32
      %dma_wait3A_61 = arith.constant 0 : i32
      %dma_wait3A_62 = tpu.memref_slice %arg3[%run_scoped3A_0, %arg0, %arg1, %dma_wait3A_60, %dma_wait3A_61] : memref<2x2x16x81x128xi32, #tpu.memory_space<hbm>> -> memref<1x1x1x81x128xi32, #tpu.memory_space<hbm>>
      %dma_wait3A_63 = tpu.memref_squeeze %dma_wait3A_62 : memref<1x1x1x81x128xi32, #tpu.memory_space<hbm>> -> memref<81x128xi32, #tpu.memory_space<hbm>>
      tpu.wait_dma2 semaphore(%run_scoped3A_47 : memref<!tpu.dma_semaphore, #tpu.memory_space<semaphore_mem>>) src(%dma_wait3A_63 : memref<81x128xi32, #tpu.memory_space<hbm>>) dst(%arg6 : memref<81x128xi32, #tpu.memory_space<vmem>>)
      tpu.yield
    }) : () -> ()
    %mul3A = arith.constant 640 : i32
    %mul3A_1 = arith.muli %arg1, %mul3A : i32
    %mul3A_2 = arith.constant 640 : i32
    %mul3A_3 = arith.muli %arg1, %mul3A_2 : i32
    "tpu.region"() ({
      %run_scoped3A_47 = tpu.sem_alloc : memref<!tpu.dma_semaphore, #tpu.memory_space<semaphore_mem>>
      %dma_start3A_48 = arith.constant 0 : i32
      %dma_start3A_49 = tpu.memref_slice %arg8[%mul3A_3, %dma_start3A_48] : memref<10240x128xbf16, #tpu.memory_space<vmem_shared>> -> memref<640x128xbf16, #tpu.memory_space<vmem_shared>>
      %dma_start3A_50 = arith.constant 0 : i32
      %dma_start3A_51 = tpu.memref_slice %arg2[%mul3A_1, %dma_start3A_50] : memref<10240x128xbf16, #tpu.memory_space<hbm>> -> memref<640x128xbf16, #tpu.memory_space<hbm>>
      tpu.enqueue_dma source(%dma_start3A_51 : memref<640x128xbf16, #tpu.memory_space<hbm>>) target(%dma_start3A_49 : memref<640x128xbf16, #tpu.memory_space<vmem_shared>>) target_semaphore(%run_scoped3A_47 : memref<!tpu.dma_semaphore, #tpu.memory_space<semaphore_mem>>)
      %dma_wait3A_52 = arith.constant 0 : i32
      %dma_wait3A_53 = tpu.memref_slice %arg8[%mul3A_3, %dma_wait3A_52] : memref<10240x128xbf16, #tpu.memory_space<vmem_shared>> -> memref<640x128xbf16, #tpu.memory_space<vmem_shared>>
      %dma_wait3A_54 = arith.constant 0 : i32
      %dma_wait3A_55 = tpu.memref_slice %arg2[%mul3A_1, %dma_wait3A_54] : memref<10240x128xbf16, #tpu.memory_space<hbm>> -> memref<640x128xbf16, #tpu.memory_space<hbm>>
      tpu.wait_dma2 semaphore(%run_scoped3A_47 : memref<!tpu.dma_semaphore, #tpu.memory_space<semaphore_mem>>) src(%dma_wait3A_55 : memref<640x128xbf16, #tpu.memory_space<hbm>>) dst(%dma_wait3A_53 : memref<640x128xbf16, #tpu.memory_space<vmem_shared>>)
      tpu.yield
    }) : () -> ()
    %scan3A = arith.constant 0 : i32
    %scan3A_4 = arith.constant 128 : i32
    %scan3A_5 = arith.addi %scan3A, %scan3A_4 : i32
    %scan3A_6 = arith.constant 1 : i32
    scf.for %scan3A_47 = %scan3A to %scan3A_5 step %scan3A_6  : i32 {
      %mul3A_48 = arith.constant 1 : i32
      %mul3A_49 = arith.muli %scan3A_47, %mul3A_48 : i32
      %add3A = arith.constant 0 : i32
      %add3A_50 = arith.addi %add3A, %mul3A_49 : i32
      %broadcast_in_dim3A = arith.constant 0.000000e+00 : bf16
      %broadcast_in_dim3A_51 = vector.broadcast %broadcast_in_dim3A : bf16 to vector<32xbf16>
      %swap3A = arith.constant 0 : i32
      %swap3A_52 = arith.index_cast %swap3A : i32 to index
      %swap3A_53 = arith.index_cast %add3A_50 : i32 to index
      %swap3A_54 = arith.constant 0 : index
      %swap3A_55 = tpu.vector_load %arg7[%swap3A_52, %swap3A_53, %swap3A_54] {strides = array<i32>} : memref<2x128x128xbf16, #tpu.memory_space<vmem>>, vector<1x1x32xbf16>,
      %swap3A_56 = vector.shape_cast %swap3A_55 : vector<1x1x32xbf16> to vector<32xbf16>
      %swap3A_57 = vector.shape_cast %broadcast_in_dim3A_51 : vector<32xbf16> to vector<1x1x32xbf16>
      tpu.vector_store %arg7[%swap3A_52, %swap3A_53, %swap3A_54], %swap3A_57 {strides = array<i32>} : memref<2x128x128xbf16, #tpu.memory_space<vmem>>, vector<1x1x32xbf16>,
      %broadcast_in_dim3A_58 = arith.constant 0.000000e+00 : bf16
      %broadcast_in_dim3A_59 = vector.broadcast %broadcast_in_dim3A_58 : bf16 to vector<32xbf16>
      %swap3A_60 = arith.constant 0 : i32
      %swap3A_61 = arith.index_cast %swap3A_60 : i32 to index
      %swap3A_62 = arith.index_cast %add3A_50 : i32 to index
      %swap3A_63 = arith.constant 32 : index
      %swap3A_64 = tpu.vector_load %arg7[%swap3A_61, %swap3A_62, %swap3A_63] {strides = array<i32>} : memref<2x128x128xbf16, #tpu.memory_space<vmem>>, vector<1x1x32xbf16>,
      %swap3A_65 = vector.shape_cast %swap3A_64 : vector<1x1x32xbf16> to vector<32xbf16>
      %swap3A_66 = vector.shape_cast %broadcast_in_dim3A_59 : vector<32xbf16> to vector<1x1x32xbf16>
      tpu.vector_store %arg7[%swap3A_61, %swap3A_62, %swap3A_63], %swap3A_66 {strides = array<i32>} : memref<2x128x128xbf16, #tpu.memory_space<vmem>>, vector<1x1x32xbf16>,
      %broadcast_in_dim3A_67 = arith.constant 0.000000e+00 : bf16
      %broadcast_in_dim3A_68 = vector.broadcast %broadcast_in_dim3A_67 : bf16 to vector<32xbf16>
      %swap3A_69 = arith.constant 0 : i32
      %swap3A_70 = arith.index_cast %swap3A_69 : i32 to index
      %swap3A_71 = arith.index_cast %add3A_50 : i32 to index
      %swap3A_72 = arith.constant 64 : index
      %swap3A_73 = tpu.vector_load %arg7[%swap3A_70, %swap3A_71, %swap3A_72] {strides = array<i32>} : memref<2x128x128xbf16, #tpu.memory_space<vmem>>, vector<1x1x32xbf16>,
      %swap3A_74 = vector.shape_cast %swap3A_73 : vector<1x1x32xbf16> to vector<32xbf16>
      %swap3A_75 = vector.shape_cast %broadcast_in_dim3A_68 : vector<32xbf16> to vector<1x1x32xbf16>
      tpu.vector_store %arg7[%swap3A_70, %swap3A_71, %swap3A_72], %swap3A_75 {strides = array<i32>} : memref<2x128x128xbf16, #tpu.memory_space<vmem>>, vector<1x1x32xbf16>,
      %broadcast_in_dim3A_76 = arith.constant 0.000000e+00 : bf16
      %broadcast_in_dim3A_77 = vector.broadcast %broadcast_in_dim3A_76 : bf16 to vector<32xbf16>
      %swap3A_78 = arith.constant 0 : i32
      %swap3A_79 = arith.index_cast %swap3A_78 : i32 to index
      %swap3A_80 = arith.index_cast %add3A_50 : i32 to index
      %swap3A_81 = arith.constant 96 : index
      %swap3A_82 = tpu.vector_load %arg7[%swap3A_79, %swap3A_80, %swap3A_81] {strides = array<i32>} : memref<2x128x128xbf16, #tpu.memory_space<vmem>>, vector<1x1x32xbf16>,
      %swap3A_83 = vector.shape_cast %swap3A_82 : vector<1x1x32xbf16> to vector<32xbf16>
      %swap3A_84 = vector.shape_cast %broadcast_in_dim3A_77 : vector<32xbf16> to vector<1x1x32xbf16>
      tpu.vector_store %arg7[%swap3A_79, %swap3A_80, %swap3A_81], %swap3A_84 {strides = array<i32>} : memref<2x128x128xbf16, #tpu.memory_space<vmem>>, vector<1x1x32xbf16>,
    }
    %scan3A_7 = arith.constant 128 : i32
    %scan3A_8 = arith.constant 0 : i32
    %scan3A_9 = arith.constant 5 : i32
    %scan3A_10 = arith.addi %scan3A_8, %scan3A_9 : i32
    %scan3A_11 = arith.constant 1 : i32
    scf.for %scan3A_47 = %scan3A_8 to %scan3A_10 step %scan3A_11  : i32 {
      %mul3A_48 = arith.constant 128 : i32
      %mul3A_49 = arith.muli %scan3A_47, %mul3A_48 : i32
      %add3A = arith.constant 0 : i32
      %add3A_50 = arith.addi %add3A, %mul3A_49 : i32
      %mul3A_51 = arith.constant 640 : i32
      %mul3A_52 = arith.muli %arg1, %mul3A_51 : i32
      %add3A_53 = arith.addi %mul3A_52, %add3A_50 : i32
      %run_scoped3A_54 = arith.constant 0 : i32
      "tpu.region"() ({
        %run_scoped3A_55 = tpu.sem_alloc : memref<!tpu.dma_semaphore, #tpu.memory_space<semaphore_mem>>
        %dma_start3A_56 = arith.constant 0 : i32
        %dma_start3A_57 = arith.constant 0 : i32
        %dma_start3A_58 = tpu.memref_slice %arg7[%run_scoped3A_54, %dma_start3A_56, %dma_start3A_57] : memref<2x128x128xbf16, #tpu.memory_space<vmem>> -> memref<1x128x128xbf16, #tpu.memory_space<vmem>>
        %dma_start3A_59 = tpu.memref_squeeze %dma_start3A_58 : memref<1x128x128xbf16, #tpu.memory_space<vmem>> -> memref<128x128xbf16, #tpu.memory_space<vmem>>
        %dma_start3A_60 = arith.constant 0 : i32
        %dma_start3A_61 = tpu.memref_slice %arg9[%add3A_53, %dma_start3A_60] : memref<10240x128xbf16, #tpu.memory_space<vmem_shared>> -> memref<128x128xbf16, #tpu.memory_space<vmem_shared>>
        %dma_start3A_62 = arith.constant 0 : i32
        %dma_start3A_63 = tpu.memref_slice %arg9[%add3A_53, %dma_start3A_62] : memref<10240x128xbf16, #tpu.memory_space<vmem_shared>> -> memref<128x128xbf16, #tpu.memory_space<vmem_shared>>
        %dma_start3A_64 = arith.constant 0 : i32
        %dma_start3A_65 = arith.constant 0 : i32
        %dma_start3A_66 = tpu.memref_slice %arg7[%run_scoped3A_54, %dma_start3A_64, %dma_start3A_65] : memref<2x128x128xbf16, #tpu.memory_space<vmem>> -> memref<1x128x128xbf16, #tpu.memory_space<vmem>>
        %dma_start3A_67 = tpu.memref_squeeze %dma_start3A_66 : memref<1x128x128xbf16, #tpu.memory_space<vmem>> -> memref<128x128xbf16, #tpu.memory_space<vmem>>
        tpu.enqueue_dma source(%dma_start3A_67 : memref<128x128xbf16, #tpu.memory_space<vmem>>) target(%dma_start3A_63 : memref<128x128xbf16, #tpu.memory_space<vmem_shared>>) target_semaphore(%run_scoped3A_55 : memref<!tpu.dma_semaphore, #tpu.memory_space<semaphore_mem>>)
        %dma_wait3A_68 = arith.constant 0 : i32
        %dma_wait3A_69 = arith.constant 0 : i32
        %dma_wait3A_70 = tpu.memref_slice %arg7[%run_scoped3A_54, %dma_wait3A_68, %dma_wait3A_69] : memref<2x128x128xbf16, #tpu.memory_space<vmem>> -> memref<1x128x128xbf16, #tpu.memory_space<vmem>>
        %dma_wait3A_71 = tpu.memref_squeeze %dma_wait3A_70 : memref<1x128x128xbf16, #tpu.memory_space<vmem>> -> memref<128x128xbf16, #tpu.memory_space<vmem>>
        %dma_wait3A_72 = arith.constant 0 : i32
        %dma_wait3A_73 = tpu.memref_slice %arg9[%add3A_53, %dma_wait3A_72] : memref<10240x128xbf16, #tpu.memory_space<vmem_shared>> -> memref<128x128xbf16, #tpu.memory_space<vmem_shared>>
        %dma_wait3A_74 = arith.constant 0 : i32
        %dma_wait3A_75 = tpu.memref_slice %arg9[%add3A_53, %dma_wait3A_74] : memref<10240x128xbf16, #tpu.memory_space<vmem_shared>> -> memref<128x128xbf16, #tpu.memory_space<vmem_shared>>
        %dma_wait3A_76 = arith.constant 0 : i32
        %dma_wait3A_77 = arith.constant 0 : i32
        %dma_wait3A_78 = tpu.memref_slice %arg7[%run_scoped3A_54, %dma_wait3A_76, %dma_wait3A_77] : memref<2x128x128xbf16, #tpu.memory_space<vmem>> -> memref<1x128x128xbf16, #tpu.memory_space<vmem>>
        %dma_wait3A_79 = tpu.memref_squeeze %dma_wait3A_78 : memref<1x128x128xbf16, #tpu.memory_space<vmem>> -> memref<128x128xbf16, #tpu.memory_space<vmem>>
        tpu.wait_dma2 semaphore(%run_scoped3A_55 : memref<!tpu.dma_semaphore, #tpu.memory_space<semaphore_mem>>) src(%dma_wait3A_79 : memref<128x128xbf16, #tpu.memory_space<vmem>>) dst(%dma_wait3A_75 : memref<128x128xbf16, #tpu.memory_space<vmem_shared>>)
        tpu.yield
      }) : () -> ()
    }
    %scan3A_12 = arith.constant 5 : i32
    %barrier3A = arith.constant 0 : index
    tpu.barrier barrier_id(%barrier3A)
    %dma_start3A = arith.constant 0 : i32
    %dma_start3A_13 = arith.constant 0 : i32
    %dma_start3A_14 = arith.constant 0 : i32
    %dma_start3A_15 = arith.constant 0 : i32
    %dma_start3A_16 = tpu.memref_slice %arg7[%dma_start3A_13, %dma_start3A_14, %dma_start3A_15] : memref<2x128x128xbf16, #tpu.memory_space<vmem>> -> memref<1x128x128xbf16, #tpu.memory_space<vmem>>
    %dma_start3A_17 = tpu.memref_squeeze %dma_start3A_16 : memref<1x128x128xbf16, #tpu.memory_space<vmem>> -> memref<128x128xbf16, #tpu.memory_space<vmem>>
    %dma_start3A_18 = arith.constant 0 : i32
    %dma_start3A_19 = tpu.memref_slice %arg5[%dma_start3A, %dma_start3A_18] : memref<81x128xi32, #tpu.memory_space<vmem>> -> memref<1x128xi32, #tpu.memory_space<vmem>>
    %dma_start3A_20 = tpu.memref_squeeze %dma_start3A_19 : memref<1x128xi32, #tpu.memory_space<vmem>> -> memref<128xi32, #tpu.memory_space<vmem>>
    %dma_start3A_21 = arith.constant 0 : i32
    %dma_start3A_22 = arith.constant 0 : i32
    %dma_start3A_23 = tpu.memref_slice %arg8[%dma_start3A_21, %dma_start3A_22] : memref<10240x128xbf16, #tpu.memory_space<vmem_shared>> -> memref<10240x128xbf16, #tpu.memory_space<vmem_shared>>
    tpu.enqueue_indirect_dma source(%dma_start3A_23 : memref<10240x128xbf16, #tpu.memory_space<vmem_shared>>) target(%dma_start3A_17 : memref<128x128xbf16, #tpu.memory_space<vmem>>) offsets(%dma_start3A_20 : memref<128xi32, #tpu.memory_space<vmem>>) semaphore(%arg10 : memref<!tpu.dma_semaphore, #tpu.memory_space<semaphore_mem>>)
    %scan3A_24 = arith.constant 0 : i32
    %scan3A_25 = arith.constant 40 : i32
    %scan3A_26 = arith.addi %scan3A_24, %scan3A_25 : i32
    %scan3A_27 = arith.constant 1 : i32
    scf.for %scan3A_47 = %scan3A_24 to %scan3A_26 step %scan3A_27  : i32 {
      %mul3A_48 = arith.constant 1 : i32
      %mul3A_49 = arith.muli %scan3A_47, %mul3A_48 : i32
      %add3A = arith.constant 0 : i32
      %add3A_50 = arith.addi %add3A, %mul3A_49 : i32
      %mul3A_51 = arith.constant 2 : i32
      %mul3A_52 = arith.muli %add3A_50, %mul3A_51 : i32
      %add3A_53 = arith.constant 1 : i32
      %add3A_54 = arith.addi %mul3A_52, %add3A_53 : i32
      %dma_start3A_55 = arith.constant 1 : i32
      %dma_start3A_56 = arith.constant 0 : i32
      %dma_start3A_57 = arith.constant 0 : i32
      %dma_start3A_58 = tpu.memref_slice %arg7[%dma_start3A_55, %dma_start3A_56, %dma_start3A_57] : memref<2x128x128xbf16, #tpu.memory_space<vmem>> -> memref<1x128x128xbf16, #tpu.memory_space<vmem>>
      %dma_start3A_59 = tpu.memref_squeeze %dma_start3A_58 : memref<1x128x128xbf16, #tpu.memory_space<vmem>> -> memref<128x128xbf16, #tpu.memory_space<vmem>>
      %dma_start3A_60 = arith.constant 0 : i32
      %dma_start3A_61 = tpu.memref_slice %arg5[%add3A_54, %dma_start3A_60] : memref<81x128xi32, #tpu.memory_space<vmem>> -> memref<1x128xi32, #tpu.memory_space<vmem>>
      %dma_start3A_62 = tpu.memref_squeeze %dma_start3A_61 : memref<1x128xi32, #tpu.memory_space<vmem>> -> memref<128xi32, #tpu.memory_space<vmem>>
      %dma_start3A_63 = arith.constant 0 : i32
      %dma_start3A_64 = arith.constant 0 : i32
      %dma_start3A_65 = tpu.memref_slice %arg8[%dma_start3A_63, %dma_start3A_64] : memref<10240x128xbf16, #tpu.memory_space<vmem_shared>> -> memref<10240x128xbf16, #tpu.memory_space<vmem_shared>>
      tpu.enqueue_indirect_dma source(%dma_start3A_65 : memref<10240x128xbf16, #tpu.memory_space<vmem_shared>>) target(%dma_start3A_59 : memref<128x128xbf16, #tpu.memory_space<vmem>>) offsets(%dma_start3A_62 : memref<128xi32, #tpu.memory_space<vmem>>) semaphore(%arg11 : memref<!tpu.dma_semaphore, #tpu.memory_space<semaphore_mem>>)
      %dma_wait3A_66 = arith.constant 0 : i32
      %dma_wait3A_67 = arith.constant 0 : i32
      %dma_wait3A_68 = arith.constant 0 : i32
      %dma_wait3A_69 = tpu.memref_slice %arg7[%dma_wait3A_66, %dma_wait3A_67, %dma_wait3A_68] : memref<2x128x128xbf16, #tpu.memory_space<vmem>> -> memref<1x128x128xbf16, #tpu.memory_space<vmem>>
      %dma_wait3A_70 = tpu.memref_squeeze %dma_wait3A_69 : memref<1x128x128xbf16, #tpu.memory_space<vmem>> -> memref<128x128xbf16, #tpu.memory_space<vmem>>
      %dma_wait3A_71 = arith.constant 0 : i32
      %dma_wait3A_72 = tpu.memref_slice %arg5[%mul3A_52, %dma_wait3A_71] : memref<81x128xi32, #tpu.memory_space<vmem>> -> memref<1x128xi32, #tpu.memory_space<vmem>>
      %dma_wait3A_73 = tpu.memref_squeeze %dma_wait3A_72 : memref<1x128xi32, #tpu.memory_space<vmem>> -> memref<128xi32, #tpu.memory_space<vmem>>
      %dma_wait3A_74 = arith.constant 0 : i32
      %dma_wait3A_75 = arith.constant 0 : i32
      %dma_wait3A_76 = tpu.memref_slice %arg8[%dma_wait3A_74, %dma_wait3A_75] : memref<10240x128xbf16, #tpu.memory_space<vmem_shared>> -> memref<10240x128xbf16, #tpu.memory_space<vmem_shared>>
      tpu.wait_indirect_dma semaphore(%arg10 : memref<!tpu.dma_semaphore, #tpu.memory_space<semaphore_mem>>) src(%dma_wait3A_76 : memref<10240x128xbf16, #tpu.memory_space<vmem_shared>>) dst(%dma_wait3A_70 : memref<128x128xbf16, #tpu.memory_space<vmem>>)
      %run_scoped3A_77 = arith.constant 0 : i32
      "tpu.region"() ({
        %run_scoped3A_103 = tpu.sem_alloc : memref<!tpu.dma_semaphore, #tpu.memory_space<semaphore_mem>>
        %dma_start3A_104 = arith.constant 0 : i32
        %dma_start3A_105 = arith.constant 0 : i32
        %dma_start3A_106 = tpu.memref_slice %arg7[%run_scoped3A_77, %dma_start3A_104, %dma_start3A_105] : memref<2x128x128xbf16, #tpu.memory_space<vmem>> -> memref<1x128x128xbf16, #tpu.memory_space<vmem>>
        %dma_start3A_107 = tpu.memref_squeeze %dma_start3A_106 : memref<1x128x128xbf16, #tpu.memory_space<vmem>> -> memref<128x128xbf16, #tpu.memory_space<vmem>>
        %dma_start3A_108 = arith.constant 0 : i32
        %dma_start3A_109 = tpu.memref_slice %arg6[%mul3A_52, %dma_start3A_108] : memref<81x128xi32, #tpu.memory_space<vmem>> -> memref<1x128xi32, #tpu.memory_space<vmem>>
        %dma_start3A_110 = tpu.memref_squeeze %dma_start3A_109 : memref<1x128xi32, #tpu.memory_space<vmem>> -> memref<128xi32, #tpu.memory_space<vmem>>
        %dma_start3A_111 = arith.constant 0 : i32
        %dma_start3A_112 = arith.constant 0 : i32
        %dma_start3A_113 = tpu.memref_slice %arg9[%dma_start3A_111, %dma_start3A_112] : memref<10240x128xbf16, #tpu.memory_space<vmem_shared>> -> memref<10240x128xbf16, #tpu.memory_space<vmem_shared>>
        tpu.enqueue_indirect_dma source(%dma_start3A_107 : memref<128x128xbf16, #tpu.memory_space<vmem>>) target(%dma_start3A_113 : memref<10240x128xbf16, #tpu.memory_space<vmem_shared>>) offsets(%dma_start3A_110 : memref<128xi32, #tpu.memory_space<vmem>>) semaphore(%run_scoped3A_103 : memref<!tpu.dma_semaphore, #tpu.memory_space<semaphore_mem>>) {add = true}
        %dma_wait3A_114 = arith.constant 0 : i32
        %dma_wait3A_115 = arith.constant 0 : i32
        %dma_wait3A_116 = tpu.memref_slice %arg7[%run_scoped3A_77, %dma_wait3A_114, %dma_wait3A_115] : memref<2x128x128xbf16, #tpu.memory_space<vmem>> -> memref<1x128x128xbf16, #tpu.memory_space<vmem>>
        %dma_wait3A_117 = tpu.memref_squeeze %dma_wait3A_116 : memref<1x128x128xbf16, #tpu.memory_space<vmem>> -> memref<128x128xbf16, #tpu.memory_space<vmem>>
        %dma_wait3A_118 = arith.constant 0 : i32
        %dma_wait3A_119 = tpu.memref_slice %arg6[%mul3A_52, %dma_wait3A_118] : memref<81x128xi32, #tpu.memory_space<vmem>> -> memref<1x128xi32, #tpu.memory_space<vmem>>
        %dma_wait3A_120 = tpu.memref_squeeze %dma_wait3A_119 : memref<1x128xi32, #tpu.memory_space<vmem>> -> memref<128xi32, #tpu.memory_space<vmem>>
        %dma_wait3A_121 = arith.constant 0 : i32
        %dma_wait3A_122 = arith.constant 0 : i32
        %dma_wait3A_123 = tpu.memref_slice %arg9[%dma_wait3A_121, %dma_wait3A_122] : memref<10240x128xbf16, #tpu.memory_space<vmem_shared>> -> memref<10240x128xbf16, #tpu.memory_space<vmem_shared>>
        tpu.wait_indirect_dma semaphore(%run_scoped3A_103 : memref<!tpu.dma_semaphore, #tpu.memory_space<semaphore_mem>>) src(%dma_wait3A_117 : memref<128x128xbf16, #tpu.memory_space<vmem>>) dst(%dma_wait3A_123 : memref<10240x128xbf16, #tpu.memory_space<vmem_shared>>)
        tpu.yield
      }) : () -> ()
      %add3A_78 = arith.constant 2 : i32
      %add3A_79 = arith.addi %mul3A_52, %add3A_78 : i32
      %dma_start3A_80 = arith.constant 0 : i32
      %dma_start3A_81 = arith.constant 0 : i32
      %dma_start3A_82 = arith.constant 0 : i32
      %dma_start3A_83 = tpu.memref_slice %arg7[%dma_start3A_80, %dma_start3A_81, %dma_start3A_82] : memref<2x128x128xbf16, #tpu.memory_space<vmem>> -> memref<1x128x128xbf16, #tpu.memory_space<vmem>>
      %dma_start3A_84 = tpu.memref_squeeze %dma_start3A_83 : memref<1x128x128xbf16, #tpu.memory_space<vmem>> -> memref<128x128xbf16, #tpu.memory_space<vmem>>
      %dma_start3A_85 = arith.constant 0 : i32
      %dma_start3A_86 = tpu.memref_slice %arg5[%add3A_79, %dma_start3A_85] : memref<81x128xi32, #tpu.memory_space<vmem>> -> memref<1x128xi32, #tpu.memory_space<vmem>>
      %dma_start3A_87 = tpu.memref_squeeze %dma_start3A_86 : memref<1x128xi32, #tpu.memory_space<vmem>> -> memref<128xi32, #tpu.memory_space<vmem>>
      %dma_start3A_88 = arith.constant 0 : i32
      %dma_start3A_89 = arith.constant 0 : i32
      %dma_start3A_90 = tpu.memref_slice %arg8[%dma_start3A_88, %dma_start3A_89] : memref<10240x128xbf16, #tpu.memory_space<vmem_shared>> -> memref<10240x128xbf16, #tpu.memory_space<vmem_shared>>
      tpu.enqueue_indirect_dma source(%dma_start3A_90 : memref<10240x128xbf16, #tpu.memory_space<vmem_shared>>) target(%dma_start3A_84 : memref<128x128xbf16, #tpu.memory_space<vmem>>) offsets(%dma_start3A_87 : memref<128xi32, #tpu.memory_space<vmem>>) semaphore(%arg10 : memref<!tpu.dma_semaphore, #tpu.memory_space<semaphore_mem>>)
      %dma_wait3A_91 = arith.constant 1 : i32
      %dma_wait3A_92 = arith.constant 0 : i32
      %dma_wait3A_93 = arith.constant 0 : i32
      %dma_wait3A_94 = tpu.memref_slice %arg7[%dma_wait3A_91, %dma_wait3A_92, %dma_wait3A_93] : memref<2x128x128xbf16, #tpu.memory_space<vmem>> -> memref<1x128x128xbf16, #tpu.memory_space<vmem>>
      %dma_wait3A_95 = tpu.memref_squeeze %dma_wait3A_94 : memref<1x128x128xbf16, #tpu.memory_space<vmem>> -> memref<128x128xbf16, #tpu.memory_space<vmem>>
      %dma_wait3A_96 = arith.constant 0 : i32
      %dma_wait3A_97 = tpu.memref_slice %arg5[%add3A_54, %dma_wait3A_96] : memref<81x128xi32, #tpu.memory_space<vmem>> -> memref<1x128xi32, #tpu.memory_space<vmem>>
      %dma_wait3A_98 = tpu.memref_squeeze %dma_wait3A_97 : memref<1x128xi32, #tpu.memory_space<vmem>> -> memref<128xi32, #tpu.memory_space<vmem>>
      %dma_wait3A_99 = arith.constant 0 : i32
      %dma_wait3A_100 = arith.constant 0 : i32
      %dma_wait3A_101 = tpu.memref_slice %arg8[%dma_wait3A_99, %dma_wait3A_100] : memref<10240x128xbf16, #tpu.memory_space<vmem_shared>> -> memref<10240x128xbf16, #tpu.memory_space<vmem_shared>>
      tpu.wait_indirect_dma semaphore(%arg11 : memref<!tpu.dma_semaphore, #tpu.memory_space<semaphore_mem>>) src(%dma_wait3A_101 : memref<10240x128xbf16, #tpu.memory_space<vmem_shared>>) dst(%dma_wait3A_95 : memref<128x128xbf16, #tpu.memory_space<vmem>>)
      %run_scoped3A_102 = arith.constant 1 : i32
      "tpu.region"() ({
        %run_scoped3A_103 = tpu.sem_alloc : memref<!tpu.dma_semaphore, #tpu.memory_space<semaphore_mem>>
        %dma_start3A_104 = arith.constant 0 : i32
        %dma_start3A_105 = arith.constant 0 : i32
        %dma_start3A_106 = tpu.memref_slice %arg7[%run_scoped3A_102, %dma_start3A_104, %dma_start3A_105] : memref<2x128x128xbf16, #tpu.memory_space<vmem>> -> memref<1x128x128xbf16, #tpu.memory_space<vmem>>
        %dma_start3A_107 = tpu.memref_squeeze %dma_start3A_106 : memref<1x128x128xbf16, #tpu.memory_space<vmem>> -> memref<128x128xbf16, #tpu.memory_space<vmem>>
        %dma_start3A_108 = arith.constant 0 : i32
        %dma_start3A_109 = tpu.memref_slice %arg6[%add3A_54, %dma_start3A_108] : memref<81x128xi32, #tpu.memory_space<vmem>> -> memref<1x128xi32, #tpu.memory_space<vmem>>
        %dma_start3A_110 = tpu.memref_squeeze %dma_start3A_109 : memref<1x128xi32, #tpu.memory_space<vmem>> -> memref<128xi32, #tpu.memory_space<vmem>>
        %dma_start3A_111 = arith.constant 0 : i32
        %dma_start3A_112 = arith.constant 0 : i32
        %dma_start3A_113 = tpu.memref_slice %arg9[%dma_start3A_111, %dma_start3A_112] : memref<10240x128xbf16, #tpu.memory_space<vmem_shared>> -> memref<10240x128xbf16, #tpu.memory_space<vmem_shared>>
        tpu.enqueue_indirect_dma source(%dma_start3A_107 : memref<128x128xbf16, #tpu.memory_space<vmem>>) target(%dma_start3A_113 : memref<10240x128xbf16, #tpu.memory_space<vmem_shared>>) offsets(%dma_start3A_110 : memref<128xi32, #tpu.memory_space<vmem>>) semaphore(%run_scoped3A_103 : memref<!tpu.dma_semaphore, #tpu.memory_space<semaphore_mem>>) {add = true}
        %dma_wait3A_114 = arith.constant 0 : i32
        %dma_wait3A_115 = arith.constant 0 : i32
        %dma_wait3A_116 = tpu.memref_slice %arg7[%run_scoped3A_102, %dma_wait3A_114, %dma_wait3A_115] : memref<2x128x128xbf16, #tpu.memory_space<vmem>> -> memref<1x128x128xbf16, #tpu.memory_space<vmem>>
        %dma_wait3A_117 = tpu.memref_squeeze %dma_wait3A_116 : memref<1x128x128xbf16, #tpu.memory_space<vmem>> -> memref<128x128xbf16, #tpu.memory_space<vmem>>
        %dma_wait3A_118 = arith.constant 0 : i32
        %dma_wait3A_119 = tpu.memref_slice %arg6[%add3A_54, %dma_wait3A_118] : memref<81x128xi32, #tpu.memory_space<vmem>> -> memref<1x128xi32, #tpu.memory_space<vmem>>
        %dma_wait3A_120 = tpu.memref_squeeze %dma_wait3A_119 : memref<1x128xi32, #tpu.memory_space<vmem>> -> memref<128xi32, #tpu.memory_space<vmem>>
        %dma_wait3A_121 = arith.constant 0 : i32
        %dma_wait3A_122 = arith.constant 0 : i32
        %dma_wait3A_123 = tpu.memref_slice %arg9[%dma_wait3A_121, %dma_wait3A_122] : memref<10240x128xbf16, #tpu.memory_space<vmem_shared>> -> memref<10240x128xbf16, #tpu.memory_space<vmem_shared>>
        tpu.wait_indirect_dma semaphore(%run_scoped3A_103 : memref<!tpu.dma_semaphore, #tpu.memory_space<semaphore_mem>>) src(%dma_wait3A_117 : memref<128x128xbf16, #tpu.memory_space<vmem>>) dst(%dma_wait3A_123 : memref<10240x128xbf16, #tpu.memory_space<vmem_shared>>)
        tpu.yield
      }) : () -> ()
    }
    %scan3A_28 = arith.constant 40 : i32
    %dma_wait3A = arith.constant 80 : i32
    %dma_wait3A_29 = arith.constant 0 : i32
    %dma_wait3A_30 = arith.constant 0 : i32
    %dma_wait3A_31 = arith.constant 0 : i32
    %dma_wait3A_32 = tpu.memref_slice %arg7[%dma_wait3A_29, %dma_wait3A_30, %dma_wait3A_31] : memref<2x128x128xbf16, #tpu.memory_space<vmem>> -> memref<1x128x128xbf16, #tpu.memory_space<vmem>>
    %dma_wait3A_33 = tpu.memref_squeeze %dma_wait3A_32 : memref<1x128x128xbf16, #tpu.memory_space<vmem>> -> memref<128x128xbf16, #tpu.memory_space<vmem>>
    %dma_wait3A_34 = arith.constant 0 : i32
    %dma_wait3A_35 = tpu.memref_slice %arg5[%dma_wait3A, %dma_wait3A_34] : memref<81x128xi32, #tpu.memory_space<vmem>> -> memref<1x128xi32, #tpu.memory_space<vmem>>
    %dma_wait3A_36 = tpu.memref_squeeze %dma_wait3A_35 : memref<1x128xi32, #tpu.memory_space<vmem>> -> memref<128xi32, #tpu.memory_space<vmem>>
    %dma_wait3A_37 = arith.constant 0 : i32
    %dma_wait3A_38 = arith.constant 0 : i32
    %dma_wait3A_39 = tpu.memref_slice %arg8[%dma_wait3A_37, %dma_wait3A_38] : memref<10240x128xbf16, #tpu.memory_space<vmem_shared>> -> memref<10240x128xbf16, #tpu.memory_space<vmem_shared>>
    tpu.wait_indirect_dma semaphore(%arg10 : memref<!tpu.dma_semaphore, #tpu.memory_space<semaphore_mem>>) src(%dma_wait3A_39 : memref<10240x128xbf16, #tpu.memory_space<vmem_shared>>) dst(%dma_wait3A_33 : memref<128x128xbf16, #tpu.memory_space<vmem>>)
    %run_scoped3A_40 = arith.constant 0 : i32
    %run_scoped3A_41 = arith.constant 80 : i32
    "tpu.region"() ({
      %run_scoped3A_47 = tpu.sem_alloc : memref<!tpu.dma_semaphore, #tpu.memory_space<semaphore_mem>>
      %dma_start3A_48 = arith.constant 0 : i32
      %dma_start3A_49 = arith.constant 0 : i32
      %dma_start3A_50 = tpu.memref_slice %arg7[%run_scoped3A_40, %dma_start3A_48, %dma_start3A_49] : memref<2x128x128xbf16, #tpu.memory_space<vmem>> -> memref<1x128x128xbf16, #tpu.memory_space<vmem>>
      %dma_start3A_51 = tpu.memref_squeeze %dma_start3A_50 : memref<1x128x128xbf16, #tpu.memory_space<vmem>> -> memref<128x128xbf16, #tpu.memory_space<vmem>>
      %dma_start3A_52 = arith.constant 0 : i32
      %dma_start3A_53 = tpu.memref_slice %arg6[%run_scoped3A_41, %dma_start3A_52] : memref<81x128xi32, #tpu.memory_space<vmem>> -> memref<1x128xi32, #tpu.memory_space<vmem>>
      %dma_start3A_54 = tpu.memref_squeeze %dma_start3A_53 : memref<1x128xi32, #tpu.memory_space<vmem>> -> memref<128xi32, #tpu.memory_space<vmem>>
      %dma_start3A_55 = arith.constant 0 : i32
      %dma_start3A_56 = arith.constant 0 : i32
      %dma_start3A_57 = tpu.memref_slice %arg9[%dma_start3A_55, %dma_start3A_56] : memref<10240x128xbf16, #tpu.memory_space<vmem_shared>> -> memref<10240x128xbf16, #tpu.memory_space<vmem_shared>>
      tpu.enqueue_indirect_dma source(%dma_start3A_51 : memref<128x128xbf16, #tpu.memory_space<vmem>>) target(%dma_start3A_57 : memref<10240x128xbf16, #tpu.memory_space<vmem_shared>>) offsets(%dma_start3A_54 : memref<128xi32, #tpu.memory_space<vmem>>) semaphore(%run_scoped3A_47 : memref<!tpu.dma_semaphore, #tpu.memory_space<semaphore_mem>>) {add = true}
      %dma_wait3A_58 = arith.constant 0 : i32
      %dma_wait3A_59 = arith.constant 0 : i32
      %dma_wait3A_60 = tpu.memref_slice %arg7[%run_scoped3A_40, %dma_wait3A_58, %dma_wait3A_59] : memref<2x128x128xbf16, #tpu.memory_space<vmem>> -> memref<1x128x128xbf16, #tpu.memory_space<vmem>>
      %dma_wait3A_61 = tpu.memref_squeeze %dma_wait3A_60 : memref<1x128x128xbf16, #tpu.memory_space<vmem>> -> memref<128x128xbf16, #tpu.memory_space<vmem>>
      %dma_wait3A_62 = arith.constant 0 : i32
      %dma_wait3A_63 = tpu.memref_slice %arg6[%run_scoped3A_41, %dma_wait3A_62] : memref<81x128xi32, #tpu.memory_space<vmem>> -> memref<1x128xi32, #tpu.memory_space<vmem>>
      %dma_wait3A_64 = tpu.memref_squeeze %dma_wait3A_63 : memref<1x128xi32, #tpu.memory_space<vmem>> -> memref<128xi32, #tpu.memory_space<vmem>>
      %dma_wait3A_65 = arith.constant 0 : i32
      %dma_wait3A_66 = arith.constant 0 : i32
      %dma_wait3A_67 = tpu.memref_slice %arg9[%dma_wait3A_65, %dma_wait3A_66] : memref<10240x128xbf16, #tpu.memory_space<vmem_shared>> -> memref<10240x128xbf16, #tpu.memory_space<vmem_shared>>
      tpu.wait_indirect_dma semaphore(%run_scoped3A_47 : memref<!tpu.dma_semaphore, #tpu.memory_space<semaphore_mem>>) src(%dma_wait3A_61 : memref<128x128xbf16, #tpu.memory_space<vmem>>) dst(%dma_wait3A_67 : memref<10240x128xbf16, #tpu.memory_space<vmem_shared>>)
      tpu.yield
    }) : () -> ()
    %barrier3A_42 = arith.constant 0 : index
    tpu.barrier barrier_id(%barrier3A_42)
    %mul3A_43 = arith.constant 640 : i32
    %mul3A_44 = arith.muli %arg1, %mul3A_43 : i32
    %mul3A_45 = arith.constant 640 : i32
    %mul3A_46 = arith.muli %arg1, %mul3A_45 : i32
    "tpu.region"() ({
      %run_scoped3A_47 = tpu.sem_alloc : memref<!tpu.dma_semaphore, #tpu.memory_space<semaphore_mem>>
      %dma_start3A_48 = arith.constant 0 : i32
      %dma_start3A_49 = tpu.memref_slice %arg4[%arg0, %mul3A_46, %dma_start3A_48] : memref<2x10240x128xbf16, #tpu.memory_space<hbm>> -> memref<1x640x128xbf16, #tpu.memory_space<hbm>>
      %dma_start3A_50 = tpu.memref_squeeze %dma_start3A_49 : memref<1x640x128xbf16, #tpu.memory_space<hbm>> -> memref<640x128xbf16, #tpu.memory_space<hbm>>
      %dma_start3A_51 = arith.constant 0 : i32
      %dma_start3A_52 = tpu.memref_slice %arg9[%mul3A_44, %dma_start3A_51] : memref<10240x128xbf16, #tpu.memory_space<vmem_shared>> -> memref<640x128xbf16, #tpu.memory_space<vmem_shared>>
      tpu.enqueue_dma source(%dma_start3A_52 : memref<640x128xbf16, #tpu.memory_space<vmem_shared>>) target(%dma_start3A_50 : memref<640x128xbf16, #tpu.memory_space<hbm>>) target_semaphore(%run_scoped3A_47 : memref<!tpu.dma_semaphore, #tpu.memory_space<semaphore_mem>>)
      %dma_wait3A_53 = arith.constant 0 : i32
      %dma_wait3A_54 = tpu.memref_slice %arg4[%arg0, %mul3A_46, %dma_wait3A_53] : memref<2x10240x128xbf16, #tpu.memory_space<hbm>> -> memref<1x640x128xbf16, #tpu.memory_space<hbm>>
      %dma_wait3A_55 = tpu.memref_squeeze %dma_wait3A_54 : memref<1x640x128xbf16, #tpu.memory_space<hbm>> -> memref<640x128xbf16, #tpu.memory_space<hbm>>
      %dma_wait3A_56 = arith.constant 0 : i32
      %dma_wait3A_57 = tpu.memref_slice %arg9[%mul3A_44, %dma_wait3A_56] : memref<10240x128xbf16, #tpu.memory_space<vmem_shared>> -> memref<640x128xbf16, #tpu.memory_space<vmem_shared>>
      tpu.wait_dma2 semaphore(%run_scoped3A_47 : memref<!tpu.dma_semaphore, #tpu.memory_space<semaphore_mem>>) src(%dma_wait3A_57 : memref<640x128xbf16, #tpu.memory_space<vmem_shared>>) dst(%dma_wait3A_55 : memref<640x128xbf16, #tpu.memory_space<hbm>>)
      tpu.yield
    }) : () -> ()
    return
  }
}

#map = affine_map<(d0, d1) -> (0, 0)>
#map1 = affine_map<(d0, d1) -> (0, 0, 0, 0, 0)>
#map2 = affine_map<(d0, d1) -> (0, 0, 0)>
module attributes {stable_mosaic.version = 14 : i64} {
  func.func @k(%arg0: i32, %arg1: i32, %arg2: memref<10240x64xbf16, #tpu.memory_space<hbm>>, %arg3: memref<2x2x16x81x128xi32, #tpu.memory_space<hbm>>, %arg4: memref<2x10240x64xbf16, #tpu.memory_space<hbm>>, %arg5: memref<81x128xi32, #tpu.memory_space<vmem>>, %arg6: memref<81x128xi32, #tpu.memory_space<vmem>>, %arg7: memref<2x128x64xbf16, #tpu.memory_space<vmem>>, %arg8: memref<10240x64xbf16, #tpu.memory_space<vmem_shared>>, %arg9: memref<10240x64xbf16, #tpu.memory_space<vmem_shared>>, %arg10: memref<!tpu.dma_semaphore, #tpu.memory_space<semaphore_mem>>, %arg11: memref<!tpu.dma_semaphore, #tpu.memory_space<semaphore_mem>>) attributes {dimension_semantics = [#tpu.dimension_semantics<core_parallel>, #tpu.dimension_semantics<subcore_parallel>], iteration_bounds = array<i64: 2, 16>, scalar_prefetch = 0 : i64, scratch_operands = 7 : i64, tpu.core_type = #tpu.core_type<sc_vector_subcore>, window_params = [{transform_indices = #map}, {transform_indices = #map1}, {transform_indices = #map2}]} {
    %run_scoped3A = arith.constant 0 : i32
    "tpu.region"() ({
      %run_scoped3A_47 = tpu.sem_alloc : memref<!tpu.dma_semaphore, #tpu.memory_space<semaphore_mem>>
      %dma_start3A_48 = arith.constant 0 : i32
      %dma_start3A_49 = arith.constant 0 : i32
      %dma_start3A_50 = tpu.memref_slice %arg3[%run_scoped3A, %arg0, %arg1, %dma_start3A_48, %dma_start3A_49] : memref<2x2x16x81x128xi32, #tpu.memory_space<hbm>> -> memref<1x1x1x81x128xi32, #tpu.memory_space<hbm>>
      %dma_start3A_51 = tpu.memref_squeeze %dma_start3A_50 : memref<1x1x1x81x128xi32, #tpu.memory_space<hbm>> -> memref<81x128xi32, #tpu.memory_space<hbm>>
      %dma_start3A_52 = arith.constant 0 : i32
      %dma_start3A_53 = arith.constant 0 : i32
      %dma_start3A_54 = tpu.memref_slice %arg3[%run_scoped3A, %arg0, %arg1, %dma_start3A_52, %dma_start3A_53] : memref<2x2x16x81x128xi32, #tpu.memory_space<hbm>> -> memref<1x1x1x81x128xi32, #tpu.memory_space<hbm>>
      %dma_start3A_55 = tpu.memref_squeeze %dma_start3A_54 : memref<1x1x1x81x128xi32, #tpu.memory_space<hbm>> -> memref<81x128xi32, #tpu.memory_space<hbm>>
      tpu.enqueue_dma source(%dma_start3A_55 : memref<81x128xi32, #tpu.memory_space<hbm>>) target(%arg5 : memref<81x128xi32, #tpu.memory_space<vmem>>) target_semaphore(%run_scoped3A_47 : memref<!tpu.dma_semaphore, #tpu.memory_space<semaphore_mem>>)
      %dma_wait3A_56 = arith.constant 0 : i32
      %dma_wait3A_57 = arith.constant 0 : i32
      %dma_wait3A_58 = tpu.memref_slice %arg3[%run_scoped3A, %arg0, %arg1, %dma_wait3A_56, %dma_wait3A_57] : memref<2x2x16x81x128xi32, #tpu.memory_space<hbm>> -> memref<1x1x1x81x128xi32, #tpu.memory_space<hbm>>
      %dma_wait3A_59 = tpu.memref_squeeze %dma_wait3A_58 : memref<1x1x1x81x128xi32, #tpu.memory_space<hbm>> -> memref<81x128xi32, #tpu.memory_space<hbm>>
      %dma_wait3A_60 = arith.constant 0 : i32
      %dma_wait3A_61 = arith.constant 0 : i32
      %dma_wait3A_62 = tpu.memref_slice %arg3[%run_scoped3A, %arg0, %arg1, %dma_wait3A_60, %dma_wait3A_61] : memref<2x2x16x81x128xi32, #tpu.memory_space<hbm>> -> memref<1x1x1x81x128xi32, #tpu.memory_space<hbm>>
      %dma_wait3A_63 = tpu.memref_squeeze %dma_wait3A_62 : memref<1x1x1x81x128xi32, #tpu.memory_space<hbm>> -> memref<81x128xi32, #tpu.memory_space<hbm>>
      tpu.wait_dma2 semaphore(%run_scoped3A_47 : memref<!tpu.dma_semaphore, #tpu.memory_space<semaphore_mem>>) src(%dma_wait3A_63 : memref<81x128xi32, #tpu.memory_space<hbm>>) dst(%arg5 : memref<81x128xi32, #tpu.memory_space<vmem>>)
      tpu.yield
    }) : () -> ()
    %run_scoped3A_0 = arith.constant 1 : i32
    "tpu.region"() ({
      %run_scoped3A_47 = tpu.sem_alloc : memref<!tpu.dma_semaphore, #tpu.memory_space<semaphore_mem>>
      %dma_start3A_48 = arith.constant 0 : i32
      %dma_start3A_49 = arith.constant 0 : i32
      %dma_start3A_50 = tpu.memref_slice %arg3[%run_scoped3A_0, %arg0, %arg1, %dma_start3A_48, %dma_start3A_49] : memref<2x2x16x81x128xi32, #tpu.memory_space<hbm>> -> memref<1x1x1x81x128xi32, #tpu.memory_space<hbm>>
      %dma_start3A_51 = tpu.memref_squeeze %dma_start3A_50 : memref<1x1x1x81x128xi32, #tpu.memory_space<hbm>> -> memref<81x128xi32, #tpu.memory_space<hbm>>
      %dma_start3A_52 = arith.constant 0 : i32
      %dma_start3A_53 = arith.constant 0 : i32
      %dma_start3A_54 = tpu.memref_slice %arg3[%run_scoped3A_0, %arg0, %arg1, %dma_start3A_52, %dma_start3A_53] : memref<2x2x16x81x128xi32, #tpu.memory_space<hbm>> -> memref<1x1x1x81x128xi32, #tpu.memory_space<hbm>>
      %dma_start3A_55 = tpu.memref_squeeze %dma_start3A_54 : memref<1x1x1x81x128xi32, #tpu.memory_space<hbm>> -> memref<81x128xi32, #tpu.memory_space<hbm>>
      tpu.enqueue_dma source(%dma_start3A_55 : memref<81x128xi32, #tpu.memory_space<hbm>>) target(%arg6 : memref<81x128xi32, #tpu.memory_space<vmem>>) target_semaphore(%run_scoped3A_47 : memref<!tpu.dma_semaphore, #tpu.memory_space<semaphore_mem>>)
      %dma_wait3A_56 = arith.constant 0 : i32
      %dma_wait3A_57 = arith.constant 0 : i32
      %dma_wait3A_58 = tpu.memref_slice %arg3[%run_scoped3A_0, %arg0, %arg1, %dma_wait3A_56, %dma_wait3A_57] : memref<2x2x16x81x128xi32, #tpu.memory_space<hbm>> -> memref<1x1x1x81x128xi32, #tpu.memory_space<hbm>>
      %dma_wait3A_59 = tpu.memref_squeeze %dma_wait3A_58 : memref<1x1x1x81x128xi32, #tpu.memory_space<hbm>> -> memref<81x128xi32, #tpu.memory_space<hbm>>
      %dma_wait3A_60 = arith.constant 0 : i32
      %dma_wait3A_61 = arith.constant 0 : i32
      %dma_wait3A_62 = tpu.memref_slice %arg3[%run_scoped3A_0, %arg0, %arg1, %dma_wait3A_60, %dma_wait3A_61] : memref<2x2x16x81x128xi32, #tpu.memory_space<hbm>> -> memref<1x1x1x81x128xi32, #tpu.memory_space<hbm>>
      %dma_wait3A_63 = tpu.memref_squeeze %dma_wait3A_62 : memref<1x1x1x81x128xi32, #tpu.memory_space<hbm>> -> memref<81x128xi32, #tpu.memory_space<hbm>>
      tpu.wait_dma2 semaphore(%run_scoped3A_47 : memref<!tpu.dma_semaphore, #tpu.memory_space<semaphore_mem>>) src(%dma_wait3A_63 : memref<81x128xi32, #tpu.memory_space<hbm>>) dst(%arg6 : memref<81x128xi32, #tpu.memory_space<vmem>>)
      tpu.yield
    }) : () -> ()
    %mul3A = arith.constant 640 : i32
    %mul3A_1 = arith.muli %arg1, %mul3A : i32
    %mul3A_2 = arith.constant 640 : i32
    %mul3A_3 = arith.muli %arg1, %mul3A_2 : i32
    "tpu.region"() ({
      %run_scoped3A_47 = tpu.sem_alloc : memref<!tpu.dma_semaphore, #tpu.memory_space<semaphore_mem>>
      %dma_start3A_48 = arith.constant 0 : i32
      %dma_start3A_49 = tpu.memref_slice %arg8[%mul3A_3, %dma_start3A_48] : memref<10240x64xbf16, #tpu.memory_space<vmem_shared>> -> memref<640x64xbf16, #tpu.memory_space<vmem_shared>>
      %dma_start3A_50 = arith.constant 0 : i32
      %dma_start3A_51 = tpu.memref_slice %arg2[%mul3A_1, %dma_start3A_50] : memref<10240x64xbf16, #tpu.memory_space<hbm>> -> memref<640x64xbf16, #tpu.memory_space<hbm>>
      tpu.enqueue_dma source(%dma_start3A_51 : memref<640x64xbf16, #tpu.memory_space<hbm>>) target(%dma_start3A_49 : memref<640x64xbf16, #tpu.memory_space<vmem_shared>>) target_semaphore(%run_scoped3A_47 : memref<!tpu.dma_semaphore, #tpu.memory_space<semaphore_mem>>)
      %dma_wait3A_52 = arith.constant 0 : i32
      %dma_wait3A_53 = tpu.memref_slice %arg8[%mul3A_3, %dma_wait3A_52] : memref<10240x64xbf16, #tpu.memory_space<vmem_shared>> -> memref<640x64xbf16, #tpu.memory_space<vmem_shared>>
      %dma_wait3A_54 = arith.constant 0 : i32
      %dma_wait3A_55 = tpu.memref_slice %arg2[%mul3A_1, %dma_wait3A_54] : memref<10240x64xbf16, #tpu.memory_space<hbm>> -> memref<640x64xbf16, #tpu.memory_space<hbm>>
      tpu.wait_dma2 semaphore(%run_scoped3A_47 : memref<!tpu.dma_semaphore, #tpu.memory_space<semaphore_mem>>) src(%dma_wait3A_55 : memref<640x64xbf16, #tpu.memory_space<hbm>>) dst(%dma_wait3A_53 : memref<640x64xbf16, #tpu.memory_space<vmem_shared>>)
      tpu.yield
    }) : () -> ()
    %scan3A = arith.constant 0 : i32
    %scan3A_4 = arith.constant 128 : i32
    %scan3A_5 = arith.addi %scan3A, %scan3A_4 : i32
    %scan3A_6 = arith.constant 1 : i32
    scf.for %scan3A_47 = %scan3A to %scan3A_5 step %scan3A_6  : i32 {
      %mul3A_48 = arith.constant 1 : i32
      %mul3A_49 = arith.muli %scan3A_47, %mul3A_48 : i32
      %add3A = arith.constant 0 : i32
      %add3A_50 = arith.addi %add3A, %mul3A_49 : i32
      %broadcast_in_dim3A = arith.constant 0.000000e+00 : bf16
      %broadcast_in_dim3A_51 = vector.broadcast %broadcast_in_dim3A : bf16 to vector<32xbf16>
      %swap3A = arith.constant 0 : i32
      %swap3A_52 = arith.index_cast %swap3A : i32 to index
      %swap3A_53 = arith.index_cast %add3A_50 : i32 to index
      %swap3A_54 = arith.constant 0 : index
      %swap3A_55 = tpu.vector_load %arg7[%swap3A_52, %swap3A_53, %swap3A_54] {strides = array<i32>} : memref<2x128x64xbf16, #tpu.memory_space<vmem>>, vector<1x1x32xbf16>,
      %swap3A_56 = vector.shape_cast %swap3A_55 : vector<1x1x32xbf16> to vector<32xbf16>
      %swap3A_57 = vector.shape_cast %broadcast_in_dim3A_51 : vector<32xbf16> to vector<1x1x32xbf16>
      tpu.vector_store %arg7[%swap3A_52, %swap3A_53, %swap3A_54], %swap3A_57 {strides = array<i32>} : memref<2x128x64xbf16, #tpu.memory_space<vmem>>, vector<1x1x32xbf16>,
      %broadcast_in_dim3A_58 = arith.constant 0.000000e+00 : bf16
      %broadcast_in_dim3A_59 = vector.broadcast %broadcast_in_dim3A_58 : bf16 to vector<32xbf16>
      %swap3A_60 = arith.constant 0 : i32
      %swap3A_61 = arith.index_cast %swap3A_60 : i32 to index
      %swap3A_62 = arith.index_cast %add3A_50 : i32 to index
      %swap3A_63 = arith.constant 32 : index
      %swap3A_64 = tpu.vector_load %arg7[%swap3A_61, %swap3A_62, %swap3A_63] {strides = array<i32>} : memref<2x128x64xbf16, #tpu.memory_space<vmem>>, vector<1x1x32xbf16>,
      %swap3A_65 = vector.shape_cast %swap3A_64 : vector<1x1x32xbf16> to vector<32xbf16>
      %swap3A_66 = vector.shape_cast %broadcast_in_dim3A_59 : vector<32xbf16> to vector<1x1x32xbf16>
      tpu.vector_store %arg7[%swap3A_61, %swap3A_62, %swap3A_63], %swap3A_66 {strides = array<i32>} : memref<2x128x64xbf16, #tpu.memory_space<vmem>>, vector<1x1x32xbf16>,
    }
    %scan3A_7 = arith.constant 128 : i32
    %scan3A_8 = arith.constant 0 : i32
    %scan3A_9 = arith.constant 5 : i32
    %scan3A_10 = arith.addi %scan3A_8, %scan3A_9 : i32
    %scan3A_11 = arith.constant 1 : i32
    scf.for %scan3A_47 = %scan3A_8 to %scan3A_10 step %scan3A_11  : i32 {
      %mul3A_48 = arith.constant 128 : i32
      %mul3A_49 = arith.muli %scan3A_47, %mul3A_48 : i32
      %add3A = arith.constant 0 : i32
      %add3A_50 = arith.addi %add3A, %mul3A_49 : i32
      %mul3A_51 = arith.constant 640 : i32
      %mul3A_52 = arith.muli %arg1, %mul3A_51 : i32
      %add3A_53 = arith.addi %mul3A_52, %add3A_50 : i32
      %run_scoped3A_54 = arith.constant 0 : i32
      "tpu.region"() ({
        %run_scoped3A_55 = tpu.sem_alloc : memref<!tpu.dma_semaphore, #tpu.memory_space<semaphore_mem>>
        %dma_start3A_56 = arith.constant 0 : i32
        %dma_start3A_57 = arith.constant 0 : i32
        %dma_start3A_58 = tpu.memref_slice %arg7[%run_scoped3A_54, %dma_start3A_56, %dma_start3A_57] : memref<2x128x64xbf16, #tpu.memory_space<vmem>> -> memref<1x128x64xbf16, #tpu.memory_space<vmem>>
        %dma_start3A_59 = tpu.memref_squeeze %dma_start3A_58 : memref<1x128x64xbf16, #tpu.memory_space<vmem>> -> memref<128x64xbf16, #tpu.memory_space<vmem>>
        %dma_start3A_60 = arith.constant 0 : i32
        %dma_start3A_61 = tpu.memref_slice %arg9[%add3A_53, %dma_start3A_60] : memref<10240x64xbf16, #tpu.memory_space<vmem_shared>> -> memref<128x64xbf16, #tpu.memory_space<vmem_shared>>
        %dma_start3A_62 = arith.constant 0 : i32
        %dma_start3A_63 = tpu.memref_slice %arg9[%add3A_53, %dma_start3A_62] : memref<10240x64xbf16, #tpu.memory_space<vmem_shared>> -> memref<128x64xbf16, #tpu.memory_space<vmem_shared>>
        %dma_start3A_64 = arith.constant 0 : i32
        %dma_start3A_65 = arith.constant 0 : i32
        %dma_start3A_66 = tpu.memref_slice %arg7[%run_scoped3A_54, %dma_start3A_64, %dma_start3A_65] : memref<2x128x64xbf16, #tpu.memory_space<vmem>> -> memref<1x128x64xbf16, #tpu.memory_space<vmem>>
        %dma_start3A_67 = tpu.memref_squeeze %dma_start3A_66 : memref<1x128x64xbf16, #tpu.memory_space<vmem>> -> memref<128x64xbf16, #tpu.memory_space<vmem>>
        tpu.enqueue_dma source(%dma_start3A_67 : memref<128x64xbf16, #tpu.memory_space<vmem>>) target(%dma_start3A_63 : memref<128x64xbf16, #tpu.memory_space<vmem_shared>>) target_semaphore(%run_scoped3A_55 : memref<!tpu.dma_semaphore, #tpu.memory_space<semaphore_mem>>)
        %dma_wait3A_68 = arith.constant 0 : i32
        %dma_wait3A_69 = arith.constant 0 : i32
        %dma_wait3A_70 = tpu.memref_slice %arg7[%run_scoped3A_54, %dma_wait3A_68, %dma_wait3A_69] : memref<2x128x64xbf16, #tpu.memory_space<vmem>> -> memref<1x128x64xbf16, #tpu.memory_space<vmem>>
        %dma_wait3A_71 = tpu.memref_squeeze %dma_wait3A_70 : memref<1x128x64xbf16, #tpu.memory_space<vmem>> -> memref<128x64xbf16, #tpu.memory_space<vmem>>
        %dma_wait3A_72 = arith.constant 0 : i32
        %dma_wait3A_73 = tpu.memref_slice %arg9[%add3A_53, %dma_wait3A_72] : memref<10240x64xbf16, #tpu.memory_space<vmem_shared>> -> memref<128x64xbf16, #tpu.memory_space<vmem_shared>>
        %dma_wait3A_74 = arith.constant 0 : i32
        %dma_wait3A_75 = tpu.memref_slice %arg9[%add3A_53, %dma_wait3A_74] : memref<10240x64xbf16, #tpu.memory_space<vmem_shared>> -> memref<128x64xbf16, #tpu.memory_space<vmem_shared>>
        %dma_wait3A_76 = arith.constant 0 : i32
        %dma_wait3A_77 = arith.constant 0 : i32
        %dma_wait3A_78 = tpu.memref_slice %arg7[%run_scoped3A_54, %dma_wait3A_76, %dma_wait3A_77] : memref<2x128x64xbf16, #tpu.memory_space<vmem>> -> memref<1x128x64xbf16, #tpu.memory_space<vmem>>
        %dma_wait3A_79 = tpu.memref_squeeze %dma_wait3A_78 : memref<1x128x64xbf16, #tpu.memory_space<vmem>> -> memref<128x64xbf16, #tpu.memory_space<vmem>>
        tpu.wait_dma2 semaphore(%run_scoped3A_55 : memref<!tpu.dma_semaphore, #tpu.memory_space<semaphore_mem>>) src(%dma_wait3A_79 : memref<128x64xbf16, #tpu.memory_space<vmem>>) dst(%dma_wait3A_75 : memref<128x64xbf16, #tpu.memory_space<vmem_shared>>)
        tpu.yield
      }) : () -> ()
    }
    %scan3A_12 = arith.constant 5 : i32
    %barrier3A = arith.constant 0 : index
    tpu.barrier barrier_id(%barrier3A)
    %dma_start3A = arith.constant 0 : i32
    %dma_start3A_13 = arith.constant 0 : i32
    %dma_start3A_14 = arith.constant 0 : i32
    %dma_start3A_15 = arith.constant 0 : i32
    %dma_start3A_16 = tpu.memref_slice %arg7[%dma_start3A_13, %dma_start3A_14, %dma_start3A_15] : memref<2x128x64xbf16, #tpu.memory_space<vmem>> -> memref<1x128x64xbf16, #tpu.memory_space<vmem>>
    %dma_start3A_17 = tpu.memref_squeeze %dma_start3A_16 : memref<1x128x64xbf16, #tpu.memory_space<vmem>> -> memref<128x64xbf16, #tpu.memory_space<vmem>>
    %dma_start3A_18 = arith.constant 0 : i32
    %dma_start3A_19 = tpu.memref_slice %arg5[%dma_start3A, %dma_start3A_18] : memref<81x128xi32, #tpu.memory_space<vmem>> -> memref<1x128xi32, #tpu.memory_space<vmem>>
    %dma_start3A_20 = tpu.memref_squeeze %dma_start3A_19 : memref<1x128xi32, #tpu.memory_space<vmem>> -> memref<128xi32, #tpu.memory_space<vmem>>
    %dma_start3A_21 = arith.constant 0 : i32
    %dma_start3A_22 = arith.constant 0 : i32
    %dma_start3A_23 = tpu.memref_slice %arg8[%dma_start3A_21, %dma_start3A_22] : memref<10240x64xbf16, #tpu.memory_space<vmem_shared>> -> memref<10240x64xbf16, #tpu.memory_space<vmem_shared>>
    tpu.enqueue_indirect_dma source(%dma_start3A_23 : memref<10240x64xbf16, #tpu.memory_space<vmem_shared>>) target(%dma_start3A_17 : memref<128x64xbf16, #tpu.memory_space<vmem>>) offsets(%dma_start3A_20 : memref<128xi32, #tpu.memory_space<vmem>>) semaphore(%arg10 : memref<!tpu.dma_semaphore, #tpu.memory_space<semaphore_mem>>)
    %scan3A_24 = arith.constant 0 : i32
    %scan3A_25 = arith.constant 40 : i32
    %scan3A_26 = arith.addi %scan3A_24, %scan3A_25 : i32
    %scan3A_27 = arith.constant 1 : i32
    scf.for %scan3A_47 = %scan3A_24 to %scan3A_26 step %scan3A_27  : i32 {
      %mul3A_48 = arith.constant 1 : i32
      %mul3A_49 = arith.muli %scan3A_47, %mul3A_48 : i32
      %add3A = arith.constant 0 : i32
      %add3A_50 = arith.addi %add3A, %mul3A_49 : i32
      %mul3A_51 = arith.constant 2 : i32
      %mul3A_52 = arith.muli %add3A_50, %mul3A_51 : i32
      %add3A_53 = arith.constant 1 : i32
      %add3A_54 = arith.addi %mul3A_52, %add3A_53 : i32
      %dma_start3A_55 = arith.constant 1 : i32
      %dma_start3A_56 = arith.constant 0 : i32
      %dma_start3A_57 = arith.constant 0 : i32
      %dma_start3A_58 = tpu.memref_slice %arg7[%dma_start3A_55, %dma_start3A_56, %dma_start3A_57] : memref<2x128x64xbf16, #tpu.memory_space<vmem>> -> memref<1x128x64xbf16, #tpu.memory_space<vmem>>
      %dma_start3A_59 = tpu.memref_squeeze %dma_start3A_58 : memref<1x128x64xbf16, #tpu.memory_space<vmem>> -> memref<128x64xbf16, #tpu.memory_space<vmem>>
      %dma_start3A_60 = arith.constant 0 : i32
      %dma_start3A_61 = tpu.memref_slice %arg5[%add3A_54, %dma_start3A_60] : memref<81x128xi32, #tpu.memory_space<vmem>> -> memref<1x128xi32, #tpu.memory_space<vmem>>
      %dma_start3A_62 = tpu.memref_squeeze %dma_start3A_61 : memref<1x128xi32, #tpu.memory_space<vmem>> -> memref<128xi32, #tpu.memory_space<vmem>>
      %dma_start3A_63 = arith.constant 0 : i32
      %dma_start3A_64 = arith.constant 0 : i32
      %dma_start3A_65 = tpu.memref_slice %arg8[%dma_start3A_63, %dma_start3A_64] : memref<10240x64xbf16, #tpu.memory_space<vmem_shared>> -> memref<10240x64xbf16, #tpu.memory_space<vmem_shared>>
      tpu.enqueue_indirect_dma source(%dma_start3A_65 : memref<10240x64xbf16, #tpu.memory_space<vmem_shared>>) target(%dma_start3A_59 : memref<128x64xbf16, #tpu.memory_space<vmem>>) offsets(%dma_start3A_62 : memref<128xi32, #tpu.memory_space<vmem>>) semaphore(%arg11 : memref<!tpu.dma_semaphore, #tpu.memory_space<semaphore_mem>>)
      %dma_wait3A_66 = arith.constant 0 : i32
      %dma_wait3A_67 = arith.constant 0 : i32
      %dma_wait3A_68 = arith.constant 0 : i32
      %dma_wait3A_69 = tpu.memref_slice %arg7[%dma_wait3A_66, %dma_wait3A_67, %dma_wait3A_68] : memref<2x128x64xbf16, #tpu.memory_space<vmem>> -> memref<1x128x64xbf16, #tpu.memory_space<vmem>>
      %dma_wait3A_70 = tpu.memref_squeeze %dma_wait3A_69 : memref<1x128x64xbf16, #tpu.memory_space<vmem>> -> memref<128x64xbf16, #tpu.memory_space<vmem>>
      %dma_wait3A_71 = arith.constant 0 : i32
      %dma_wait3A_72 = tpu.memref_slice %arg5[%mul3A_52, %dma_wait3A_71] : memref<81x128xi32, #tpu.memory_space<vmem>> -> memref<1x128xi32, #tpu.memory_space<vmem>>
      %dma_wait3A_73 = tpu.memref_squeeze %dma_wait3A_72 : memref<1x128xi32, #tpu.memory_space<vmem>> -> memref<128xi32, #tpu.memory_space<vmem>>
      %dma_wait3A_74 = arith.constant 0 : i32
      %dma_wait3A_75 = arith.constant 0 : i32
      %dma_wait3A_76 = tpu.memref_slice %arg8[%dma_wait3A_74, %dma_wait3A_75] : memref<10240x64xbf16, #tpu.memory_space<vmem_shared>> -> memref<10240x64xbf16, #tpu.memory_space<vmem_shared>>
      tpu.wait_indirect_dma semaphore(%arg10 : memref<!tpu.dma_semaphore, #tpu.memory_space<semaphore_mem>>) src(%dma_wait3A_76 : memref<10240x64xbf16, #tpu.memory_space<vmem_shared>>) dst(%dma_wait3A_70 : memref<128x64xbf16, #tpu.memory_space<vmem>>)
      %run_scoped3A_77 = arith.constant 0 : i32
      "tpu.region"() ({
        %run_scoped3A_103 = tpu.sem_alloc : memref<!tpu.dma_semaphore, #tpu.memory_space<semaphore_mem>>
        %dma_start3A_104 = arith.constant 0 : i32
        %dma_start3A_105 = arith.constant 0 : i32
        %dma_start3A_106 = tpu.memref_slice %arg7[%run_scoped3A_77, %dma_start3A_104, %dma_start3A_105] : memref<2x128x64xbf16, #tpu.memory_space<vmem>> -> memref<1x128x64xbf16, #tpu.memory_space<vmem>>
        %dma_start3A_107 = tpu.memref_squeeze %dma_start3A_106 : memref<1x128x64xbf16, #tpu.memory_space<vmem>> -> memref<128x64xbf16, #tpu.memory_space<vmem>>
        %dma_start3A_108 = arith.constant 0 : i32
        %dma_start3A_109 = tpu.memref_slice %arg6[%mul3A_52, %dma_start3A_108] : memref<81x128xi32, #tpu.memory_space<vmem>> -> memref<1x128xi32, #tpu.memory_space<vmem>>
        %dma_start3A_110 = tpu.memref_squeeze %dma_start3A_109 : memref<1x128xi32, #tpu.memory_space<vmem>> -> memref<128xi32, #tpu.memory_space<vmem>>
        %dma_start3A_111 = arith.constant 0 : i32
        %dma_start3A_112 = arith.constant 0 : i32
        %dma_start3A_113 = tpu.memref_slice %arg9[%dma_start3A_111, %dma_start3A_112] : memref<10240x64xbf16, #tpu.memory_space<vmem_shared>> -> memref<10240x64xbf16, #tpu.memory_space<vmem_shared>>
        tpu.enqueue_indirect_dma source(%dma_start3A_107 : memref<128x64xbf16, #tpu.memory_space<vmem>>) target(%dma_start3A_113 : memref<10240x64xbf16, #tpu.memory_space<vmem_shared>>) offsets(%dma_start3A_110 : memref<128xi32, #tpu.memory_space<vmem>>) semaphore(%run_scoped3A_103 : memref<!tpu.dma_semaphore, #tpu.memory_space<semaphore_mem>>) {add = true}
        %dma_wait3A_114 = arith.constant 0 : i32
        %dma_wait3A_115 = arith.constant 0 : i32
        %dma_wait3A_116 = tpu.memref_slice %arg7[%run_scoped3A_77, %dma_wait3A_114, %dma_wait3A_115] : memref<2x128x64xbf16, #tpu.memory_space<vmem>> -> memref<1x128x64xbf16, #tpu.memory_space<vmem>>
        %dma_wait3A_117 = tpu.memref_squeeze %dma_wait3A_116 : memref<1x128x64xbf16, #tpu.memory_space<vmem>> -> memref<128x64xbf16, #tpu.memory_space<vmem>>
        %dma_wait3A_118 = arith.constant 0 : i32
        %dma_wait3A_119 = tpu.memref_slice %arg6[%mul3A_52, %dma_wait3A_118] : memref<81x128xi32, #tpu.memory_space<vmem>> -> memref<1x128xi32, #tpu.memory_space<vmem>>
        %dma_wait3A_120 = tpu.memref_squeeze %dma_wait3A_119 : memref<1x128xi32, #tpu.memory_space<vmem>> -> memref<128xi32, #tpu.memory_space<vmem>>
        %dma_wait3A_121 = arith.constant 0 : i32
        %dma_wait3A_122 = arith.constant 0 : i32
        %dma_wait3A_123 = tpu.memref_slice %arg9[%dma_wait3A_121, %dma_wait3A_122] : memref<10240x64xbf16, #tpu.memory_space<vmem_shared>> -> memref<10240x64xbf16, #tpu.memory_space<vmem_shared>>
        tpu.wait_indirect_dma semaphore(%run_scoped3A_103 : memref<!tpu.dma_semaphore, #tpu.memory_space<semaphore_mem>>) src(%dma_wait3A_117 : memref<128x64xbf16, #tpu.memory_space<vmem>>) dst(%dma_wait3A_123 : memref<10240x64xbf16, #tpu.memory_space<vmem_shared>>)
        tpu.yield
      }) : () -> ()
      %add3A_78 = arith.constant 2 : i32
      %add3A_79 = arith.addi %mul3A_52, %add3A_78 : i32
      %dma_start3A_80 = arith.constant 0 : i32
      %dma_start3A_81 = arith.constant 0 : i32
      %dma_start3A_82 = arith.constant 0 : i32
      %dma_start3A_83 = tpu.memref_slice %arg7[%dma_start3A_80, %dma_start3A_81, %dma_start3A_82] : memref<2x128x64xbf16, #tpu.memory_space<vmem>> -> memref<1x128x64xbf16, #tpu.memory_space<vmem>>
      %dma_start3A_84 = tpu.memref_squeeze %dma_start3A_83 : memref<1x128x64xbf16, #tpu.memory_space<vmem>> -> memref<128x64xbf16, #tpu.memory_space<vmem>>
      %dma_start3A_85 = arith.constant 0 : i32
      %dma_start3A_86 = tpu.memref_slice %arg5[%add3A_79, %dma_start3A_85] : memref<81x128xi32, #tpu.memory_space<vmem>> -> memref<1x128xi32, #tpu.memory_space<vmem>>
      %dma_start3A_87 = tpu.memref_squeeze %dma_start3A_86 : memref<1x128xi32, #tpu.memory_space<vmem>> -> memref<128xi32, #tpu.memory_space<vmem>>
      %dma_start3A_88 = arith.constant 0 : i32
      %dma_start3A_89 = arith.constant 0 : i32
      %dma_start3A_90 = tpu.memref_slice %arg8[%dma_start3A_88, %dma_start3A_89] : memref<10240x64xbf16, #tpu.memory_space<vmem_shared>> -> memref<10240x64xbf16, #tpu.memory_space<vmem_shared>>
      tpu.enqueue_indirect_dma source(%dma_start3A_90 : memref<10240x64xbf16, #tpu.memory_space<vmem_shared>>) target(%dma_start3A_84 : memref<128x64xbf16, #tpu.memory_space<vmem>>) offsets(%dma_start3A_87 : memref<128xi32, #tpu.memory_space<vmem>>) semaphore(%arg10 : memref<!tpu.dma_semaphore, #tpu.memory_space<semaphore_mem>>)
      %dma_wait3A_91 = arith.constant 1 : i32
      %dma_wait3A_92 = arith.constant 0 : i32
      %dma_wait3A_93 = arith.constant 0 : i32
      %dma_wait3A_94 = tpu.memref_slice %arg7[%dma_wait3A_91, %dma_wait3A_92, %dma_wait3A_93] : memref<2x128x64xbf16, #tpu.memory_space<vmem>> -> memref<1x128x64xbf16, #tpu.memory_space<vmem>>
      %dma_wait3A_95 = tpu.memref_squeeze %dma_wait3A_94 : memref<1x128x64xbf16, #tpu.memory_space<vmem>> -> memref<128x64xbf16, #tpu.memory_space<vmem>>
      %dma_wait3A_96 = arith.constant 0 : i32
      %dma_wait3A_97 = tpu.memref_slice %arg5[%add3A_54, %dma_wait3A_96] : memref<81x128xi32, #tpu.memory_space<vmem>> -> memref<1x128xi32, #tpu.memory_space<vmem>>
      %dma_wait3A_98 = tpu.memref_squeeze %dma_wait3A_97 : memref<1x128xi32, #tpu.memory_space<vmem>> -> memref<128xi32, #tpu.memory_space<vmem>>
      %dma_wait3A_99 = arith.constant 0 : i32
      %dma_wait3A_100 = arith.constant 0 : i32
      %dma_wait3A_101 = tpu.memref_slice %arg8[%dma_wait3A_99, %dma_wait3A_100] : memref<10240x64xbf16, #tpu.memory_space<vmem_shared>> -> memref<10240x64xbf16, #tpu.memory_space<vmem_shared>>
      tpu.wait_indirect_dma semaphore(%arg11 : memref<!tpu.dma_semaphore, #tpu.memory_space<semaphore_mem>>) src(%dma_wait3A_101 : memref<10240x64xbf16, #tpu.memory_space<vmem_shared>>) dst(%dma_wait3A_95 : memref<128x64xbf16, #tpu.memory_space<vmem>>)
      %run_scoped3A_102 = arith.constant 1 : i32
      "tpu.region"() ({
        %run_scoped3A_103 = tpu.sem_alloc : memref<!tpu.dma_semaphore, #tpu.memory_space<semaphore_mem>>
        %dma_start3A_104 = arith.constant 0 : i32
        %dma_start3A_105 = arith.constant 0 : i32
        %dma_start3A_106 = tpu.memref_slice %arg7[%run_scoped3A_102, %dma_start3A_104, %dma_start3A_105] : memref<2x128x64xbf16, #tpu.memory_space<vmem>> -> memref<1x128x64xbf16, #tpu.memory_space<vmem>>
        %dma_start3A_107 = tpu.memref_squeeze %dma_start3A_106 : memref<1x128x64xbf16, #tpu.memory_space<vmem>> -> memref<128x64xbf16, #tpu.memory_space<vmem>>
        %dma_start3A_108 = arith.constant 0 : i32
        %dma_start3A_109 = tpu.memref_slice %arg6[%add3A_54, %dma_start3A_108] : memref<81x128xi32, #tpu.memory_space<vmem>> -> memref<1x128xi32, #tpu.memory_space<vmem>>
        %dma_start3A_110 = tpu.memref_squeeze %dma_start3A_109 : memref<1x128xi32, #tpu.memory_space<vmem>> -> memref<128xi32, #tpu.memory_space<vmem>>
        %dma_start3A_111 = arith.constant 0 : i32
        %dma_start3A_112 = arith.constant 0 : i32
        %dma_start3A_113 = tpu.memref_slice %arg9[%dma_start3A_111, %dma_start3A_112] : memref<10240x64xbf16, #tpu.memory_space<vmem_shared>> -> memref<10240x64xbf16, #tpu.memory_space<vmem_shared>>
        tpu.enqueue_indirect_dma source(%dma_start3A_107 : memref<128x64xbf16, #tpu.memory_space<vmem>>) target(%dma_start3A_113 : memref<10240x64xbf16, #tpu.memory_space<vmem_shared>>) offsets(%dma_start3A_110 : memref<128xi32, #tpu.memory_space<vmem>>) semaphore(%run_scoped3A_103 : memref<!tpu.dma_semaphore, #tpu.memory_space<semaphore_mem>>) {add = true}
        %dma_wait3A_114 = arith.constant 0 : i32
        %dma_wait3A_115 = arith.constant 0 : i32
        %dma_wait3A_116 = tpu.memref_slice %arg7[%run_scoped3A_102, %dma_wait3A_114, %dma_wait3A_115] : memref<2x128x64xbf16, #tpu.memory_space<vmem>> -> memref<1x128x64xbf16, #tpu.memory_space<vmem>>
        %dma_wait3A_117 = tpu.memref_squeeze %dma_wait3A_116 : memref<1x128x64xbf16, #tpu.memory_space<vmem>> -> memref<128x64xbf16, #tpu.memory_space<vmem>>
        %dma_wait3A_118 = arith.constant 0 : i32
        %dma_wait3A_119 = tpu.memref_slice %arg6[%add3A_54, %dma_wait3A_118] : memref<81x128xi32, #tpu.memory_space<vmem>> -> memref<1x128xi32, #tpu.memory_space<vmem>>
        %dma_wait3A_120 = tpu.memref_squeeze %dma_wait3A_119 : memref<1x128xi32, #tpu.memory_space<vmem>> -> memref<128xi32, #tpu.memory_space<vmem>>
        %dma_wait3A_121 = arith.constant 0 : i32
        %dma_wait3A_122 = arith.constant 0 : i32
        %dma_wait3A_123 = tpu.memref_slice %arg9[%dma_wait3A_121, %dma_wait3A_122] : memref<10240x64xbf16, #tpu.memory_space<vmem_shared>> -> memref<10240x64xbf16, #tpu.memory_space<vmem_shared>>
        tpu.wait_indirect_dma semaphore(%run_scoped3A_103 : memref<!tpu.dma_semaphore, #tpu.memory_space<semaphore_mem>>) src(%dma_wait3A_117 : memref<128x64xbf16, #tpu.memory_space<vmem>>) dst(%dma_wait3A_123 : memref<10240x64xbf16, #tpu.memory_space<vmem_shared>>)
        tpu.yield
      }) : () -> ()
    }
    %scan3A_28 = arith.constant 40 : i32
    %dma_wait3A = arith.constant 80 : i32
    %dma_wait3A_29 = arith.constant 0 : i32
    %dma_wait3A_30 = arith.constant 0 : i32
    %dma_wait3A_31 = arith.constant 0 : i32
    %dma_wait3A_32 = tpu.memref_slice %arg7[%dma_wait3A_29, %dma_wait3A_30, %dma_wait3A_31] : memref<2x128x64xbf16, #tpu.memory_space<vmem>> -> memref<1x128x64xbf16, #tpu.memory_space<vmem>>
    %dma_wait3A_33 = tpu.memref_squeeze %dma_wait3A_32 : memref<1x128x64xbf16, #tpu.memory_space<vmem>> -> memref<128x64xbf16, #tpu.memory_space<vmem>>
    %dma_wait3A_34 = arith.constant 0 : i32
    %dma_wait3A_35 = tpu.memref_slice %arg5[%dma_wait3A, %dma_wait3A_34] : memref<81x128xi32, #tpu.memory_space<vmem>> -> memref<1x128xi32, #tpu.memory_space<vmem>>
    %dma_wait3A_36 = tpu.memref_squeeze %dma_wait3A_35 : memref<1x128xi32, #tpu.memory_space<vmem>> -> memref<128xi32, #tpu.memory_space<vmem>>
    %dma_wait3A_37 = arith.constant 0 : i32
    %dma_wait3A_38 = arith.constant 0 : i32
    %dma_wait3A_39 = tpu.memref_slice %arg8[%dma_wait3A_37, %dma_wait3A_38] : memref<10240x64xbf16, #tpu.memory_space<vmem_shared>> -> memref<10240x64xbf16, #tpu.memory_space<vmem_shared>>
    tpu.wait_indirect_dma semaphore(%arg10 : memref<!tpu.dma_semaphore, #tpu.memory_space<semaphore_mem>>) src(%dma_wait3A_39 : memref<10240x64xbf16, #tpu.memory_space<vmem_shared>>) dst(%dma_wait3A_33 : memref<128x64xbf16, #tpu.memory_space<vmem>>)
    %run_scoped3A_40 = arith.constant 0 : i32
    %run_scoped3A_41 = arith.constant 80 : i32
    "tpu.region"() ({
      %run_scoped3A_47 = tpu.sem_alloc : memref<!tpu.dma_semaphore, #tpu.memory_space<semaphore_mem>>
      %dma_start3A_48 = arith.constant 0 : i32
      %dma_start3A_49 = arith.constant 0 : i32
      %dma_start3A_50 = tpu.memref_slice %arg7[%run_scoped3A_40, %dma_start3A_48, %dma_start3A_49] : memref<2x128x64xbf16, #tpu.memory_space<vmem>> -> memref<1x128x64xbf16, #tpu.memory_space<vmem>>
      %dma_start3A_51 = tpu.memref_squeeze %dma_start3A_50 : memref<1x128x64xbf16, #tpu.memory_space<vmem>> -> memref<128x64xbf16, #tpu.memory_space<vmem>>
      %dma_start3A_52 = arith.constant 0 : i32
      %dma_start3A_53 = tpu.memref_slice %arg6[%run_scoped3A_41, %dma_start3A_52] : memref<81x128xi32, #tpu.memory_space<vmem>> -> memref<1x128xi32, #tpu.memory_space<vmem>>
      %dma_start3A_54 = tpu.memref_squeeze %dma_start3A_53 : memref<1x128xi32, #tpu.memory_space<vmem>> -> memref<128xi32, #tpu.memory_space<vmem>>
      %dma_start3A_55 = arith.constant 0 : i32
      %dma_start3A_56 = arith.constant 0 : i32
      %dma_start3A_57 = tpu.memref_slice %arg9[%dma_start3A_55, %dma_start3A_56] : memref<10240x64xbf16, #tpu.memory_space<vmem_shared>> -> memref<10240x64xbf16, #tpu.memory_space<vmem_shared>>
      tpu.enqueue_indirect_dma source(%dma_start3A_51 : memref<128x64xbf16, #tpu.memory_space<vmem>>) target(%dma_start3A_57 : memref<10240x64xbf16, #tpu.memory_space<vmem_shared>>) offsets(%dma_start3A_54 : memref<128xi32, #tpu.memory_space<vmem>>) semaphore(%run_scoped3A_47 : memref<!tpu.dma_semaphore, #tpu.memory_space<semaphore_mem>>) {add = true}
      %dma_wait3A_58 = arith.constant 0 : i32
      %dma_wait3A_59 = arith.constant 0 : i32
      %dma_wait3A_60 = tpu.memref_slice %arg7[%run_scoped3A_40, %dma_wait3A_58, %dma_wait3A_59] : memref<2x128x64xbf16, #tpu.memory_space<vmem>> -> memref<1x128x64xbf16, #tpu.memory_space<vmem>>
      %dma_wait3A_61 = tpu.memref_squeeze %dma_wait3A_60 : memref<1x128x64xbf16, #tpu.memory_space<vmem>> -> memref<128x64xbf16, #tpu.memory_space<vmem>>
      %dma_wait3A_62 = arith.constant 0 : i32
      %dma_wait3A_63 = tpu.memref_slice %arg6[%run_scoped3A_41, %dma_wait3A_62] : memref<81x128xi32, #tpu.memory_space<vmem>> -> memref<1x128xi32, #tpu.memory_space<vmem>>
      %dma_wait3A_64 = tpu.memref_squeeze %dma_wait3A_63 : memref<1x128xi32, #tpu.memory_space<vmem>> -> memref<128xi32, #tpu.memory_space<vmem>>
      %dma_wait3A_65 = arith.constant 0 : i32
      %dma_wait3A_66 = arith.constant 0 : i32
      %dma_wait3A_67 = tpu.memref_slice %arg9[%dma_wait3A_65, %dma_wait3A_66] : memref<10240x64xbf16, #tpu.memory_space<vmem_shared>> -> memref<10240x64xbf16, #tpu.memory_space<vmem_shared>>
      tpu.wait_indirect_dma semaphore(%run_scoped3A_47 : memref<!tpu.dma_semaphore, #tpu.memory_space<semaphore_mem>>) src(%dma_wait3A_61 : memref<128x64xbf16, #tpu.memory_space<vmem>>) dst(%dma_wait3A_67 : memref<10240x64xbf16, #tpu.memory_space<vmem_shared>>)
      tpu.yield
    }) : () -> ()
    %barrier3A_42 = arith.constant 0 : index
    tpu.barrier barrier_id(%barrier3A_42)
    %mul3A_43 = arith.constant 640 : i32
    %mul3A_44 = arith.muli %arg1, %mul3A_43 : i32
    %mul3A_45 = arith.constant 640 : i32
    %mul3A_46 = arith.muli %arg1, %mul3A_45 : i32
    "tpu.region"() ({
      %run_scoped3A_47 = tpu.sem_alloc : memref<!tpu.dma_semaphore, #tpu.memory_space<semaphore_mem>>
      %dma_start3A_48 = arith.constant 0 : i32
      %dma_start3A_49 = tpu.memref_slice %arg4[%arg0, %mul3A_46, %dma_start3A_48] : memref<2x10240x64xbf16, #tpu.memory_space<hbm>> -> memref<1x640x64xbf16, #tpu.memory_space<hbm>>
      %dma_start3A_50 = tpu.memref_squeeze %dma_start3A_49 : memref<1x640x64xbf16, #tpu.memory_space<hbm>> -> memref<640x64xbf16, #tpu.memory_space<hbm>>
      %dma_start3A_51 = arith.constant 0 : i32
      %dma_start3A_52 = tpu.memref_slice %arg9[%mul3A_44, %dma_start3A_51] : memref<10240x64xbf16, #tpu.memory_space<vmem_shared>> -> memref<640x64xbf16, #tpu.memory_space<vmem_shared>>
      tpu.enqueue_dma source(%dma_start3A_52 : memref<640x64xbf16, #tpu.memory_space<vmem_shared>>) target(%dma_start3A_50 : memref<640x64xbf16, #tpu.memory_space<hbm>>) target_semaphore(%run_scoped3A_47 : memref<!tpu.dma_semaphore, #tpu.memory_space<semaphore_mem>>)
      %dma_wait3A_53 = arith.constant 0 : i32
      %dma_wait3A_54 = tpu.memref_slice %arg4[%arg0, %mul3A_46, %dma_wait3A_53] : memref<2x10240x64xbf16, #tpu.memory_space<hbm>> -> memref<1x640x64xbf16, #tpu.memory_space<hbm>>
      %dma_wait3A_55 = tpu.memref_squeeze %dma_wait3A_54 : memref<1x640x64xbf16, #tpu.memory_space<hbm>> -> memref<640x64xbf16, #tpu.memory_space<hbm>>
      %dma_wait3A_56 = arith.constant 0 : i32
      %dma_wait3A_57 = tpu.memref_slice %arg9[%mul3A_44, %dma_wait3A_56] : memref<10240x64xbf16, #tpu.memory_space<vmem_shared>> -> memref<640x64xbf16, #tpu.memory_space<vmem_shared>>
      tpu.wait_dma2 semaphore(%run_scoped3A_47 : memref<!tpu.dma_semaphore, #tpu.memory_space<semaphore_mem>>) src(%dma_wait3A_57 : memref<640x64xbf16, #tpu.memory_space<vmem_shared>>) dst(%dma_wait3A_55 : memref<640x64xbf16, #tpu.memory_space<hbm>>)
      tpu.yield
    }) : () -> ()
    return
  }
}

module attributes {stable_mosaic.version = 14 : i64} {
  func.func @body(%arg0: i32, %arg1: memref<2048x128xf32, #tpu.memory_space<vmem>>, %arg2: memref<128x64xf32, #tpu.memory_space<vmem>>, %arg3: memref<2048x64xf32, #tpu.memory_space<vmem>>) attributes {dimension_semantics = [#tpu.dimension_semantics<arbitrary>], iteration_bounds = array<i64: 5>, scalar_prefetch = 0 : i64, scratch_operands = 0 : i64, tpu.core_type = #tpu.core_type<tc>, window_params = [{transform_indices = @transform_0, window_bounds = array<i64: 2048, 128>}, {pipeline_mode = #tpu.pipeline_mode<synchronous>, transform_indices = @transform_1, window_bounds = array<i64: 128, 64>}, {transform_indices = @transform_2, window_bounds = array<i64: 2048, 64>}]} {
    %get3A = arith.constant 0 : index
    %get3A_0 = arith.constant 0 : index
    %get3A_1 = vector.load %arg1[%get3A, %get3A_0] : memref<2048x128xf32, #tpu.memory_space<vmem>>, vector<2048x128xf32>
    %get3A_2 = arith.constant 0 : index
    %get3A_3 = arith.constant 0 : index
    %get3A_4 = vector.load %arg2[%get3A_2, %get3A_3] : memref<128x64xf32, #tpu.memory_space<vmem>>, vector<128x64xf32>
    %dot_general3A = arith.constant dense<0.000000e+00> : vector<2048x64xf32>
    %dot_general3A_5 = tpu.matmul %get3A_1, %get3A_4, %dot_general3A {dimension_numbers = #tpu.dot_dimension_numbers<[1], [0], [0], [1], [0, 0, 1, 1], [], []>, transpose_lhs_hint = false} : vector<2048x128xf32>, vector<128x64xf32>, vector<2048x64xf32> -> vector<2048x64xf32>
    %swap3A = arith.constant 0 : index
    %swap3A_6 = arith.constant 0 : index
    %swap3A_7 = vector.load %arg3[%swap3A, %swap3A_6] : memref<2048x64xf32, #tpu.memory_space<vmem>>, vector<2048x64xf32>
    tpu.vector_store %arg3[%swap3A, %swap3A_6], %dot_general3A_5 {strides = array<i32>} : memref<2048x64xf32, #tpu.memory_space<vmem>>, vector<2048x64xf32>,
    return
  }
  func.func @transform_0(%arg0: i32) -> (i32, i32) {
    %c0_i32 = arith.constant 0 : i32
    %c0_i32_0 = arith.constant 0 : i32
    return %arg0, %c0_i32 : i32, i32
  }
  func.func @transform_1(%arg0: i32) -> (i32, i32) {
    %c0_i32 = arith.constant 0 : i32
    %c0_i32_0 = arith.constant 0 : i32
    %c0_i32_1 = arith.constant 0 : i32
    return %c0_i32, %c0_i32_0 : i32, i32
  }
  func.func @transform_2(%arg0: i32) -> (i32, i32) {
    %c0_i32 = arith.constant 0 : i32
    %c0_i32_0 = arith.constant 0 : i32
    return %arg0, %c0_i32 : i32, i32
  }
}

module attributes {stable_mosaic.version = 14 : i64} {
  func.func @body(%arg0: i32, %arg1: memref<2048x1xf32, #tpu.memory_space<vmem>>, %arg2: memref<2048x1xf32, #tpu.memory_space<vmem>>, %arg3: memref<2048x64xf32, #tpu.memory_space<vmem>>, %arg4: memref<2048x64xbf16, #tpu.memory_space<vmem>>) attributes {dimension_semantics = [#tpu.dimension_semantics<arbitrary>], iteration_bounds = array<i64: 5>, scalar_prefetch = 0 : i64, scratch_operands = 0 : i64, tpu.core_type = #tpu.core_type<tc>, window_params = [{transform_indices = @transform_0, window_bounds = array<i64: 2048, 1>}, {transform_indices = @transform_1, window_bounds = array<i64: 2048, 1>}, {transform_indices = @transform_2, window_bounds = array<i64: 2048, 64>}, {transform_indices = @transform_3, window_bounds = array<i64: 2048, 64>}]} {
    %get3A = arith.constant 0 : index
    %get3A_0 = arith.constant 0 : index
    %get3A_1 = vector.load %arg1[%get3A, %get3A_0] : memref<2048x1xf32, #tpu.memory_space<vmem>>, vector<2048x1xf32>
    %get3A_2 = arith.constant 0 : index
    %get3A_3 = arith.constant 0 : index
    %get3A_4 = vector.load %arg2[%get3A_2, %get3A_3] : memref<2048x1xf32, #tpu.memory_space<vmem>>, vector<2048x1xf32>
    %add3A = arith.addf %get3A_1, %get3A_4 : vector<2048x1xf32>
    %add3A_5 = arith.constant 1.000000e+00 : f32
    %add3A_6 = vector.broadcast %add3A_5 : f32 to vector<2048x1xf32>
    %add3A_7 = arith.addf %add3A, %add3A_6 : vector<2048x1xf32>
    %rsqrt3A = math.rsqrt %add3A_7 : vector<2048x1xf32>
    %get3A_8 = arith.constant 0 : index
    %get3A_9 = arith.constant 0 : index
    %get3A_10 = vector.load %arg3[%get3A_8, %get3A_9] : memref<2048x64xf32, #tpu.memory_space<vmem>>, vector<2048x64xf32>
    %mul3A = vector.broadcast %rsqrt3A : vector<2048x1xf32> to vector<2048x64xf32>
    %mul3A_11 = arith.mulf %get3A_10, %mul3A : vector<2048x64xf32>
    %convert_element_type3A = arith.truncf %mul3A_11 : vector<2048x64xf32> to vector<2048x64xbf16>
    %swap3A = arith.constant 0 : index
    %swap3A_12 = arith.constant 0 : index
    %swap3A_13 = vector.load %arg4[%swap3A, %swap3A_12] : memref<2048x64xbf16, #tpu.memory_space<vmem>>, vector<2048x64xbf16>
    tpu.vector_store %arg4[%swap3A, %swap3A_12], %convert_element_type3A {strides = array<i32>} : memref<2048x64xbf16, #tpu.memory_space<vmem>>, vector<2048x64xbf16>,
    return
  }
  func.func @transform_0(%arg0: i32) -> (i32, i32) {
    %c0_i32 = arith.constant 0 : i32
    %c0_i32_0 = arith.constant 0 : i32
    return %arg0, %c0_i32 : i32, i32
  }
  func.func @transform_1(%arg0: i32) -> (i32, i32) {
    %c0_i32 = arith.constant 0 : i32
    %c0_i32_0 = arith.constant 0 : i32
    return %arg0, %c0_i32 : i32, i32
  }
  func.func @transform_2(%arg0: i32) -> (i32, i32) {
    %c0_i32 = arith.constant 0 : i32
    %c0_i32_0 = arith.constant 0 : i32
    return %arg0, %c0_i32 : i32, i32
  }
  func.func @transform_3(%arg0: i32) -> (i32, i32) {
    %c0_i32 = arith.constant 0 : i32
    %c0_i32_0 = arith.constant 0 : i32
    return %arg0, %c0_i32 : i32, i32
  }
}

module attributes {stable_mosaic.version = 14 : i64} {
  func.func @body(%arg0: i32, %arg1: memref<2x2048x64xbf16, #tpu.memory_space<vmem>>, %arg2: memref<2048x64xf32, #tpu.memory_space<vmem>>, %arg3: memref<2048x1xf32, #tpu.memory_space<vmem>>, %arg4: memref<2048x1xf32, #tpu.memory_space<vmem>>, %arg5: memref<1x64xf32, #tpu.memory_space<vmem>>, %arg6: memref<2048x64xf32, #tpu.memory_space<vmem>>, %arg7: memref<2048x64xbf16, #tpu.memory_space<vmem>>) attributes {dimension_semantics = [#tpu.dimension_semantics<arbitrary>], iteration_bounds = array<i64: 5>, scalar_prefetch = 0 : i64, scratch_operands = 0 : i64, tpu.core_type = #tpu.core_type<tc>, window_params = [{transform_indices = @transform_0, window_bounds = array<i64: 2, 2048, 64>}, {transform_indices = @transform_1, window_bounds = array<i64: 2048, 64>}, {transform_indices = @transform_2, window_bounds = array<i64: 2048, 1>}, {transform_indices = @transform_3, window_bounds = array<i64: 2048, 1>}, {pipeline_mode = #tpu.pipeline_mode<synchronous>, transform_indices = @transform_4, window_bounds = array<i64: 1, 64>}, {transform_indices = @transform_5, window_bounds = array<i64: 2048, 64>}, {transform_indices = @transform_6, window_bounds = array<i64: 2048, 64>}]} {
    %get3A = arith.constant 0 : index
    %get3A_0 = arith.constant 0 : index
    %get3A_1 = vector.load %arg3[%get3A, %get3A_0] : memref<2048x1xf32, #tpu.memory_space<vmem>>, vector<2048x1xf32>
    %get3A_2 = arith.constant 0 : index
    %get3A_3 = arith.constant 0 : index
    %get3A_4 = vector.load %arg4[%get3A_2, %get3A_3] : memref<2048x1xf32, #tpu.memory_space<vmem>>, vector<2048x1xf32>
    %add3A = arith.addf %get3A_1, %get3A_4 : vector<2048x1xf32>
    %add3A_5 = arith.constant 1.000000e+00 : f32
    %add3A_6 = vector.broadcast %add3A_5 : f32 to vector<2048x1xf32>
    %add3A_7 = arith.addf %add3A, %add3A_6 : vector<2048x1xf32>
    %rsqrt3A = math.rsqrt %add3A_7 : vector<2048x1xf32>
    %get3A_8 = arith.constant 0 : index
    %get3A_9 = arith.constant 0 : index
    %get3A_10 = arith.constant 0 : index
    %get3A_11 = vector.load %arg1[%get3A_8, %get3A_9, %get3A_10] : memref<2x2048x64xbf16, #tpu.memory_space<vmem>>, vector<1x2048x64xbf16>
    %get3A_12 = vector.shape_cast %get3A_11 : vector<1x2048x64xbf16> to vector<2048x64xbf16>
    %convert_element_type3A = arith.extf %get3A_12 : vector<2048x64xbf16> to vector<2048x64xf32>
    %get3A_13 = arith.constant 1 : index
    %get3A_14 = arith.constant 0 : index
    %get3A_15 = arith.constant 0 : index
    %get3A_16 = vector.load %arg1[%get3A_13, %get3A_14, %get3A_15] : memref<2x2048x64xbf16, #tpu.memory_space<vmem>>, vector<1x2048x64xbf16>
    %get3A_17 = vector.shape_cast %get3A_16 : vector<1x2048x64xbf16> to vector<2048x64xbf16>
    %convert_element_type3A_18 = arith.extf %get3A_17 : vector<2048x64xbf16> to vector<2048x64xf32>
    %add3A_19 = arith.addf %convert_element_type3A, %convert_element_type3A_18 : vector<2048x64xf32>
    %mul3A = vector.broadcast %rsqrt3A : vector<2048x1xf32> to vector<2048x64xf32>
    %mul3A_20 = arith.mulf %add3A_19, %mul3A : vector<2048x64xf32>
    %get3A_21 = arith.constant 0 : index
    %get3A_22 = arith.constant 0 : index
    %get3A_23 = vector.load %arg2[%get3A_21, %get3A_22] : memref<2048x64xf32, #tpu.memory_space<vmem>>, vector<2048x64xf32>
    %mul3A_24 = arith.mulf %rsqrt3A, %rsqrt3A : vector<2048x1xf32>
    %mul3A_25 = vector.broadcast %mul3A_24 : vector<2048x1xf32> to vector<2048x64xf32>
    %mul3A_26 = arith.mulf %get3A_23, %mul3A_25 : vector<2048x64xf32>
    %add3A_27 = arith.addf %mul3A_20, %mul3A_26 : vector<2048x64xf32>
    %get3A_28 = arith.constant 0 : index
    %get3A_29 = arith.constant 0 : index
    %get3A_30 = vector.load %arg5[%get3A_28, %get3A_29] : memref<1x64xf32, #tpu.memory_space<vmem>>, vector<1x64xf32>
    %add3A_31 = vector.broadcast %get3A_30 : vector<1x64xf32> to vector<2048x64xf32>
    %add3A_32 = arith.addf %add3A_27, %add3A_31 : vector<2048x64xf32>
    %max3A = arith.constant 0.000000e+00 : f32
    %max3A_33 = vector.broadcast %max3A : f32 to vector<2048x64xf32>
    %max3A_34 = arith.maximumf %add3A_32, %max3A_33 : vector<2048x64xf32>
    %swap3A = arith.constant 0 : index
    %swap3A_35 = arith.constant 0 : index
    %swap3A_36 = vector.load %arg6[%swap3A, %swap3A_35] : memref<2048x64xf32, #tpu.memory_space<vmem>>, vector<2048x64xf32>
    tpu.vector_store %arg6[%swap3A, %swap3A_35], %max3A_34 {strides = array<i32>} : memref<2048x64xf32, #tpu.memory_space<vmem>>, vector<2048x64xf32>,
    %mul3A_37 = vector.broadcast %rsqrt3A : vector<2048x1xf32> to vector<2048x64xf32>
    %mul3A_38 = arith.mulf %max3A_34, %mul3A_37 : vector<2048x64xf32>
    %convert_element_type3A_39 = arith.truncf %mul3A_38 : vector<2048x64xf32> to vector<2048x64xbf16>
    %swap3A_40 = arith.constant 0 : index
    %swap3A_41 = arith.constant 0 : index
    %swap3A_42 = vector.load %arg7[%swap3A_40, %swap3A_41] : memref<2048x64xbf16, #tpu.memory_space<vmem>>, vector<2048x64xbf16>
    tpu.vector_store %arg7[%swap3A_40, %swap3A_41], %convert_element_type3A_39 {strides = array<i32>} : memref<2048x64xbf16, #tpu.memory_space<vmem>>, vector<2048x64xbf16>,
    return
  }
  func.func @transform_0(%arg0: i32) -> (i32, i32, i32) {
    %c0_i32 = arith.constant 0 : i32
    %c0_i32_0 = arith.constant 0 : i32
    %c0_i32_1 = arith.constant 0 : i32
    return %c0_i32, %arg0, %c0_i32_0 : i32, i32, i32
  }
  func.func @transform_1(%arg0: i32) -> (i32, i32) {
    %c0_i32 = arith.constant 0 : i32
    %c0_i32_0 = arith.constant 0 : i32
    return %arg0, %c0_i32 : i32, i32
  }
  func.func @transform_2(%arg0: i32) -> (i32, i32) {
    %c0_i32 = arith.constant 0 : i32
    %c0_i32_0 = arith.constant 0 : i32
    return %arg0, %c0_i32 : i32, i32
  }
  func.func @transform_3(%arg0: i32) -> (i32, i32) {
    %c0_i32 = arith.constant 0 : i32
    %c0_i32_0 = arith.constant 0 : i32
    return %arg0, %c0_i32 : i32, i32
  }
  func.func @transform_4(%arg0: i32) -> (i32, i32) {
    %c0_i32 = arith.constant 0 : i32
    %c0_i32_0 = arith.constant 0 : i32
    %c0_i32_1 = arith.constant 0 : i32
    return %c0_i32, %c0_i32_0 : i32, i32
  }
  func.func @transform_5(%arg0: i32) -> (i32, i32) {
    %c0_i32 = arith.constant 0 : i32
    %c0_i32_0 = arith.constant 0 : i32
    return %arg0, %c0_i32 : i32, i32
  }
  func.func @transform_6(%arg0: i32) -> (i32, i32) {
    %c0_i32 = arith.constant 0 : i32
    %c0_i32_0 = arith.constant 0 : i32
    return %arg0, %c0_i32 : i32, i32
  }
}

module attributes {stable_mosaic.version = 14 : i64} {
  func.func @body(%arg0: i32, %arg1: memref<2x2048x64xbf16, #tpu.memory_space<vmem>>, %arg2: memref<2048x64xf32, #tpu.memory_space<vmem>>, %arg3: memref<2048x1xf32, #tpu.memory_space<vmem>>, %arg4: memref<2048x1xf32, #tpu.memory_space<vmem>>, %arg5: memref<64x128xf32, #tpu.memory_space<vmem>>, %arg6: memref<1x128xf32, #tpu.memory_space<vmem>>, %arg7: memref<128x128xf32, #tpu.memory_space<vmem>>, %arg8: memref<2048x128xbf16, #tpu.memory_space<vmem>>, %arg9: memref<2048x128xf32, #tpu.memory_space<vmem>>) attributes {dimension_semantics = [#tpu.dimension_semantics<arbitrary>], iteration_bounds = array<i64: 5>, scalar_prefetch = 0 : i64, scratch_operands = 0 : i64, tpu.core_type = #tpu.core_type<tc>, window_params = [{transform_indices = @transform_0, window_bounds = array<i64: 2, 2048, 64>}, {transform_indices = @transform_1, window_bounds = array<i64: 2048, 64>}, {transform_indices = @transform_2, window_bounds = array<i64: 2048, 1>}, {transform_indices = @transform_3, window_bounds = array<i64: 2048, 1>}, {pipeline_mode = #tpu.pipeline_mode<synchronous>, transform_indices = @transform_4, window_bounds = array<i64: 64, 128>}, {pipeline_mode = #tpu.pipeline_mode<synchronous>, transform_indices = @transform_5, window_bounds = array<i64: 1, 128>}, {pipeline_mode = #tpu.pipeline_mode<synchronous>, transform_indices = @transform_6, window_bounds = array<i64: 128, 128>}, {transform_indices = @transform_7, window_bounds = array<i64: 2048, 128>}, {transform_indices = @transform_8, window_bounds = array<i64: 2048, 128>}]} {
    %get3A = arith.constant 0 : index
    %get3A_0 = arith.constant 0 : index
    %get3A_1 = vector.load %arg3[%get3A, %get3A_0] : memref<2048x1xf32, #tpu.memory_space<vmem>>, vector<2048x1xf32>
    %get3A_2 = arith.constant 0 : index
    %get3A_3 = arith.constant 0 : index
    %get3A_4 = vector.load %arg4[%get3A_2, %get3A_3] : memref<2048x1xf32, #tpu.memory_space<vmem>>, vector<2048x1xf32>
    %add3A = arith.addf %get3A_1, %get3A_4 : vector<2048x1xf32>
    %add3A_5 = arith.constant 1.000000e+00 : f32
    %add3A_6 = vector.broadcast %add3A_5 : f32 to vector<2048x1xf32>
    %add3A_7 = arith.addf %add3A, %add3A_6 : vector<2048x1xf32>
    %rsqrt3A = math.rsqrt %add3A_7 : vector<2048x1xf32>
    %get3A_8 = arith.constant 0 : index
    %get3A_9 = arith.constant 0 : index
    %get3A_10 = arith.constant 0 : index
    %get3A_11 = vector.load %arg1[%get3A_8, %get3A_9, %get3A_10] : memref<2x2048x64xbf16, #tpu.memory_space<vmem>>, vector<1x2048x64xbf16>
    %get3A_12 = vector.shape_cast %get3A_11 : vector<1x2048x64xbf16> to vector<2048x64xbf16>
    %convert_element_type3A = arith.extf %get3A_12 : vector<2048x64xbf16> to vector<2048x64xf32>
    %get3A_13 = arith.constant 1 : index
    %get3A_14 = arith.constant 0 : index
    %get3A_15 = arith.constant 0 : index
    %get3A_16 = vector.load %arg1[%get3A_13, %get3A_14, %get3A_15] : memref<2x2048x64xbf16, #tpu.memory_space<vmem>>, vector<1x2048x64xbf16>
    %get3A_17 = vector.shape_cast %get3A_16 : vector<1x2048x64xbf16> to vector<2048x64xbf16>
    %convert_element_type3A_18 = arith.extf %get3A_17 : vector<2048x64xbf16> to vector<2048x64xf32>
    %add3A_19 = arith.addf %convert_element_type3A, %convert_element_type3A_18 : vector<2048x64xf32>
    %mul3A = vector.broadcast %rsqrt3A : vector<2048x1xf32> to vector<2048x64xf32>
    %mul3A_20 = arith.mulf %add3A_19, %mul3A : vector<2048x64xf32>
    %get3A_21 = arith.constant 0 : index
    %get3A_22 = arith.constant 0 : index
    %get3A_23 = vector.load %arg2[%get3A_21, %get3A_22] : memref<2048x64xf32, #tpu.memory_space<vmem>>, vector<2048x64xf32>
    %mul3A_24 = arith.mulf %rsqrt3A, %rsqrt3A : vector<2048x1xf32>
    %mul3A_25 = vector.broadcast %mul3A_24 : vector<2048x1xf32> to vector<2048x64xf32>
    %mul3A_26 = arith.mulf %get3A_23, %mul3A_25 : vector<2048x64xf32>
    %add3A_27 = arith.addf %mul3A_20, %mul3A_26 : vector<2048x64xf32>
    %get3A_28 = arith.constant 0 : index
    %get3A_29 = arith.constant 0 : index
    %get3A_30 = vector.load %arg5[%get3A_28, %get3A_29] : memref<64x128xf32, #tpu.memory_space<vmem>>, vector<64x128xf32>
    %dot_general3A = arith.constant dense<0.000000e+00> : vector<2048x128xf32>
    %dot_general3A_31 = tpu.matmul %add3A_27, %get3A_30, %dot_general3A {dimension_numbers = #tpu.dot_dimension_numbers<[1], [0], [0], [1], [0, 0, 1, 1], [], []>, transpose_lhs_hint = false} : vector<2048x64xf32>, vector<64x128xf32>, vector<2048x128xf32> -> vector<2048x128xf32>
    %get3A_32 = arith.constant 0 : index
    %get3A_33 = arith.constant 0 : index
    %get3A_34 = vector.load %arg6[%get3A_32, %get3A_33] : memref<1x128xf32, #tpu.memory_space<vmem>>, vector<1x128xf32>
    %add3A_35 = vector.broadcast %get3A_34 : vector<1x128xf32> to vector<2048x128xf32>
    %add3A_36 = arith.addf %dot_general3A_31, %add3A_35 : vector<2048x128xf32>
    %max3A = arith.constant 0.000000e+00 : f32
    %max3A_37 = vector.broadcast %max3A : f32 to vector<2048x128xf32>
    %max3A_38 = arith.maximumf %add3A_36, %max3A_37 : vector<2048x128xf32>
    %get3A_39 = arith.constant 0 : index
    %get3A_40 = arith.constant 0 : index
    %get3A_41 = vector.load %arg7[%get3A_39, %get3A_40] : memref<128x128xf32, #tpu.memory_space<vmem>>, vector<128x128xf32>
    %dot_general3A_42 = arith.constant dense<0.000000e+00> : vector<2048x128xf32>
    %dot_general3A_43 = tpu.matmul %max3A_38, %get3A_41, %dot_general3A_42 {dimension_numbers = #tpu.dot_dimension_numbers<[1], [0], [0], [1], [0, 0, 1, 1], [], []>, transpose_lhs_hint = false} : vector<2048x128xf32>, vector<128x128xf32>, vector<2048x128xf32> -> vector<2048x128xf32>
    %swap3A = arith.constant 0 : index
    %swap3A_44 = arith.constant 0 : index
    %swap3A_45 = vector.load %arg9[%swap3A, %swap3A_44] : memref<2048x128xf32, #tpu.memory_space<vmem>>, vector<2048x128xf32>
    tpu.vector_store %arg9[%swap3A, %swap3A_44], %dot_general3A_43 {strides = array<i32>} : memref<2048x128xf32, #tpu.memory_space<vmem>>, vector<2048x128xf32>,
    %mul3A_46 = vector.broadcast %rsqrt3A : vector<2048x1xf32> to vector<2048x128xf32>
    %mul3A_47 = arith.mulf %dot_general3A_43, %mul3A_46 : vector<2048x128xf32>
    %convert_element_type3A_48 = arith.truncf %mul3A_47 : vector<2048x128xf32> to vector<2048x128xbf16>
    %swap3A_49 = arith.constant 0 : index
    %swap3A_50 = arith.constant 0 : index
    %swap3A_51 = vector.load %arg8[%swap3A_49, %swap3A_50] : memref<2048x128xbf16, #tpu.memory_space<vmem>>, vector<2048x128xbf16>
    tpu.vector_store %arg8[%swap3A_49, %swap3A_50], %convert_element_type3A_48 {strides = array<i32>} : memref<2048x128xbf16, #tpu.memory_space<vmem>>, vector<2048x128xbf16>,
    return
  }
  func.func @transform_0(%arg0: i32) -> (i32, i32, i32) {
    %c0_i32 = arith.constant 0 : i32
    %c0_i32_0 = arith.constant 0 : i32
    %c0_i32_1 = arith.constant 0 : i32
    return %c0_i32, %arg0, %c0_i32_0 : i32, i32, i32
  }
  func.func @transform_1(%arg0: i32) -> (i32, i32) {
    %c0_i32 = arith.constant 0 : i32
    %c0_i32_0 = arith.constant 0 : i32
    return %arg0, %c0_i32 : i32, i32
  }
  func.func @transform_2(%arg0: i32) -> (i32, i32) {
    %c0_i32 = arith.constant 0 : i32
    %c0_i32_0 = arith.constant 0 : i32
    return %arg0, %c0_i32 : i32, i32
  }
  func.func @transform_3(%arg0: i32) -> (i32, i32) {
    %c0_i32 = arith.constant 0 : i32
    %c0_i32_0 = arith.constant 0 : i32
    return %arg0, %c0_i32 : i32, i32
  }
  func.func @transform_4(%arg0: i32) -> (i32, i32) {
    %c0_i32 = arith.constant 0 : i32
    %c0_i32_0 = arith.constant 0 : i32
    %c0_i32_1 = arith.constant 0 : i32
    return %c0_i32, %c0_i32_0 : i32, i32
  }
  func.func @transform_5(%arg0: i32) -> (i32, i32) {
    %c0_i32 = arith.constant 0 : i32
    %c0_i32_0 = arith.constant 0 : i32
    %c0_i32_1 = arith.constant 0 : i32
    return %c0_i32, %c0_i32_0 : i32, i32
  }
  func.func @transform_6(%arg0: i32) -> (i32, i32) {
    %c0_i32 = arith.constant 0 : i32
    %c0_i32_0 = arith.constant 0 : i32
    %c0_i32_1 = arith.constant 0 : i32
    return %c0_i32, %c0_i32_0 : i32, i32
  }
  func.func @transform_7(%arg0: i32) -> (i32, i32) {
    %c0_i32 = arith.constant 0 : i32
    %c0_i32_0 = arith.constant 0 : i32
    return %arg0, %c0_i32 : i32, i32
  }
  func.func @transform_8(%arg0: i32) -> (i32, i32) {
    %c0_i32 = arith.constant 0 : i32
    %c0_i32_0 = arith.constant 0 : i32
    return %arg0, %c0_i32 : i32, i32
  }
}

module attributes {stable_mosaic.version = 14 : i64} {
  func.func @body(%arg0: i32, %arg1: memref<2x2048x128xbf16, #tpu.memory_space<vmem>>, %arg2: memref<2048x128xf32, #tpu.memory_space<vmem>>, %arg3: memref<2048x1xf32, #tpu.memory_space<vmem>>, %arg4: memref<2048x1xf32, #tpu.memory_space<vmem>>, %arg5: memref<1x128xf32, #tpu.memory_space<vmem>>, %arg6: memref<2048x1xi32, #tpu.memory_space<vmem>>, %arg7: memref<2x128xf32, #tpu.memory_space<vmem>>, %arg8: memref<128x16xf32, #tpu.memory_space<vmem>>, %arg9: memref<1x16xf32, #tpu.memory_space<vmem>>, %arg10: memref<64x16xf32, #tpu.memory_space<vmem>>, %arg11: memref<64x128xf32, #tpu.memory_space<vmem>>) attributes {dimension_semantics = [#tpu.dimension_semantics<arbitrary>], iteration_bounds = array<i64: 5>, scalar_prefetch = 0 : i64, scratch_operands = 0 : i64, tpu.core_type = #tpu.core_type<tc>, window_params = [{transform_indices = @transform_0, window_bounds = array<i64: 2, 2048, 128>}, {transform_indices = @transform_1, window_bounds = array<i64: 2048, 128>}, {transform_indices = @transform_2, window_bounds = array<i64: 2048, 1>}, {transform_indices = @transform_3, window_bounds = array<i64: 2048, 1>}, {pipeline_mode = #tpu.pipeline_mode<synchronous>, transform_indices = @transform_4, window_bounds = array<i64: 1, 128>}, {transform_indices = @transform_5, window_bounds = array<i64: 2048, 1>}, {pipeline_mode = #tpu.pipeline_mode<synchronous>, transform_indices = @transform_6, window_bounds = array<i64: 2, 128>}, {pipeline_mode = #tpu.pipeline_mode<synchronous>, transform_indices = @transform_7, window_bounds = array<i64: 128, 16>}, {pipeline_mode = #tpu.pipeline_mode<synchronous>, transform_indices = @transform_8, window_bounds = array<i64: 1, 16>}, {pipeline_mode = #tpu.pipeline_mode<synchronous>, transform_indices = @transform_9, window_bounds = array<i64: 64, 16>}, {pipeline_mode = #tpu.pipeline_mode<synchronous>, transform_indices = @transform_10, window_bounds = array<i64: 64, 128>}]} {
    %get3A = arith.constant 0 : index
    %get3A_0 = arith.constant 0 : index
    %get3A_1 = vector.load %arg3[%get3A, %get3A_0] : memref<2048x1xf32, #tpu.memory_space<vmem>>, vector<2048x1xf32>
    %get3A_2 = arith.constant 0 : index
    %get3A_3 = arith.constant 0 : index
    %get3A_4 = vector.load %arg4[%get3A_2, %get3A_3] : memref<2048x1xf32, #tpu.memory_space<vmem>>, vector<2048x1xf32>
    %add3A = arith.addf %get3A_1, %get3A_4 : vector<2048x1xf32>
    %add3A_5 = arith.constant 1.000000e+00 : f32
    %add3A_6 = vector.broadcast %add3A_5 : f32 to vector<2048x1xf32>
    %add3A_7 = arith.addf %add3A, %add3A_6 : vector<2048x1xf32>
    %rsqrt3A = math.rsqrt %add3A_7 : vector<2048x1xf32>
    %get3A_8 = arith.constant 0 : index
    %get3A_9 = arith.constant 0 : index
    %get3A_10 = arith.constant 0 : index
    %get3A_11 = vector.load %arg1[%get3A_8, %get3A_9, %get3A_10] : memref<2x2048x128xbf16, #tpu.memory_space<vmem>>, vector<1x2048x128xbf16>
    %get3A_12 = vector.shape_cast %get3A_11 : vector<1x2048x128xbf16> to vector<2048x128xbf16>
    %convert_element_type3A = arith.extf %get3A_12 : vector<2048x128xbf16> to vector<2048x128xf32>
    %get3A_13 = arith.constant 1 : index
    %get3A_14 = arith.constant 0 : index
    %get3A_15 = arith.constant 0 : index
    %get3A_16 = vector.load %arg1[%get3A_13, %get3A_14, %get3A_15] : memref<2x2048x128xbf16, #tpu.memory_space<vmem>>, vector<1x2048x128xbf16>
    %get3A_17 = vector.shape_cast %get3A_16 : vector<1x2048x128xbf16> to vector<2048x128xbf16>
    %convert_element_type3A_18 = arith.extf %get3A_17 : vector<2048x128xbf16> to vector<2048x128xf32>
    %add3A_19 = arith.addf %convert_element_type3A, %convert_element_type3A_18 : vector<2048x128xf32>
    %mul3A = vector.broadcast %rsqrt3A : vector<2048x1xf32> to vector<2048x128xf32>
    %mul3A_20 = arith.mulf %add3A_19, %mul3A : vector<2048x128xf32>
    %get3A_21 = arith.constant 0 : index
    %get3A_22 = arith.constant 0 : index
    %get3A_23 = vector.load %arg2[%get3A_21, %get3A_22] : memref<2048x128xf32, #tpu.memory_space<vmem>>, vector<2048x128xf32>
    %mul3A_24 = arith.mulf %rsqrt3A, %rsqrt3A : vector<2048x1xf32>
    %mul3A_25 = vector.broadcast %mul3A_24 : vector<2048x1xf32> to vector<2048x128xf32>
    %mul3A_26 = arith.mulf %get3A_23, %mul3A_25 : vector<2048x128xf32>
    %add3A_27 = arith.addf %mul3A_20, %mul3A_26 : vector<2048x128xf32>
    %get3A_28 = arith.constant 0 : index
    %get3A_29 = arith.constant 0 : index
    %get3A_30 = vector.load %arg5[%get3A_28, %get3A_29] : memref<1x128xf32, #tpu.memory_space<vmem>>, vector<1x128xf32>
    %add3A_31 = vector.broadcast %get3A_30 : vector<1x128xf32> to vector<2048x128xf32>
    %add3A_32 = arith.addf %add3A_27, %add3A_31 : vector<2048x128xf32>
    %max3A = arith.constant 0.000000e+00 : f32
    %max3A_33 = vector.broadcast %max3A : f32 to vector<2048x128xf32>
    %max3A_34 = arith.maximumf %add3A_32, %max3A_33 : vector<2048x128xf32>
    %get3A_35 = arith.constant 0 : index
    %get3A_36 = arith.constant 0 : index
    %get3A_37 = vector.load %arg6[%get3A_35, %get3A_36] : memref<2048x1xi32, #tpu.memory_space<vmem>>, vector<2048x1xi32>
    %iota3A = tpu.iota {dimensions = array<i32: 1>} : vector<2048x64xi32>
    %eq3A = vector.broadcast %get3A_37 : vector<2048x1xi32> to vector<2048x64xi32>
    %eq3A_38 = arith.cmpi eq, %eq3A, %iota3A : vector<2048x64xi32>
    %convert_element_type3A_39 = arith.extui %eq3A_38 : vector<2048x64xi1> to vector<2048x64xi32>
    %convert_element_type3A_40 = arith.sitofp %convert_element_type3A_39 : vector<2048x64xi32> to vector<2048x64xf32>
    %dot_general3A = arith.constant dense<0.000000e+00> : vector<64x128xf32>
    %dot_general3A_41 = tpu.matmul %convert_element_type3A_40, %max3A_34, %dot_general3A {dimension_numbers = #tpu.dot_dimension_numbers<[0], [0], [1], [1], [0, 1, 1, 1], [], []>, transpose_lhs_hint = false} : vector<2048x64xf32>, vector<2048x128xf32>, vector<64x128xf32> -> vector<64x128xf32>
    %eq3A_42 = arith.constant 0 : i32
    %eq3A_43 = arith.cmpi eq, %arg0, %eq3A_42 : i32
    %convert_element_type3A_44 = arith.extui %eq3A_43 : i1 to i32
    %cond3A = arith.constant 0 : i32
    %cond3A_45 = arith.cmpi ne, %convert_element_type3A_44, %cond3A : i32
    scf.if %cond3A_45 {
      %swap3A = arith.constant 0 : index
      %swap3A_55 = arith.constant 0 : index
      %swap3A_56 = vector.load %arg11[%swap3A, %swap3A_55] : memref<64x128xf32, #tpu.memory_space<vmem>>, vector<64x128xf32>
      tpu.vector_store %arg11[%swap3A, %swap3A_55], %dot_general3A_41 {strides = array<i32>} : memref<64x128xf32, #tpu.memory_space<vmem>>, vector<64x128xf32>,
    } else {
    }
    %gt3A = arith.constant 0 : i32
    %gt3A_46 = arith.cmpi sgt, %arg0, %gt3A : i32
    %convert_element_type3A_47 = arith.extui %gt3A_46 : i1 to i32
    %cond3A_48 = arith.constant 0 : i32
    %cond3A_49 = arith.cmpi ne, %convert_element_type3A_47, %cond3A_48 : i32
    scf.if %cond3A_49 {
      %get3A_55 = arith.constant 0 : index
      %get3A_56 = arith.constant 0 : index
      %get3A_57 = vector.load %arg11[%get3A_55, %get3A_56] : memref<64x128xf32, #tpu.memory_space<vmem>>, vector<64x128xf32>
      %add3A_58 = arith.addf %get3A_57, %dot_general3A_41 : vector<64x128xf32>
      %swap3A = arith.constant 0 : index
      %swap3A_59 = arith.constant 0 : index
      %swap3A_60 = vector.load %arg11[%swap3A, %swap3A_59] : memref<64x128xf32, #tpu.memory_space<vmem>>, vector<64x128xf32>
      tpu.vector_store %arg11[%swap3A, %swap3A_59], %add3A_58 {strides = array<i32>} : memref<64x128xf32, #tpu.memory_space<vmem>>, vector<64x128xf32>,
    } else {
    }
    %eq3A_50 = arith.constant 4 : i32
    %eq3A_51 = arith.cmpi eq, %arg0, %eq3A_50 : i32
    %convert_element_type3A_52 = arith.extui %eq3A_51 : i1 to i32
    %cond3A_53 = arith.constant 0 : i32
    %cond3A_54 = arith.cmpi ne, %convert_element_type3A_52, %cond3A_53 : i32
    scf.if %cond3A_54 {
      %get3A_55 = arith.constant 0 : index
      %get3A_56 = arith.constant 0 : index
      %get3A_57 = vector.load %arg7[%get3A_55, %get3A_56] : memref<2x128xf32, #tpu.memory_space<vmem>>, vector<1x128xf32>
      %get3A_58 = vector.shape_cast %get3A_57 : vector<1x128xf32> to vector<128xf32>
      %get3A_59 = arith.constant 1 : index
      %get3A_60 = arith.constant 0 : index
      %get3A_61 = vector.load %arg7[%get3A_59, %get3A_60] : memref<2x128xf32, #tpu.memory_space<vmem>>, vector<1x128xf32>
      %get3A_62 = vector.shape_cast %get3A_61 : vector<1x128xf32> to vector<128xf32>
      %add3A_63 = arith.addf %get3A_58, %get3A_62 : vector<128xf32>
      %max3A_64 = arith.constant 1.000000e+00 : f32
      %max3A_65 = vector.broadcast %max3A_64 : f32 to vector<128xf32>
      %max3A_66 = arith.maximumf %add3A_63, %max3A_65 : vector<128xf32>
      %slice3A = vector.extract_strided_slice %max3A_66 {offsets = [0], sizes = [64], strides = [1]} : vector<128xf32> to vector<64xf32>
      %broadcast_in_dim3A = vector.shape_cast %slice3A : vector<64xf32> to vector<64x1xf32>
      %get3A_67 = arith.constant 0 : index
      %get3A_68 = arith.constant 0 : index
      %get3A_69 = vector.load %arg11[%get3A_67, %get3A_68] : memref<64x128xf32, #tpu.memory_space<vmem>>, vector<64x128xf32>
      %div3A = vector.broadcast %broadcast_in_dim3A : vector<64x1xf32> to vector<64x128xf32>
      %div3A_70 = arith.divf %get3A_69, %div3A : vector<64x128xf32>
      %get3A_71 = arith.constant 0 : index
      %get3A_72 = arith.constant 0 : index
      %get3A_73 = vector.load %arg8[%get3A_71, %get3A_72] : memref<128x16xf32, #tpu.memory_space<vmem>>, vector<128x16xf32>
      %dot_general3A_74 = arith.constant dense<0.000000e+00> : vector<64x16xf32>
      %dot_general3A_75 = tpu.matmul %div3A_70, %get3A_73, %dot_general3A_74 {dimension_numbers = #tpu.dot_dimension_numbers<[1], [0], [0], [1], [0, 0, 1, 1], [], []>, transpose_lhs_hint = false} : vector<64x128xf32>, vector<128x16xf32>, vector<64x16xf32> -> vector<64x16xf32>
      %get3A_76 = arith.constant 0 : index
      %get3A_77 = arith.constant 0 : index
      %get3A_78 = vector.load %arg9[%get3A_76, %get3A_77] : memref<1x16xf32, #tpu.memory_space<vmem>>, vector<1x16xf32>
      %add3A_79 = vector.broadcast %get3A_78 : vector<1x16xf32> to vector<64x16xf32>
      %add3A_80 = arith.addf %dot_general3A_75, %add3A_79 : vector<64x16xf32>
      %swap3A = arith.constant 0 : index
      %swap3A_81 = arith.constant 0 : index
      %swap3A_82 = vector.load %arg10[%swap3A, %swap3A_81] : memref<64x16xf32, #tpu.memory_space<vmem>>, vector<64x16xf32>
      tpu.vector_store %arg10[%swap3A, %swap3A_81], %add3A_80 {strides = array<i32>} : memref<64x16xf32, #tpu.memory_space<vmem>>, vector<64x16xf32>,
    } else {
    }
    return
  }
  func.func @transform_0(%arg0: i32) -> (i32, i32, i32) {
    %c0_i32 = arith.constant 0 : i32
    %c0_i32_0 = arith.constant 0 : i32
    %c0_i32_1 = arith.constant 0 : i32
    return %c0_i32, %arg0, %c0_i32_0 : i32, i32, i32
  }
  func.func @transform_1(%arg0: i32) -> (i32, i32) {
    %c0_i32 = arith.constant 0 : i32
    %c0_i32_0 = arith.constant 0 : i32
    return %arg0, %c0_i32 : i32, i32
  }
  func.func @transform_2(%arg0: i32) -> (i32, i32) {
    %c0_i32 = arith.constant 0 : i32
    %c0_i32_0 = arith.constant 0 : i32
    return %arg0, %c0_i32 : i32, i32
  }
  func.func @transform_3(%arg0: i32) -> (i32, i32) {
    %c0_i32 = arith.constant 0 : i32
    %c0_i32_0 = arith.constant 0 : i32
    return %arg0, %c0_i32 : i32, i32
  }
  func.func @transform_4(%arg0: i32) -> (i32, i32) {
    %c0_i32 = arith.constant 0 : i32
    %c0_i32_0 = arith.constant 0 : i32
    %c0_i32_1 = arith.constant 0 : i32
    return %c0_i32, %c0_i32_0 : i32, i32
  }
  func.func @transform_5(%arg0: i32) -> (i32, i32) {
    %c0_i32 = arith.constant 0 : i32
    %c0_i32_0 = arith.constant 0 : i32
    return %arg0, %c0_i32 : i32, i32
  }
  func.func @transform_6(%arg0: i32) -> (i32, i32) {
    %c0_i32 = arith.constant 0 : i32
    %c0_i32_0 = arith.constant 0 : i32
    %c0_i32_1 = arith.constant 0 : i32
    return %c0_i32, %c0_i32_0 : i32, i32
  }
  func.func @transform_7(%arg0: i32) -> (i32, i32) {
    %c0_i32 = arith.constant 0 : i32
    %c0_i32_0 = arith.constant 0 : i32
    %c0_i32_1 = arith.constant 0 : i32
    return %c0_i32, %c0_i32_0 : i32, i32
  }
  func.func @transform_8(%arg0: i32) -> (i32, i32) {
    %c0_i32 = arith.constant 0 : i32
    %c0_i32_0 = arith.constant 0 : i32
    %c0_i32_1 = arith.constant 0 : i32
    return %c0_i32, %c0_i32_0 : i32, i32
  }
  func.func @transform_9(%arg0: i32) -> (i32, i32) {
    %c0_i32 = arith.constant 0 : i32
    %c0_i32_0 = arith.constant 0 : i32
    %c0_i32_1 = arith.constant 0 : i32
    return %c0_i32, %c0_i32_0 : i32, i32
  }
  func.func @transform_10(%arg0: i32) -> (i32, i32) {
    %c0_i32 = arith.constant 0 : i32
    %c0_i32_0 = arith.constant 0 : i32
    %c0_i32_1 = arith.constant 0 : i32
    return %c0_i32, %c0_i32_0 : i32, i32
  }
}

</mosaic_0001>

<sc_bundles>
// kernel: kernel.11.cloned.1.call-start
scs
__scs_entry_jumppad:
0x0: {  	(pc) =	sbr.rel $0x88, $3  }
0x1: {  	(tag) =	ssettag $0x0;
	lr =	simm.s32 $0x1  }
0x2: {  	[smem:$0x3F96] =	sst lr;
	_ =	strace $0xD0000000  }
0x3: {  	_ = 	snop  }
0x4: {  	_ = 	snop  }
0x5: {  	_ = 	snop  }
0x6: {  	_ = 	snop  }
0x7: {  	_ = 	snop  }
__scs_overlays_trampoline_lowered:
0x8: {  	[smem:$0x3FA5] =	sst s0  }
0x9: {  	[smem:$0x3FA6] =	sst s1  }
0xa: {  	[smem:$0x3FA7] =	sst s2  }
0xb: {  	[smem:$0x3FA8] =	sst s3  }
0xc: {  	[smem:$0x3FA9] =	sst s4  }
0xd: {  	[smem:$0x3FAA] =	sst s5  }
0xe: {  	[smem:$0x3FAB] =	sst s6  }
0xf: {  	[smem:$0x3FAC] =	sst s7  }
0x10: {  	[smem:$0x3FAD] =	sst s8  }
0x11: {  	[smem:$0x3FAE] =	sst s9;
	s0 =	simm.s32 @!p0 $0x0  }
0x12: {  	s1 =	sld [smem:$0x3F94];
	s0 =	simm.s32 @p0 $0x1  }
0x13: {  	[smem:$0x3FAF] =	sst s0;
	s0 =	simm.s32 @!p1 $0x0  }
0x14: {  	s2 =	sld [smem:$0x3F93];
	s0 =	simm.s32 @p1 $0x1  }
0x15: {  	[smem:$0x3FB0] =	sst s0;
	s0 =	simm.s32 @!p2 $0x0  }
0x16: {  	s3 =	sld [smem:$0x3FDB];
	s0 =	simm.s32 @p2 $0x1  }
0x17: {  	s4 =	simm.s32 $0x1BF5;
	[smem:$0x3FB2] =	sst s0  }
0x18: {  	s0 =	sld [smem:$0x3F95];
	_ =	swait.ge [sflag:s4], $0x0  }
0x19: {  	s7 =	sld [smem:$0x3F96]  }
0x1a: {  	s8 =	sadd.s32 $0xFFFFE003, lr  }
0x1b: {  	s9 =	sadd.s32 $0xFFFFFEF7, lr;
	s5 =	simm.s32 $0xFFFFFFFF;
	p2 =	slt.u32 s8, $0xFFFFF086  }
0x1c: {  	p1 =	slt.u32 s9, $0xF7A;
	s5 =	simm.s32 @!p2 $0x0  }
0x1d: {  	s5 =	simm.s32 @p1 $0x1;
	p0 =	seq.s32 s7, s2  }
0x1e: {  	s7 =	smul.u32 @!p0 $0xF7A, s2;
	p2 =	seq.s32 @!p0 s5, $0x0  }
0x1f: {  	s9 =	smul.u32 $0xF7A, s1;
	s8 =	simm.s32 @!p0 $0x1BF5;
	p2 =	por !p2, p0  }
0x20: {  	[sflag:s8] =	ssyncset.s32 @!p0 $0xFFFFF086;
	s6 =	sadd.s32 @!p0 s3, s7;
	s7 =	simm.s32 @!p0 $0x108  }
0x21: {  	s3 =	sadd.s32 s3, s9;
	s6 =	sadd.s32 @!p0 $0x88, s6;
	s7 =	simm.s32 @p2 $0x1082  }
0x22: {  	[simem:s7], [sflag:s8] =	dma.local @!p0 [hbm:s6], $0xF7A  }
0x23: {  	s9 =	sor.u32 $0xD0000000, s2;
	s6 =	simm.s32 $0x108;
	_ =	swait.ge @!p0 [sflag:s8], $0x0  }
0x24: {  	s3 =	sadd.s32 $0x88, s3;
	s6 =	simm.s32 @!p1 $0x1082;
	[sflag:s4] =	ssyncset.s32 $0xFFFFF086  }
0x25: {  	[simem:s6], [sflag:s4] =	dma.local [hbm:s3], $0xF7A  }
0x26: {  	[smem:$0x3F96] =	sst s1;
	(tag) =	ssettag s2;
	_ =	strace s9  }
0x27: {  	s1 =	sld [smem:$0x3FA6]  }
0x28: {  	s2 =	sld [smem:$0x3FA7]  }
0x29: {  	s4 =	sld [smem:$0x3FA9]  }
0x2a: {  	p0 =	seq.s32 s5, $0x0;
	s5 =	sld [smem:$0x3FAA]  }
0x2b: {  	s6 =	sld [smem:$0x3FAB]  }
0x2c: {  	s7 =	sld [smem:$0x3FAC]  }
0x2d: {  	s3 =	simm.s32 $0x108;
	s8 =	sld [smem:$0x3FAD]  }
0x2e: {  	s3 =	simm.s32 @!p0 $0x1082;
	s9 =	sld [smem:$0x3FAE]  }
0x2f: {  	lr =	sadd.s32 s0, s3;
	s0 =	sld [smem:$0x3FA5]  }
0x30: {  	s3 =	sld [smem:$0x3FA8]  }
0x31: {  	[smem:$0x3FB1] =	sst s10  }
0x32: {  	s10 =	sld [smem:$0x3FAF];
	_ =	sdelay $0x3  }
0x33: {  	p0 =	seq.s32 s10, $0x1;
	s10 =	sld [smem:$0x3FB1];
	_ =	sdelay $0x3  }
0x34: {  	[smem:$0x3FB1] =	sst s10  }
0x35: {  	s10 =	sld [smem:$0x3FB0];
	_ =	sdelay $0x3  }
0x36: {  	p1 =	seq.s32 s10, $0x1;
	s10 =	sld [smem:$0x3FB1];
	_ =	sdelay $0x3  }
0x37: {  	[smem:$0x3FB1] =	sst s10  }
0x38: {  	s10 =	sld [smem:$0x3FB2]  }
0x39: {  	_ = 	snop;
	(pc) =	sbr.ind lr, $3  }
0x3a: {  	_ = 	snop  }
0x3b: {  	_ = 	snop  }
0x3c: {  	p2 =	seq.s32 s10, $0x1;
	s10 =	sld [smem:$0x3FB1]  }
0x3d: {  	_ =	shalt  }
0x3e: {  	_ =	shalt  }
0x3f: {  	_ =	shalt  }
0x40: {  	_ =	shalt  }
0x41: {  	_ =	shalt  }
0x42: {  	_ =	shalt  }
0x43: {  	_ =	shalt  }
0x44: {  	_ =	shalt  }
0x45: {  	_ =	shalt  }
0x46: {  	_ =	shalt  }
0x47: {  	_ =	shalt  }
0x48: {  	_ =	shalt  }
0x49: {  	_ =	shalt  }
0x4a: {  	_ =	shalt  }
0x4b: {  	_ =	shalt  }
0x4c: {  	_ =	shalt  }
0x4d: {  	_ =	shalt  }
0x4e: {  	_ =	shalt  }
0x4f: {  	_ =	shalt  }
0x50: {  	_ =	shalt  }
0x51: {  	_ =	shalt  }
0x52: {  	_ =	shalt  }
0x53: {  	_ =	shalt  }
0x54: {  	_ =	shalt  }
0x55: {  	_ =	shalt  }
0x56: {  	_ =	shalt  }
0x57: {  	_ =	shalt  }
0x58: {  	_ =	shalt  }
0x59: {  	_ =	shalt  }
0x5a: {  	_ =	shalt  }
0x5b: {  	_ =	shalt  }
0x5c: {  	_ =	shalt  }
0x5d: {  	_ =	shalt  }
0x5e: {  	_ =	shalt  }
0x5f: {  	_ =	shalt  }
0x60: {  	_ =	shalt  }
0x61: {  	_ =	shalt  }
0x62: {  	_ =	shalt  }
0x63: {  	_ =	shalt  }
0x64: {  	_ =	shalt  }
0x65: {  	_ =	shalt  }
0x66: {  	_ =	shalt  }
0x67: {  	_ =	shalt  }
0x68: {  	_ =	shalt  }
0x69: {  	_ =	shalt  }
0x6a: {  	_ =	shalt  }
0x6b: {  	_ =	shalt  }
0x6c: {  	_ =	shalt  }
0x6d: {  	_ =	shalt  }
0x6e: {  	_ =	shalt  }
0x6f: {  	_ =	shalt  }
0x70: {  	_ =	shalt  }
0x71: {  	_ =	shalt  }
0x72: {  	_ =	shalt  }
0x73: {  	_ =	shalt  }
0x74: {  	_ =	shalt  }
0x75: {  	_ =	shalt  }
0x76: {  	_ =	shalt  }
0x77: {  	_ =	shalt  }
0x78: {  	_ =	shalt  }
0x79: {  	_ =	shalt  }
0x7a: {  	_ =	shalt  }
0x7b: {  	_ =	shalt  }
0x7c: {  	_ =	shalt  }
0x7d: {  	_ =	shalt  }
0x7e: {  	_ =	shalt  }
0x7f: {  	_ =	shalt  }
0x80: {  	_ =	shalt  }
0x81: {  	_ =	shalt  }
0x82: {  	_ =	shalt  }
0x83: {  	_ =	shalt  }
0x84: {  	_ =	shalt  }
0x85: {  	_ =	shalt  }
0x86: {  	_ =	shalt  }
0x87: {  	_ =	shalt  }
.Lfunc_end0:
.L_simem_size_0:
called_computation_lowered:
.L_overlay_start_0:
0x88: {  	s2 =	sld [smem:$0x3FD9]  }
0x89: {  	s3 =	sld [smem:$0x3FFE];
	_ =	sdelay $0x1  }
0x8a: {  	s1 =	srdreg.scid  }
0x8b: {  	s0 =	sand.u32 $0x1, s1  }
0x8c: {  	s17 =	sshll.u32 s0, $0xA;
	s2 =	sadd.s32 s3, s2  }
0x8d: {  	s2 =	sadd.s32 s2, s17  }
0x8e: {  	[smem:$0x3FBD] =	sst s2  }
0x8f: {  	_ = 	snop  }
0x90: {  	s2 =	sld [smem:$0x3FD0];
	(tm) =	ssettm $0x1  }
0x91: {  	s18 =	sld [smem:$0x3FFB];
	_ =	sdelay $0x3  }
0x92: {  	_ =	strace s18  }
0x93: {  	s3 =	sld [smem:$0x3FFC];
	_ =	sdelay $0x3  }
0x94: {  	_ =	strace s3  }
0x95: {  	s3 =	sld [smem:$0x3FFD];
	_ =	sdelay $0x3  }
0x96: {  	_ =	strace s3  }
0x97: {  	_ =	strace $0x8FFFFFFF  }
0x98: {  	s19 =	sld [smem:$0x3FDB];
	_ =	sdelay $0x1  }
0x99: {  	s4 =	simm.s32 $_scs_section_size  }
0x9a: {  	s5 =	simm.s32 $_size__tile_overlayer_lowered;
	s6 =	simm.s32 $_tile_overlayer_lowered  }
0x9b: {  	s22 =	simm.s32 $0x1BFF;
	s21 =	sshll.u32 s6, $0x1;
	s3 =	sadd.s32 s4, s19  }
0x9c: {  	s7 =	simm.s32 $0x0;
	s20 =	sshll.u32 s5, $0x1;
	s5 =	sadd.s32 s21, s3  }
0x9d: {  	[timem:s7], [sflag:s22] =	dma.local [hbm:s5], s20  }
0x9e: {  	_ =	swait.ge [sflag:s22], s20  }
0x9f: {  	s4 =	ssub.s32 $0x0, s20;
	[sflag:s22] =	ssyncset.done $0x0  }
0xa0: {  	[sflag:s22] =	ssyncadd.s32 s4;
	_ =	sdelay $0x1  }
0xa1: {  	s23 =	simm.s32 $0x1B8B  }
0xa2: {  	_ =	swait.ge [sflag:s23], $0x1  }
0xa3: {  	[sflag:s23] =	ssyncset.done $0x0  }
0xa4: {  	s25 =	simm.s32 $0x1B8E;
	s24 =	sld [smem:$0x3FFE];
	[sflag:s23] =	ssyncadd.s32 $0xFFFFFFFF  }
0xa5: {  	s26 =	simm.s32 $execute0_lowered;
	[smem:$0x3FD2] =	sst s25  }
0xa6: {  	s5 =	sshll.u32 s26, $0x1;
	_ =	strace $0x80000046;
	[dreg:$0x1] =	wrdreg $0xFFFFFFFF  }
0xa7: {  	s28 =	simm.s32 $_size_execute0_lowered;
	s3 =	sadd.s32 s3, s5;
	[dreg:$0x0] =	wrdreg $0x0  }
0xa8: {  	s5 =	sshll.u32 s28, $0x1;
	[dreg:$0x2] =	wrdreg s3  }
0xa9: {  	[dreg:$0x3] =	wrdreg s5  }
0xaa: {  	[dreg:$0x4] =	wrdreg $0xC0  }
0xab: {  	_ =	task [dreg:s7], $0x5FFFF  }
0xac: {  	[dreg:$0x1] =	wrdreg $0xFFFFFFFF  }
0xad: {  	[dreg:$0x0] =	wrdreg $0x60  }
0xae: {  	[dreg:$0x2] =	wrdreg s24  }
0xaf: {  	[dreg:$0x3] =	wrdreg s2  }
0xb0: {  	[dreg:$0x4] =	wrdreg $0x2AC00  }
0xb1: {  	[dreg:$0x5] =	wrdreg $0x2D400  }
0xb2: {  	[dreg:$0x6] =	wrdreg $0x9  }
0xb3: {  	_ =	task.clear_ibuf [dreg:s7], $0x7FFFF;
	_ =	strace $0x90000046  }
0xb4: {  	s29 =	simm.s32 $0x9;
	_ =	strace $0x80000048  }
0xb5: {  	_ =	swait.ge [sflag:s29], $0x1  }
0xb6: {  	[sflag:s29] =	ssyncadd.s32 $0xFFFFFFFF  }
0xb7: {  	_ =	strace $0x90000048  }
0xb8: {  	_ =	sfence  }
0xb9: {  	s30 =	sld [smem:$0x0];
	_ =	sdelay $0x2  }
0xba: {  	s31 =	sshll.u32 s1, $0xD;
	s1 =	sshrl.u32 s1, $0x2  }
0xbb: {  	s3 =	sand.u32 $0x4000, s31;
	s1 =	sadd.s32 s1, s30  }
0xbc: {  	s0 =	sor.u32 s3, s0;
	s1 =	sshll.u32 s1, $0x11  }
0xbd: {  	s0 =	sor.u32 s1, s0  }
0xbe: {  	s0 =	sadd.s32 $0x8F2B, s0  }
0xbf: {  	[sflag:s0] =	ssyncadd.remote.s32 $0x1  }
0xc0: {  	_ =	sfence.sel $0xFFFF  }
0xc1: {  	[dreg:$0x0] =	wrdreg $0xFFFFFFFF;
	(pc) =	sbr.abs _section_cstart, $3  }
0xc2: {  	[dreg:$0x1] =	wrdreg $0xFFFFFFFF  }
0xc3: {  	_ =	task.clear_ibuf [dreg:s7], $0x2FFFF;
	_ =	strace $0x9FFFFFFF  }
0xc4: {  	(tm) =	ssettm $0x7FFFFFFF  }
0xc5: {  	_ =	shalt  }
tec
execute0_lowered:
.L_overlay_start_1:
0x0: {  	(tag) =	ssettag $0x1  }
0x1: {  	s5 =	rddreg [dreg:$0x0]  }
0x2: {  	s9 =	rddreg [dreg:$0x1]  }
0x3: {  	s2 =	rddreg [dreg:$0x2]  }
0x4: {  	s3 =	rddreg [dreg:$0x3]  }
0x5: {  	s0 =	srdreg.scid;
	s1 =	rddreg [dreg:$0x4]  }
0x6: {  	s4 =	simm.s32 $0x0;
	s15 =	simm.s32 $0x2;
	s16 =	simm.s32 $0x2880  }
0x7: {  	s17 =	simm.s32 $0x2A40;
	s18 =	simm.s32 $0x80;
	s10 =	sand.u32 $0x1, s0  }
0x8: {  	s19 =	simm.s32 $0x29C0;
	s0 =	stileid.u32;
	s6 =	smul.u32 $0x1400, s10  }
0x9: {  	s20 =	simm.s32 $0x40;
	s21 =	simm.s32 $0x28C0;
	s7 =	smul.u32 $0x140, s0  }
0xa: {  	s22 =	simm.s32 $0x2900;
	s23 =	simm.s32 $0x2940;
	s8 =	smul.u32 $0x2800, s10  }
0xb: {  	s24 =	simm.s32 $0x2980;
	s26 =	simm.s32 $0x1;
	s11 =	smul.u32 $0x280, s0  }
0xc: {  	s28 =	simm.s32 $0x0;
	[smem:$0x7FF] =	sst s4;
	s29 =	smul.u32 $0x28800, s10  }
0xd: {  	s12 =	smul.u32 $0x2880, s0;
	_ =	strace $0x80000047;
	s13 =	ssub.s32 $0x2, s10  }
0xe: {  	s14 =	smul.u32 $0xA00, s0;
	s10 =	sshll.u32 s10, $0x4;
	p0 =	sne.s32 s0, $0x0  }
0xf: {  	s30 =	sshrl.u32 s13, $0x1;
	s9 =	sadd.s32 s9, s10;
	s6 =	sadd.s32 s7, s6  }
0x10: {  	s8 =	sadd.s32 s11, s8;
	s7 =	sadd.s32 s29, s12;
	s12 =	ssub.s32 s13, s30  }
0x11: {  	s31 =	sshrl.u32 s14, $0x2;
	s25 =	sadd.s32 s11, s2;
	s6 =	sshrl.u32 s6, $0x3  }
0x12: {  	s8 =	sshrl.u32 s8, $0x3;
	s7 =	sshrl.u32 s7, $0x3;
	s10 =	smax.u32 s12, $0x1  }
0x13: {  	s6 =	sadd.s32 s6, s5;
	s8 =	sadd.s32 s8, s5;
	s5 =	sadd.s32 s5, s7  }
0x14: {  	s25 =	sshrl.u32 s25, $0x3;
	s7 =	sadd.s32 s31, s2;
	s5 =	sadd.s32 $0xFA00, s5  }
0x15: {  	s6 =	sadd.s32 $0x19C00, s6;
	s8 =	sadd.s32 $0x1A200, s8;
	s11 =	sadd.s32 $0x80, s7  }
0x16: {  	v0 =	vimm.f32 $1.000000000e+00;
	v1 =	vimm.f32 $0.0e+00;
	s12 =	sadd.s32 $0x100, s7;
	s13 =	sadd.s32 $0x180, s7;
	s14 =	sadd.s32 $0x200, s7  }
.LBB2_1:
0x17: {  	[tilespmem:s4], [sflag:$0x2] =	stream.linear.gather [hbm4b:s5+s4], $0x2880, $0x38;
	[tilespmem:$0x2D48] =	vst v63  }
0x18: {  	_ =	swait.ge [sflag:s15], $0x2880  }
0x19: {  	[sflag:s15] =	ssyncset.done $0x0  }
0x1a: {  	[sflag:s15] =	ssyncadd.s32 $0xFFFFD780  }
0x1b: {  	[tilespmem:s16], [sflag:$0x2] =	stream.linear.gather [hbm4b:s6+s4], $0x140, $0x38;
	[tilespmem:$0x2D48] =	vst v63  }
0x1c: {  	_ =	swait.ge [sflag:s15], $0x140  }
0x1d: {  	[sflag:s15] =	ssyncset.done $0x0  }
0x1e: {  	[sflag:s15] =	ssyncadd.s32 $0xFFFFFEC0  }
0x1f: {  	[tilespmem:$0x29C0] =	vst v0  }
0x20: {  	[tilespmem:$0x2A40] =	vst v1  }
0x21: {  	[tilespmem:$0x29D0] =	vst v0  }
0x22: {  	[tilespmem:$0x2A50] =	vst v1  }
0x23: {  	[tilespmem:$0x29E0] =	vst v0  }
0x24: {  	[tilespmem:$0x2A60] =	vst v1  }
0x25: {  	[tilespmem:$0x29F0] =	vst v0  }
0x26: {  	[tilespmem:$0x2A70] =	vst v1  }
0x27: {  	[tilespmem:$0x2A00] =	vst v0  }
0x28: {  	[tilespmem:$0x2A80] =	vst v1  }
0x29: {  	[tilespmem:$0x2A10] =	vst v0  }
0x2a: {  	[tilespmem:$0x2A90] =	vst v1  }
0x2b: {  	[tilespmem:$0x2A20] =	vst v0  }
0x2c: {  	[tilespmem:$0x2AA0] =	vst v1  }
0x2d: {  	[tilespmem:$0x2A30] =	vst v0  }
0x2e: {  	[tilespmem:$0x2AB0] =	vst v1  }
0x2f: {  	[spmem:s7] =	stream.linear.scatter [tilespmem:s17], [sflag:$0x2], $0x80, $0x38;
	[tilespmem:$0x2D48] =	vst v63  }
0x30: {  	_ =	swait.ge [sflag:s15], $0x80  }
0x31: {  	[sflag:s15] =	ssyncset.done $0x0  }
0x32: {  	[sflag:s15] =	ssyncadd.s32 $0xFFFFFF80  }
0x33: {  	[spmem:s11] =	stream.linear.scatter [tilespmem:s17], [sflag:$0x2], $0x80, $0x38;
	[tilespmem:$0x2D48] =	vst v63  }
0x34: {  	_ =	swait.ge [sflag:s15], $0x80  }
0x35: {  	[sflag:s15] =	ssyncset.done $0x0  }
0x36: {  	[sflag:s15] =	ssyncadd.s32 $0xFFFFFF80  }
0x37: {  	[spmem:s12] =	stream.linear.scatter [tilespmem:s17], [sflag:$0x2], $0x80, $0x38;
	[tilespmem:$0x2D48] =	vst v63  }
0x38: {  	_ =	swait.ge [sflag:s15], $0x80  }
0x39: {  	[sflag:s15] =	ssyncset.done $0x0  }
0x3a: {  	[sflag:s15] =	ssyncadd.s32 $0xFFFFFF80  }
0x3b: {  	[spmem:s13] =	stream.linear.scatter [tilespmem:s17], [sflag:$0x2], $0x80, $0x38;
	[tilespmem:$0x2D48] =	vst v63  }
0x3c: {  	_ =	swait.ge [sflag:s15], $0x80  }
0x3d: {  	[sflag:s15] =	ssyncset.done $0x0  }
0x3e: {  	[sflag:s15] =	ssyncadd.s32 $0xFFFFFF80  }
0x3f: {  	[spmem:s14] =	stream.linear.scatter [tilespmem:s17], [sflag:$0x2], $0x80, $0x38;
	[tilespmem:$0x2D48] =	vst v63  }
0x40: {  	_ =	swait.ge [sflag:s15], $0x80  }
0x41: {  	[sflag:s15] =	ssyncset.done $0x0  }
0x42: {  	s29 =	simm.s32 @!p0 $0x2A40;
	[sflag:s15] =	ssyncadd.s32 $0xFFFFFF80  }
0x43: {  	[spmem:s3] =	stream.linear.scatter @!p0 [tilespmem:s29], [sflag:$0x2], $0x80, $0x38;
	[tilespmem:$0x2D48] =	vst v63  }
0x44: {  	s29 =	simm.s32 @!p0 $0x2  }
0x45: {  	_ =	swait.ge @!p0 [sflag:s29], $0x80  }
0x46: {  	[sflag:s29] =	ssyncset.done @!p0 $0x0  }
0x47: {  	[sflag:s29] =	ssyncadd.s32 @!p0 $0xFFFFFF80  }
0x48: {  	s30 =	simm.s32 $0x0;
	s29 =	simm.s32 $0x200;
	[bflag:$0x0] =	sbarrier.arrive $0xFFFF  }
.LBB2_2:
0x49: {  	[spmem:s2] =	stream.indirect.scatter.add.f32 [tilespmem:s19], [sflag:$0x1], $0x1, s30, s18, $0xb8;
	[tilespmem:$0x2D48] =	vst v63  }
0x4a: {  	s30 =	smov.u32 s29;
	p1 =	sne.s32 s29, $0xA000  }
.Ltmp0:
0x4b: {  	s29 =	sadd.s32 $0x200, s29;
	(pc) =	sbr.rel @p1 .LBB2_2-.Ltmp0, $2  }
0x4c: {  	_ =	sdelay $0x2  }
0x4d: {  	s30 =	sshra.s32 s30, $0x2  }
0x4e: {  	[spmem:s2] =	stream.indirect.scatter.add.f32 [tilespmem:s19], [sflag:$0x1], $0x1, s30, s18, $0xb8;
	[tilespmem:$0x2D48] =	vst v63  }
0x4f: {  	_ = 	snop  }
0x50: {  	[spmem:s3] =	stream.indirect.scatter.add.f32 [tilespmem:s19], [sflag:$0x1], $0x1, s16, s20, $0xb8;
	[tilespmem:$0x2D48] =	vst v63  }
0x51: {  	_ = 	snop  }
0x52: {  	[spmem:s3] =	stream.indirect.scatter.add.f32 [tilespmem:s19], [sflag:$0x1], $0x1, s21, s20, $0xb8;
	[tilespmem:$0x2D48] =	vst v63  }
0x53: {  	_ = 	snop  }
0x54: {  	[spmem:s3] =	stream.indirect.scatter.add.f32 [tilespmem:s19], [sflag:$0x1], $0x1, s22, s20, $0xb8;
	[tilespmem:$0x2D48] =	vst v63  }
0x55: {  	_ = 	snop  }
0x56: {  	[spmem:s3] =	stream.indirect.scatter.add.f32 [tilespmem:s19], [sflag:$0x1], $0x1, s23, s20, $0xb8;
	[tilespmem:$0x2D48] =	vst v63  }
0x57: {  	_ = 	snop  }
0x58: {  	[spmem:s3] =	stream.indirect.scatter.add.f32 [tilespmem:s19], [sflag:$0x1], $0x1, s24, s20, $0xb8;
	[tilespmem:$0x2D48] =	vst v63  }
0x59: {  	_ =	swait.ge [sflag:s26], $0x2880  }
0x5a: {  	[sflag:s26] =	ssyncset.done $0x0  }
0x5b: {  	[sflag:s26] =	ssyncadd.s32 $0xFFFFD780  }
0x5c: {  	_ =	swait.ge [sflag:s26], $0x140  }
0x5d: {  	[sflag:s26] =	ssyncset.done $0x0  }
0x5e: {  	s29 =	sshll.u32 s0, $0x6;
	[sflag:s26] =	ssyncadd.s32 $0xFFFFFEC0  }
0x5f: {  	s29 =	sor.u32 $0x1C02, s29;
	[bflag:$0x0] =	sbarrier.arrive $0xFFFF  }
0x60: {  	[hbm:s8], [sflag:s29] =	dma.local [spmem:s25], $0x50  }
0x61: {  	_ =	swait.ge [sflag:s15], $0x50  }
0x62: {  	s28 =	sadd.s32 $0x1, s28;
	[sflag:s15] =	ssyncset.done $0x0  }
0x63: {  	s30 =	sshrl.u32 @!p0 s3, $0x3;
	p1 =	sne.s32 s28, s10;
	[sflag:s15] =	ssyncadd.s32 $0xFFFFFFB0  }
0x64: {  	[hbm:s9], [sflag:s29] =	dma.local @!p0 [spmem:s30], $0x10  }
.Ltmp1:
0x65: {  	_ = 	snop;
	(pc) =	sbr.rel @p1 .LBB2_1-.Ltmp1, $4  }
0x66: {  	s29 =	simm.s32 @!p0 $0x2  }
0x67: {  	_ =	swait.ge @!p0 [sflag:s29], $0x10  }
0x68: {  	[sflag:s29] =	ssyncset.done @!p0 $0x0  }
0x69: {  	[sflag:s29] =	ssyncadd.s32 @!p0 $0xFFFFFFF0  }
0x6a: {  	_ =	sfence.sel $0x180000  }
0x6b: {  	[bflag:$0x0] =	sbarrier.arrive $0xFFFF  }
0x6c: {  	_ =	strace $0x90000047  }
0x6d: {  	s0 =	sadd.s32 @!p0 $0x100000, s1;
	[bflag:$0x2] =	sbarrier.arrive $0xFFFF  }
0x6e: {  	[sflag:s0] =	ssyncadd.tile.s32 @!p0 $0x1;
	_ =	shalt  }
.Lfunc_end2:
_tile_overlayer_lowered:
.L_overlay_start_2:
0x6f: {  	(tag) =	ssettag $0x2  }
0x70: {  	s0 =	rddreg [dreg:$0x0];
	s2 =	stileid.u32  }
0x71: {  	s1 =	rddreg [dreg:$0x1];
	p0 =	sne.s32 s2, $0x0  }
0x72: {  	s3 =	rddreg [dreg:$0x2];
	[bflag:$0x3] =	sbarrier.arrive $0xFFFF;
	s2 =	simm.s32 @!p0 $0x1C02  }
0x73: {  	[timem:s3], [sflag:s2] =	dma.local @!p0 [hbm:s0], s1  }
0x74: {  	s0 =	simm.s32 @!p0 $0x2  }
0x75: {  	_ =	swait.ge @!p0 [sflag:s0], s1  }
0x76: {  	s1 =	ssub.s32 @!p0 $0x0, s1;
	[sflag:s0] =	ssyncset.done @!p0 $0x0  }
0x77: {  	[sflag:s0] =	ssyncadd.s32 @!p0 s1  }
0x78: {  	[bflag:$0x3] =	sbarrier.arrive $0xFFFF  }
0x79: {  	_ =	shalt  }

// kernel: kernel.14.cloned.1.call-start
scs
__scs_entry_jumppad:
0x0: {  	(pc) =	sbr.rel $0x88, $3  }
0x1: {  	(tag) =	ssettag $0x0;
	lr =	simm.s32 $0x1  }
0x2: {  	[smem:$0x3F96] =	sst lr;
	_ =	strace $0xD0000000  }
0x3: {  	_ = 	snop  }
0x4: {  	_ = 	snop  }
0x5: {  	_ = 	snop  }
0x6: {  	_ = 	snop  }
0x7: {  	_ = 	snop  }
__scs_overlays_trampoline_lowered:
0x8: {  	[smem:$0x3FA5] =	sst s0  }
0x9: {  	[smem:$0x3FA6] =	sst s1  }
0xa: {  	[smem:$0x3FA7] =	sst s2  }
0xb: {  	[smem:$0x3FA8] =	sst s3  }
0xc: {  	[smem:$0x3FA9] =	sst s4  }
0xd: {  	[smem:$0x3FAA] =	sst s5  }
0xe: {  	[smem:$0x3FAB] =	sst s6  }
0xf: {  	[smem:$0x3FAC] =	sst s7  }
0x10: {  	[smem:$0x3FAD] =	sst s8  }
0x11: {  	[smem:$0x3FAE] =	sst s9;
	s0 =	simm.s32 @!p0 $0x0  }
0x12: {  	s1 =	sld [smem:$0x3F94];
	s0 =	simm.s32 @p0 $0x1  }
0x13: {  	[smem:$0x3FAF] =	sst s0;
	s0 =	simm.s32 @!p1 $0x0  }
0x14: {  	s2 =	sld [smem:$0x3F93];
	s0 =	simm.s32 @p1 $0x1  }
0x15: {  	[smem:$0x3FB0] =	sst s0;
	s0 =	simm.s32 @!p2 $0x0  }
0x16: {  	s3 =	sld [smem:$0x3FDB];
	s0 =	simm.s32 @p2 $0x1  }
0x17: {  	s4 =	simm.s32 $0x1BF5;
	[smem:$0x3FB2] =	sst s0  }
0x18: {  	s0 =	sld [smem:$0x3F95];
	_ =	swait.ge [sflag:s4], $0x0  }
0x19: {  	s7 =	sld [smem:$0x3F96]  }
0x1a: {  	s8 =	sadd.s32 $0xFFFFE003, lr  }
0x1b: {  	s9 =	sadd.s32 $0xFFFFFEF7, lr;
	s5 =	simm.s32 $0xFFFFFFFF;
	p2 =	slt.u32 s8, $0xFFFFF086  }
0x1c: {  	p1 =	slt.u32 s9, $0xF7A;
	s5 =	simm.s32 @!p2 $0x0  }
0x1d: {  	s5 =	simm.s32 @p1 $0x1;
	p0 =	seq.s32 s7, s2  }
0x1e: {  	s7 =	smul.u32 @!p0 $0xF7A, s2;
	p2 =	seq.s32 @!p0 s5, $0x0  }
0x1f: {  	s9 =	smul.u32 $0xF7A, s1;
	s8 =	simm.s32 @!p0 $0x1BF5;
	p2 =	por !p2, p0  }
0x20: {  	[sflag:s8] =	ssyncset.s32 @!p0 $0xFFFFF086;
	s6 =	sadd.s32 @!p0 s3, s7;
	s7 =	simm.s32 @!p0 $0x108  }
0x21: {  	s3 =	sadd.s32 s3, s9;
	s6 =	sadd.s32 @!p0 $0x88, s6;
	s7 =	simm.s32 @p2 $0x1082  }
0x22: {  	[simem:s7], [sflag:s8] =	dma.local @!p0 [hbm:s6], $0xF7A  }
0x23: {  	s9 =	sor.u32 $0xD0000000, s2;
	s6 =	simm.s32 $0x108;
	_ =	swait.ge @!p0 [sflag:s8], $0x0  }
0x24: {  	s3 =	sadd.s32 $0x88, s3;
	s6 =	simm.s32 @!p1 $0x1082;
	[sflag:s4] =	ssyncset.s32 $0xFFFFF086  }
0x25: {  	[simem:s6], [sflag:s4] =	dma.local [hbm:s3], $0xF7A  }
0x26: {  	[smem:$0x3F96] =	sst s1;
	(tag) =	ssettag s2;
	_ =	strace s9  }
0x27: {  	s1 =	sld [smem:$0x3FA6]  }
0x28: {  	s2 =	sld [smem:$0x3FA7]  }
0x29: {  	s4 =	sld [smem:$0x3FA9]  }
0x2a: {  	p0 =	seq.s32 s5, $0x0;
	s5 =	sld [smem:$0x3FAA]  }
0x2b: {  	s6 =	sld [smem:$0x3FAB]  }
0x2c: {  	s7 =	sld [smem:$0x3FAC]  }
0x2d: {  	s3 =	simm.s32 $0x108;
	s8 =	sld [smem:$0x3FAD]  }
0x2e: {  	s3 =	simm.s32 @!p0 $0x1082;
	s9 =	sld [smem:$0x3FAE]  }
0x2f: {  	lr =	sadd.s32 s0, s3;
	s0 =	sld [smem:$0x3FA5]  }
0x30: {  	s3 =	sld [smem:$0x3FA8]  }
0x31: {  	[smem:$0x3FB1] =	sst s10  }
0x32: {  	s10 =	sld [smem:$0x3FAF];
	_ =	sdelay $0x3  }
0x33: {  	p0 =	seq.s32 s10, $0x1;
	s10 =	sld [smem:$0x3FB1];
	_ =	sdelay $0x3  }
0x34: {  	[smem:$0x3FB1] =	sst s10  }
0x35: {  	s10 =	sld [smem:$0x3FB0];
	_ =	sdelay $0x3  }
0x36: {  	p1 =	seq.s32 s10, $0x1;
	s10 =	sld [smem:$0x3FB1];
	_ =	sdelay $0x3  }
0x37: {  	[smem:$0x3FB1] =	sst s10  }
0x38: {  	s10 =	sld [smem:$0x3FB2]  }
0x39: {  	_ = 	snop;
	(pc) =	sbr.ind lr, $3  }
0x3a: {  	_ = 	snop  }
0x3b: {  	_ = 	snop  }
0x3c: {  	p2 =	seq.s32 s10, $0x1;
	s10 =	sld [smem:$0x3FB1]  }
0x3d: {  	_ =	shalt  }
0x3e: {  	_ =	shalt  }
0x3f: {  	_ =	shalt  }
0x40: {  	_ =	shalt  }
0x41: {  	_ =	shalt  }
0x42: {  	_ =	shalt  }
0x43: {  	_ =	shalt  }
0x44: {  	_ =	shalt  }
0x45: {  	_ =	shalt  }
0x46: {  	_ =	shalt  }
0x47: {  	_ =	shalt  }
0x48: {  	_ =	shalt  }
0x49: {  	_ =	shalt  }
0x4a: {  	_ =	shalt  }
0x4b: {  	_ =	shalt  }
0x4c: {  	_ =	shalt  }
0x4d: {  	_ =	shalt  }
0x4e: {  	_ =	shalt  }
0x4f: {  	_ =	shalt  }
0x50: {  	_ =	shalt  }
0x51: {  	_ =	shalt  }
0x52: {  	_ =	shalt  }
0x53: {  	_ =	shalt  }
0x54: {  	_ =	shalt  }
0x55: {  	_ =	shalt  }
0x56: {  	_ =	shalt  }
0x57: {  	_ =	shalt  }
0x58: {  	_ =	shalt  }
0x59: {  	_ =	shalt  }
0x5a: {  	_ =	shalt  }
0x5b: {  	_ =	shalt  }
0x5c: {  	_ =	shalt  }
0x5d: {  	_ =	shalt  }
0x5e: {  	_ =	shalt  }
0x5f: {  	_ =	shalt  }
0x60: {  	_ =	shalt  }
0x61: {  	_ =	shalt  }
0x62: {  	_ =	shalt  }
0x63: {  	_ =	shalt  }
0x64: {  	_ =	shalt  }
0x65: {  	_ =	shalt  }
0x66: {  	_ =	shalt  }
0x67: {  	_ =	shalt  }
0x68: {  	_ =	shalt  }
0x69: {  	_ =	shalt  }
0x6a: {  	_ =	shalt  }
0x6b: {  	_ =	shalt  }
0x6c: {  	_ =	shalt  }
0x6d: {  	_ =	shalt  }
0x6e: {  	_ =	shalt  }
0x6f: {  	_ =	shalt  }
0x70: {  	_ =	shalt  }
0x71: {  	_ =	shalt  }
0x72: {  	_ =	shalt  }
0x73: {  	_ =	shalt  }
0x74: {  	_ =	shalt  }
0x75: {  	_ =	shalt  }
0x76: {  	_ =	shalt  }
0x77: {  	_ =	shalt  }
0x78: {  	_ =	shalt  }
0x79: {  	_ =	shalt  }
0x7a: {  	_ =	shalt  }
0x7b: {  	_ =	shalt  }
0x7c: {  	_ =	shalt  }
0x7d: {  	_ =	shalt  }
0x7e: {  	_ =	shalt  }
0x7f: {  	_ =	shalt  }
0x80: {  	_ =	shalt  }
0x81: {  	_ =	shalt  }
0x82: {  	_ =	shalt  }
0x83: {  	_ =	shalt  }
0x84: {  	_ =	shalt  }
0x85: {  	_ =	shalt  }
0x86: {  	_ =	shalt  }
0x87: {  	_ =	shalt  }
.Lfunc_end0:
.L_simem_size_0:
called_computation.1_lowered:
.L_overlay_start_0:
0x88: {  	s2 =	sld [smem:$0x3FD9]  }
0x89: {  	s3 =	sld [smem:$0x3FFE];
	_ =	sdelay $0x1  }
0x8a: {  	s1 =	srdreg.scid  }
0x8b: {  	s0 =	sand.u32 $0x1, s1  }
0x8c: {  	s16 =	sshll.u32 s0, $0xA;
	s2 =	sadd.s32 s3, s2  }
0x8d: {  	s2 =	sadd.s32 s2, s16  }
0x8e: {  	[smem:$0x3FBD] =	sst s2  }
0x8f: {  	_ = 	snop  }
0x90: {  	(tm) =	ssettm $0x1  }
0x91: {  	s17 =	sld [smem:$0x3FFB];
	_ =	sdelay $0x3  }
0x92: {  	_ =	strace s17  }
0x93: {  	s2 =	sld [smem:$0x3FFC];
	_ =	sdelay $0x3  }
0x94: {  	_ =	strace s2  }
0x95: {  	s2 =	sld [smem:$0x3FFD];
	_ =	sdelay $0x3  }
0x96: {  	_ =	strace s2  }
0x97: {  	_ =	strace $0x8FFFFFFF  }
0x98: {  	s18 =	sld [smem:$0x3FDB];
	_ =	sdelay $0x1  }
0x99: {  	s19 =	simm.s32 $_scs_section_size  }
0x9a: {  	s4 =	simm.s32 $_size__tile_overlayer_lowered;
	s5 =	simm.s32 $_tile_overlayer_lowered  }
0x9b: {  	s22 =	simm.s32 $0x1BFF;
	s21 =	sshll.u32 s5, $0x1;
	s2 =	sadd.s32 s19, s18  }
0x9c: {  	s6 =	simm.s32 $0x0;
	s20 =	sshll.u32 s4, $0x1;
	s4 =	sadd.s32 s21, s2  }
0x9d: {  	[timem:s6], [sflag:s22] =	dma.local [hbm:s4], s20  }
0x9e: {  	_ =	swait.ge [sflag:s22], s20  }
0x9f: {  	s3 =	ssub.s32 $0x0, s20;
	[sflag:s22] =	ssyncset.done $0x0  }
0xa0: {  	[sflag:s22] =	ssyncadd.s32 s3;
	_ =	sdelay $0x1  }
0xa1: {  	s23 =	simm.s32 $0x1B8B  }
0xa2: {  	_ =	swait.ge [sflag:s23], $0x1  }
0xa3: {  	[sflag:s23] =	ssyncset.done $0x0  }
0xa4: {  	s25 =	simm.s32 $0x1B8E;
	s24 =	sld [smem:$0x3FFE];
	[sflag:s23] =	ssyncadd.s32 $0xFFFFFFFF  }
0xa5: {  	s26 =	simm.s32 $execute0_lowered;
	[smem:$0x3FD2] =	sst s25  }
0xa6: {  	s4 =	sshll.u32 s26, $0x1;
	_ =	strace $0x80000049;
	[dreg:$0x1] =	wrdreg $0xFFFFFFFF  }
0xa7: {  	s28 =	simm.s32 $_size_execute0_lowered;
	s2 =	sadd.s32 s2, s4;
	[dreg:$0x0] =	wrdreg $0x0  }
0xa8: {  	s4 =	sshll.u32 s28, $0x1;
	[dreg:$0x2] =	wrdreg s2  }
0xa9: {  	[dreg:$0x3] =	wrdreg s4  }
0xaa: {  	[dreg:$0x4] =	wrdreg $0xC0  }
0xab: {  	_ =	task [dreg:s6], $0x5FFFF  }
0xac: {  	[dreg:$0x1] =	wrdreg $0xFFFFFFFF  }
0xad: {  	[dreg:$0x0] =	wrdreg $0x60  }
0xae: {  	[dreg:$0x2] =	wrdreg s24  }
0xaf: {  	[dreg:$0x3] =	wrdreg $0x71000  }
0xb0: {  	[dreg:$0x4] =	wrdreg $0xC1000  }
0xb1: {  	[dreg:$0x5] =	wrdreg $0x9  }
0xb2: {  	_ =	task.clear_ibuf [dreg:s6], $0x6FFFF;
	_ =	strace $0x90000049  }
0xb3: {  	s29 =	simm.s32 $0x9;
	_ =	strace $0x8000004B  }
0xb4: {  	_ =	swait.ge [sflag:s29], $0x1  }
0xb5: {  	[sflag:s29] =	ssyncadd.s32 $0xFFFFFFFF  }
0xb6: {  	_ =	strace $0x9000004B  }
0xb7: {  	_ =	sfence  }
0xb8: {  	s30 =	sld [smem:$0x0];
	_ =	sdelay $0x2  }
0xb9: {  	s31 =	sshll.u32 s1, $0xD;
	s1 =	sshrl.u32 s1, $0x2  }
0xba: {  	s3 =	sand.u32 $0x4000, s31;
	s1 =	sadd.s32 s1, s30  }
0xbb: {  	s0 =	sor.u32 s3, s0;
	s1 =	sshll.u32 s1, $0x11  }
0xbc: {  	s0 =	sor.u32 s1, s0  }
0xbd: {  	s0 =	sadd.s32 $0x8F2B, s0  }
0xbe: {  	[sflag:s0] =	ssyncadd.remote.s32 $0x1  }
0xbf: {  	_ =	sfence.sel $0xFFFF  }
0xc0: {  	[dreg:$0x0] =	wrdreg $0xFFFFFFFF;
	(pc) =	sbr.abs _section_cstart, $3  }
0xc1: {  	[dreg:$0x1] =	wrdreg $0xFFFFFFFF  }
0xc2: {  	_ =	task.clear_ibuf [dreg:s6], $0x2FFFF;
	_ =	strace $0x9FFFFFFF  }
0xc3: {  	(tm) =	ssettm $0x7FFFFFFF  }
tec
execute0_lowered:
.L_overlay_start_1:
0x0: {  	(tag) =	ssettag $0x1  }
0x1: {  	s5 =	rddreg [dreg:$0x0];
	s0 =	stileid.u32  }
0x2: {  	s1 =	srdreg.scid;
	s2 =	rddreg [dreg:$0x1]  }
0x3: {  	s3 =	rddreg [dreg:$0x2];
	s4 =	simm.s32 $0x0;
	s15 =	simm.s32 $0x3  }
0x4: {  	s16 =	simm.s32 $0x2880;
	s19 =	simm.s32 $0x5100;
	s20 =	simm.s32 $0x80  }
0x5: {  	s21 =	simm.s32 $0x6100;
	s22 =	simm.s32 $0x1;
	s7 =	smul.u32 $0xA000, s0  }
0x6: {  	s23 =	simm.s32 $0x2;
	s24 =	simm.s32 $0x5080;
	s9 =	smul.u32 $0x2880, s0  }
0x7: {  	s26 =	simm.s32 $0x0;
	s6 =	sand.u32 $0x1, s1;
	s12 =	smul.u32 $0x14000, s0  }
0x8: {  	[smem:$0x7FF] =	sst s4;
	s17 =	sshll.u32 s0, $0x6;
	s8 =	smul.u32 $0x28800, s6  }
0x9: {  	s11 =	smul.u32 $0xA0000, s6;
	_ =	strace $0x8000004A;
	s6 =	ssub.s32 $0x2, s6  }
0xa: {  	s17 =	sor.u32 $0x1C03, s17;
	s10 =	sshrl.u32 s7, $0x4;
	s30 =	sshrl.u32 s6, $0x1  }
0xb: {  	s13 =	sshrl.u32 s7, $0x1;
	s31 =	sshrl.u32 s12, $0x2;
	s10 =	sadd.s32 s10, s5  }
0xc: {  	s8 =	sadd.s32 s9, s8;
	s29 =	sadd.s32 s7, s11;
	s11 =	ssub.s32 s6, s30  }
0xd: {  	s18 =	sadd.s32 s13, s2;
	s25 =	sadd.s32 s13, s3;
	s8 =	sshrl.u32 s8, $0x3  }
0xe: {  	s9 =	sshrl.u32 s29, $0x4;
	s7 =	sadd.s32 $0x92C00, s10;
	s10 =	smax.u32 s11, $0x1  }
0xf: {  	s18 =	sshrl.u32 s18, $0x3;
	s8 =	sadd.s32 s8, s5;
	s9 =	sadd.s32 s9, s5  }
0x10: {  	s5 =	sadd.s32 $0x5800, s8;
	s6 =	sadd.s32 $0xFA00, s8;
	s8 =	sadd.s32 s31, s3  }
0x11: {  	s25 =	sshrl.u32 s25, $0x3;
	s9 =	sadd.s32 $0x9CC00, s9;
	s11 =	sadd.s32 $0x1000, s8  }
0x12: {  	v0 =	vimm.bf16 $0.0e+00;
	s12 =	sadd.s32 $0x2000, s8;
	s13 =	sadd.s32 $0x3000, s8;
	s14 =	sadd.s32 $0x4000, s8  }
.LBB2_1:
0x13: {  	[tilespmem:s4], [sflag:$0x3] =	stream.linear.gather [hbm4b:s5+s4], $0x2880, $0x38;
	[tilespmem:$0x11100] =	vst v63  }
0x14: {  	_ =	swait.ge [sflag:s15], $0x2880  }
0x15: {  	[sflag:s15] =	ssyncset.done $0x0  }
0x16: {  	[sflag:s15] =	ssyncadd.s32 $0xFFFFD780  }
0x17: {  	[tilespmem:s16], [sflag:$0x3] =	stream.linear.gather [hbm4b:s6+s4], $0x2880, $0x38;
	[tilespmem:$0x11100] =	vst v63  }
0x18: {  	_ =	swait.ge [sflag:s15], $0x2880  }
0x19: {  	[sflag:s15] =	ssyncset.done $0x0  }
0x1a: {  	[sflag:s15] =	ssyncadd.s32 $0xFFFFD780  }
0x1b: {  	[spmem:s18], [sflag:s17] =	dma.local [hbm:s7], $0xA00  }
0x1c: {  	_ =	swait.ge [sflag:s15], $0xA00  }
0x1d: {  	[sflag:s15] =	ssyncset.done $0x0  }
0x1e: {  	s28 =	simm.s32 $0x80;
	s29 =	simm.s32 $0x0;
	[sflag:s15] =	ssyncadd.s32 $0xFFFFF600  }
.LBB2_2:
0x1f: {  	p0 =	sne.s32 s28, $0x3F80;
	[tilespmem:s29+$0x5100] =	vst v0;
	s30 =	smov.u32 s28;
	s28 =	sadd.s32 $0x80, s28  }
.Ltmp0:
0x20: {  	[tilespmem:s29+$0x5110] =	vst v0;
	(pc) =	sbr.rel @p0 .LBB2_2-.Ltmp0, $2  }
0x21: {  	_ =	sdelay $0x2  }
0x22: {  	s29 =	sshra.s32 s30, $0x2  }
0x23: {  	[tilespmem:s29+$0x5100] =	vst v0  }
0x24: {  	[tilespmem:s29+$0x5110] =	vst v0  }
0x25: {  	[spmem:s8] =	stream.linear.scatter [tilespmem:s19], [sflag:$0x3], $0x1000, $0x38;
	[tilespmem:$0x11100] =	vst v63  }
0x26: {  	_ =	swait.ge [sflag:s15], $0x1000  }
0x27: {  	[sflag:s15] =	ssyncset.done $0x0  }
0x28: {  	[sflag:s15] =	ssyncadd.s32 $0xFFFFF000  }
0x29: {  	[spmem:s11] =	stream.linear.scatter [tilespmem:s19], [sflag:$0x3], $0x1000, $0x38;
	[tilespmem:$0x11100] =	vst v63  }
0x2a: {  	_ =	swait.ge [sflag:s15], $0x1000  }
0x2b: {  	[sflag:s15] =	ssyncset.done $0x0  }
0x2c: {  	[sflag:s15] =	ssyncadd.s32 $0xFFFFF000  }
0x2d: {  	[spmem:s12] =	stream.linear.scatter [tilespmem:s19], [sflag:$0x3], $0x1000, $0x38;
	[tilespmem:$0x11100] =	vst v63  }
0x2e: {  	_ =	swait.ge [sflag:s15], $0x1000  }
0x2f: {  	[sflag:s15] =	ssyncset.done $0x0  }
0x30: {  	[sflag:s15] =	ssyncadd.s32 $0xFFFFF000  }
0x31: {  	[spmem:s13] =	stream.linear.scatter [tilespmem:s19], [sflag:$0x3], $0x1000, $0x38;
	[tilespmem:$0x11100] =	vst v63  }
0x32: {  	_ =	swait.ge [sflag:s15], $0x1000  }
0x33: {  	[sflag:s15] =	ssyncset.done $0x0  }
0x34: {  	[sflag:s15] =	ssyncadd.s32 $0xFFFFF000  }
0x35: {  	[spmem:s14] =	stream.linear.scatter [tilespmem:s19], [sflag:$0x3], $0x1000, $0x38;
	[tilespmem:$0x11100] =	vst v63  }
0x36: {  	_ =	swait.ge [sflag:s15], $0x1000  }
0x37: {  	[sflag:s15] =	ssyncset.done $0x0  }
0x38: {  	[sflag:s15] =	ssyncadd.s32 $0xFFFFF000  }
0x39: {  	s28 =	simm.s32 $0x0;
	[bflag:$0x0] =	sbarrier.arrive $0xFFFF  }
0x3a: {  	[tilespmem:s19], [sflag:$0x1] =	stream.indirect.gather [spmem:s2], $0x20, s28, s20, $0xb8;
	[tilespmem:$0x11100] =	vst v63  }
0x3b: {  	s28 =	simm.s32 $0x80  }
0x3c: {  	[tilespmem:s21], [sflag:$0x2] =	stream.indirect.gather [spmem:s2], $0x20, s28, s20, $0xb8;
	[tilespmem:$0x11100] =	vst v63  }
0x3d: {  	_ =	swait.ge [sflag:s22], $0x1000  }
0x3e: {  	[sflag:s22] =	ssyncset.done $0x0  }
0x3f: {  	s28 =	simm.s32 $0x2880;
	[sflag:s22] =	ssyncadd.s32 $0xFFFFF000  }
0x40: {  	[spmem:s3] =	stream.indirect.scatter.add.bf16 [tilespmem:s19], [sflag:$0x3], $0x20, s28, s20, $0xb8;
	[tilespmem:$0x11100] =	vst v63  }
0x41: {  	_ =	swait.ge [sflag:s15], $0x1000  }
0x42: {  	[sflag:s15] =	ssyncset.done $0x0  }
0x43: {  	s28 =	simm.s32 $0x100;
	[sflag:s15] =	ssyncadd.s32 $0xFFFFF000  }
0x44: {  	[tilespmem:s19], [sflag:$0x1] =	stream.indirect.gather [spmem:s2], $0x20, s28, s20, $0xb8;
	[tilespmem:$0x11100] =	vst v63  }
0x45: {  	_ =	swait.ge [sflag:s23], $0x1000  }
0x46: {  	[sflag:s23] =	ssyncset.done $0x0  }
0x47: {  	s28 =	simm.s32 $0x2900;
	[sflag:s23] =	ssyncadd.s32 $0xFFFFF000  }
0x48: {  	[spmem:s3] =	stream.indirect.scatter.add.bf16 [tilespmem:s21], [sflag:$0x3], $0x20, s28, s20, $0xb8;
	[tilespmem:$0x11100] =	vst v63  }
0x49: {  	_ =	swait.ge [sflag:s15], $0x1000  }
0x4a: {  	s29 =	simm.s32 $0x800;
	s28 =	simm.s32 $0x100;
	[sflag:s15] =	ssyncset.done $0x0  }
.LBB2_4:
0x4b: {  	s30 =	sadd.s32 $0x80, s28  }
0x4c: {  	[sflag:s15] =	ssyncadd.s32 $0xFFFFF000;
	s31 =	smov.u32 s29;
	s1 =	sadd.s32 $0x400, s29  }
0x4d: {  	[tilespmem:s21], [sflag:$0x2] =	stream.indirect.gather [spmem:s2], $0x20, s30, s20, $0xb8;
	[tilespmem:$0x11100] =	vst v63  }
0x4e: {  	p0 =	sne.s32 s29, $0x9C00;
	_ =	swait.ge [sflag:s22], $0x1000  }
0x4f: {  	[sflag:s22] =	ssyncset.done $0x0  }
0x50: {  	s29 =	sadd.s32 $0x2880, s28;
	[sflag:s22] =	ssyncadd.s32 $0xFFFFF000  }
0x51: {  	[spmem:s3] =	stream.indirect.scatter.add.bf16 [tilespmem:s19], [sflag:$0x3], $0x20, s29, s20, $0xb8;
	[tilespmem:$0x11100] =	vst v63  }
0x52: {  	_ =	swait.ge [sflag:s15], $0x1000  }
0x53: {  	[sflag:s15] =	ssyncset.done $0x0  }
0x54: {  	s29 =	sadd.s32 $0x100, s28;
	[sflag:s15] =	ssyncadd.s32 $0xFFFFF000  }
0x55: {  	[tilespmem:s19], [sflag:$0x1] =	stream.indirect.gather [spmem:s2], $0x20, s29, s20, $0xb8;
	[tilespmem:$0x11100] =	vst v63  }
0x56: {  	_ =	swait.ge [sflag:s23], $0x1000  }
.Ltmp1:
0x57: {  	[sflag:s23] =	ssyncset.done $0x0;
	(pc) =	sbr.rel @p0 .LBB2_4-.Ltmp1, $4  }
0x58: {  	s28 =	sadd.s32 $0x2900, s28;
	[sflag:s23] =	ssyncadd.s32 $0xFFFFF000  }
0x59: {  	[spmem:s3] =	stream.indirect.scatter.add.bf16 [tilespmem:s21], [sflag:$0x3], $0x20, s28, s20, $0xb8;
	[tilespmem:$0x11100] =	vst v63  }
0x5a: {  	_ =	swait.ge [sflag:s15], $0x1000  }
0x5b: {  	s29 =	smov.u32 s1;
	s28 =	sshra.s32 s31, $0x2;
	[sflag:s15] =	ssyncset.done $0x0  }
0x5c: {  	s1 =	sadd.s32 $0x80, s28;
	[sflag:s15] =	ssyncadd.s32 $0xFFFFF000  }
0x5d: {  	[tilespmem:s21], [sflag:$0x2] =	stream.indirect.gather [spmem:s2], $0x20, s1, s20, $0xb8;
	[tilespmem:$0x11100] =	vst v63  }
0x5e: {  	_ =	swait.ge [sflag:s22], $0x1000  }
0x5f: {  	[sflag:s22] =	ssyncset.done $0x0  }
0x60: {  	s29 =	sadd.s32 $0x2880, s28;
	[sflag:s22] =	ssyncadd.s32 $0xFFFFF000  }
0x61: {  	[spmem:s3] =	stream.indirect.scatter.add.bf16 [tilespmem:s19], [sflag:$0x3], $0x20, s29, s20, $0xb8;
	[tilespmem:$0x11100] =	vst v63  }
0x62: {  	_ =	swait.ge [sflag:s15], $0x1000  }
0x63: {  	[sflag:s15] =	ssyncset.done $0x0  }
0x64: {  	s30 =	sadd.s32 $0x100, s28;
	[sflag:s15] =	ssyncadd.s32 $0xFFFFF000  }
0x65: {  	[tilespmem:s19], [sflag:$0x1] =	stream.indirect.gather [spmem:s2], $0x20, s30, s20, $0xb8;
	[tilespmem:$0x11100] =	vst v63  }
0x66: {  	_ =	swait.ge [sflag:s23], $0x1000  }
0x67: {  	[sflag:s23] =	ssyncset.done $0x0  }
0x68: {  	s31 =	sadd.s32 $0x2900, s28;
	[sflag:s23] =	ssyncadd.s32 $0xFFFFF000  }
0x69: {  	[spmem:s3] =	stream.indirect.scatter.add.bf16 [tilespmem:s21], [sflag:$0x3], $0x20, s31, s20, $0xb8;
	[tilespmem:$0x11100] =	vst v63  }
0x6a: {  	_ =	swait.ge [sflag:s15], $0x1000  }
0x6b: {  	[sflag:s15] =	ssyncset.done $0x0  }
0x6c: {  	[sflag:s15] =	ssyncadd.s32 $0xFFFFF000  }
0x6d: {  	_ =	swait.ge [sflag:s22], $0x1000  }
0x6e: {  	[sflag:s22] =	ssyncset.done $0x0  }
0x6f: {  	[sflag:s22] =	ssyncadd.s32 $0xFFFFF000  }
0x70: {  	[spmem:s3] =	stream.indirect.scatter.add.bf16 [tilespmem:s19], [sflag:$0x3], $0x20, s24, s20, $0xb8;
	[tilespmem:$0x11100] =	vst v63  }
0x71: {  	_ =	swait.ge [sflag:s15], $0x1000  }
0x72: {  	s26 =	sadd.s32 $0x1, s26;
	[sflag:s15] =	ssyncset.done $0x0  }
0x73: {  	p0 =	sne.s32 s26, s10;
	[sflag:s15] =	ssyncadd.s32 $0xFFFFF000  }
.Ltmp2:
0x74: {  	[bflag:$0x0] =	sbarrier.arrive $0xFFFF;
	(pc) =	sbr.rel @p0 .LBB2_1-.Ltmp2, $4  }
0x75: {  	[hbm:s9], [sflag:s17] =	dma.local [spmem:s25], $0xA00  }
0x76: {  	_ =	swait.ge [sflag:s15], $0xA00  }
0x77: {  	[sflag:s15] =	ssyncset.done $0x0  }
0x78: {  	[sflag:s15] =	ssyncadd.s32 $0xFFFFF600  }
0x79: {  	_ =	sfence.sel $0x180000  }
0x7a: {  	[bflag:$0x0] =	sbarrier.arrive $0xFFFF  }
0x7b: {  	_ =	strace $0x9000004A  }
0x7c: {  	[bflag:$0x2] =	sbarrier.arrive $0xFFFF  }
0x7d: {  	p0 =	sne.s32 s0, $0x0;
	s0 =	rddreg [dreg:$0x3]  }
0x7e: {  	s0 =	sadd.s32 @!p0 $0x100000, s0  }
0x7f: {  	[sflag:s0] =	ssyncadd.tile.s32 @!p0 $0x1;
	_ =	shalt  }
.Lfunc_end2:
_tile_overlayer_lowered:
.L_overlay_start_2:
0x80: {  	(tag) =	ssettag $0x2  }
0x81: {  	s0 =	rddreg [dreg:$0x0];
	s2 =	stileid.u32  }
0x82: {  	s1 =	rddreg [dreg:$0x1];
	p0 =	sne.s32 s2, $0x0  }
0x83: {  	s3 =	rddreg [dreg:$0x2];
	[bflag:$0x3] =	sbarrier.arrive $0xFFFF;
	s2 =	simm.s32 @!p0 $0x1C03  }
0x84: {  	[timem:s3], [sflag:s2] =	dma.local @!p0 [hbm:s0], s1  }
0x85: {  	s0 =	simm.s32 @!p0 $0x3  }
0x86: {  	_ =	swait.ge @!p0 [sflag:s0], s1  }
0x87: {  	s1 =	ssub.s32 @!p0 $0x0, s1;
	[sflag:s0] =	ssyncset.done @!p0 $0x0  }
0x88: {  	[sflag:s0] =	ssyncadd.s32 @!p0 s1  }
0x89: {  	[bflag:$0x3] =	sbarrier.arrive $0xFFFF  }
0x8a: {  	_ =	shalt  }

// kernel: kernel.17.cloned.1.call-start
scs
__scs_entry_jumppad:
0x0: {  	(pc) =	sbr.rel $0x88, $3  }
0x1: {  	(tag) =	ssettag $0x0;
	lr =	simm.s32 $0x1  }
0x2: {  	[smem:$0x3F96] =	sst lr;
	_ =	strace $0xD0000000  }
0x3: {  	_ = 	snop  }
0x4: {  	_ = 	snop  }
0x5: {  	_ = 	snop  }
0x6: {  	_ = 	snop  }
0x7: {  	_ = 	snop  }
__scs_overlays_trampoline_lowered:
0x8: {  	[smem:$0x3FA5] =	sst s0  }
0x9: {  	[smem:$0x3FA6] =	sst s1  }
0xa: {  	[smem:$0x3FA7] =	sst s2  }
0xb: {  	[smem:$0x3FA8] =	sst s3  }
0xc: {  	[smem:$0x3FA9] =	sst s4  }
0xd: {  	[smem:$0x3FAA] =	sst s5  }
0xe: {  	[smem:$0x3FAB] =	sst s6  }
0xf: {  	[smem:$0x3FAC] =	sst s7  }
0x10: {  	[smem:$0x3FAD] =	sst s8  }
0x11: {  	[smem:$0x3FAE] =	sst s9;
	s0 =	simm.s32 @!p0 $0x0  }
0x12: {  	s1 =	sld [smem:$0x3F94];
	s0 =	simm.s32 @p0 $0x1  }
0x13: {  	[smem:$0x3FAF] =	sst s0;
	s0 =	simm.s32 @!p1 $0x0  }
0x14: {  	s2 =	sld [smem:$0x3F93];
	s0 =	simm.s32 @p1 $0x1  }
0x15: {  	[smem:$0x3FB0] =	sst s0;
	s0 =	simm.s32 @!p2 $0x0  }
0x16: {  	s3 =	sld [smem:$0x3FDB];
	s0 =	simm.s32 @p2 $0x1  }
0x17: {  	s4 =	simm.s32 $0x1BF5;
	[smem:$0x3FB2] =	sst s0  }
0x18: {  	s0 =	sld [smem:$0x3F95];
	_ =	swait.ge [sflag:s4], $0x0  }
0x19: {  	s7 =	sld [smem:$0x3F96]  }
0x1a: {  	s8 =	sadd.s32 $0xFFFFE003, lr  }
0x1b: {  	s9 =	sadd.s32 $0xFFFFFEF7, lr;
	s5 =	simm.s32 $0xFFFFFFFF;
	p2 =	slt.u32 s8, $0xFFFFF086  }
0x1c: {  	p1 =	slt.u32 s9, $0xF7A;
	s5 =	simm.s32 @!p2 $0x0  }
0x1d: {  	s5 =	simm.s32 @p1 $0x1;
	p0 =	seq.s32 s7, s2  }
0x1e: {  	s7 =	smul.u32 @!p0 $0xF7A, s2;
	p2 =	seq.s32 @!p0 s5, $0x0  }
0x1f: {  	s9 =	smul.u32 $0xF7A, s1;
	s8 =	simm.s32 @!p0 $0x1BF5;
	p2 =	por !p2, p0  }
0x20: {  	[sflag:s8] =	ssyncset.s32 @!p0 $0xFFFFF086;
	s6 =	sadd.s32 @!p0 s3, s7;
	s7 =	simm.s32 @!p0 $0x108  }
0x21: {  	s3 =	sadd.s32 s3, s9;
	s6 =	sadd.s32 @!p0 $0x88, s6;
	s7 =	simm.s32 @p2 $0x1082  }
0x22: {  	[simem:s7], [sflag:s8] =	dma.local @!p0 [hbm:s6], $0xF7A  }
0x23: {  	s9 =	sor.u32 $0xD0000000, s2;
	s6 =	simm.s32 $0x108;
	_ =	swait.ge @!p0 [sflag:s8], $0x0  }
0x24: {  	s3 =	sadd.s32 $0x88, s3;
	s6 =	simm.s32 @!p1 $0x1082;
	[sflag:s4] =	ssyncset.s32 $0xFFFFF086  }
0x25: {  	[simem:s6], [sflag:s4] =	dma.local [hbm:s3], $0xF7A  }
0x26: {  	[smem:$0x3F96] =	sst s1;
	(tag) =	ssettag s2;
	_ =	strace s9  }
0x27: {  	s1 =	sld [smem:$0x3FA6]  }
0x28: {  	s2 =	sld [smem:$0x3FA7]  }
0x29: {  	s4 =	sld [smem:$0x3FA9]  }
0x2a: {  	p0 =	seq.s32 s5, $0x0;
	s5 =	sld [smem:$0x3FAA]  }
0x2b: {  	s6 =	sld [smem:$0x3FAB]  }
0x2c: {  	s7 =	sld [smem:$0x3FAC]  }
0x2d: {  	s3 =	simm.s32 $0x108;
	s8 =	sld [smem:$0x3FAD]  }
0x2e: {  	s3 =	simm.s32 @!p0 $0x1082;
	s9 =	sld [smem:$0x3FAE]  }
0x2f: {  	lr =	sadd.s32 s0, s3;
	s0 =	sld [smem:$0x3FA5]  }
0x30: {  	s3 =	sld [smem:$0x3FA8]  }
0x31: {  	[smem:$0x3FB1] =	sst s10  }
0x32: {  	s10 =	sld [smem:$0x3FAF];
	_ =	sdelay $0x3  }
0x33: {  	p0 =	seq.s32 s10, $0x1;
	s10 =	sld [smem:$0x3FB1];
	_ =	sdelay $0x3  }
0x34: {  	[smem:$0x3FB1] =	sst s10  }
0x35: {  	s10 =	sld [smem:$0x3FB0];
	_ =	sdelay $0x3  }
0x36: {  	p1 =	seq.s32 s10, $0x1;
	s10 =	sld [smem:$0x3FB1];
	_ =	sdelay $0x3  }
0x37: {  	[smem:$0x3FB1] =	sst s10  }
0x38: {  	s10 =	sld [smem:$0x3FB2]  }
0x39: {  	_ = 	snop;
	(pc) =	sbr.ind lr, $3  }
0x3a: {  	_ = 	snop  }
0x3b: {  	_ = 	snop  }
0x3c: {  	p2 =	seq.s32 s10, $0x1;
	s10 =	sld [smem:$0x3FB1]  }
0x3d: {  	_ =	shalt  }
0x3e: {  	_ =	shalt  }
0x3f: {  	_ =	shalt  }
0x40: {  	_ =	shalt  }
0x41: {  	_ =	shalt  }
0x42: {  	_ =	shalt  }
0x43: {  	_ =	shalt  }
0x44: {  	_ =	shalt  }
0x45: {  	_ =	shalt  }
0x46: {  	_ =	shalt  }
0x47: {  	_ =	shalt  }
0x48: {  	_ =	shalt  }
0x49: {  	_ =	shalt  }
0x4a: {  	_ =	shalt  }
0x4b: {  	_ =	shalt  }
0x4c: {  	_ =	shalt  }
0x4d: {  	_ =	shalt  }
0x4e: {  	_ =	shalt  }
0x4f: {  	_ =	shalt  }
0x50: {  	_ =	shalt  }
0x51: {  	_ =	shalt  }
0x52: {  	_ =	shalt  }
0x53: {  	_ =	shalt  }
0x54: {  	_ =	shalt  }
0x55: {  	_ =	shalt  }
0x56: {  	_ =	shalt  }
0x57: {  	_ =	shalt  }
0x58: {  	_ =	shalt  }
0x59: {  	_ =	shalt  }
0x5a: {  	_ =	shalt  }
0x5b: {  	_ =	shalt  }
0x5c: {  	_ =	shalt  }
0x5d: {  	_ =	shalt  }
0x5e: {  	_ =	shalt  }
0x5f: {  	_ =	shalt  }
0x60: {  	_ =	shalt  }
0x61: {  	_ =	shalt  }
0x62: {  	_ =	shalt  }
0x63: {  	_ =	shalt  }
0x64: {  	_ =	shalt  }
0x65: {  	_ =	shalt  }
0x66: {  	_ =	shalt  }
0x67: {  	_ =	shalt  }
0x68: {  	_ =	shalt  }
0x69: {  	_ =	shalt  }
0x6a: {  	_ =	shalt  }
0x6b: {  	_ =	shalt  }
0x6c: {  	_ =	shalt  }
0x6d: {  	_ =	shalt  }
0x6e: {  	_ =	shalt  }
0x6f: {  	_ =	shalt  }
0x70: {  	_ =	shalt  }
0x71: {  	_ =	shalt  }
0x72: {  	_ =	shalt  }
0x73: {  	_ =	shalt  }
0x74: {  	_ =	shalt  }
0x75: {  	_ =	shalt  }
0x76: {  	_ =	shalt  }
0x77: {  	_ =	shalt  }
0x78: {  	_ =	shalt  }
0x79: {  	_ =	shalt  }
0x7a: {  	_ =	shalt  }
0x7b: {  	_ =	shalt  }
0x7c: {  	_ =	shalt  }
0x7d: {  	_ =	shalt  }
0x7e: {  	_ =	shalt  }
0x7f: {  	_ =	shalt  }
0x80: {  	_ =	shalt  }
0x81: {  	_ =	shalt  }
0x82: {  	_ =	shalt  }
0x83: {  	_ =	shalt  }
0x84: {  	_ =	shalt  }
0x85: {  	_ =	shalt  }
0x86: {  	_ =	shalt  }
0x87: {  	_ =	shalt  }
.Lfunc_end0:
.L_simem_size_0:
called_computation.2_lowered:
.L_overlay_start_0:
0x88: {  	s2 =	sld [smem:$0x3FD9]  }
0x89: {  	s3 =	sld [smem:$0x3FFE];
	_ =	sdelay $0x1  }
0x8a: {  	s1 =	srdreg.scid  }
0x8b: {  	s0 =	sand.u32 $0x1, s1  }
0x8c: {  	s16 =	sshll.u32 s0, $0xA;
	s2 =	sadd.s32 s3, s2  }
0x8d: {  	s2 =	sadd.s32 s2, s16  }
0x8e: {  	[smem:$0x3FBD] =	sst s2  }
0x8f: {  	_ = 	snop  }
0x90: {  	(tm) =	ssettm $0x1  }
0x91: {  	s17 =	sld [smem:$0x3FFB];
	_ =	sdelay $0x3  }
0x92: {  	_ =	strace s17  }
0x93: {  	s2 =	sld [smem:$0x3FFC];
	_ =	sdelay $0x3  }
0x94: {  	_ =	strace s2  }
0x95: {  	s2 =	sld [smem:$0x3FFD];
	_ =	sdelay $0x3  }
0x96: {  	_ =	strace s2  }
0x97: {  	_ =	strace $0x8FFFFFFF  }
0x98: {  	s18 =	sld [smem:$0x3FDB];
	_ =	sdelay $0x1  }
0x99: {  	s19 =	simm.s32 $_scs_section_size  }
0x9a: {  	s4 =	simm.s32 $_size__tile_overlayer_lowered;
	s5 =	simm.s32 $_tile_overlayer_lowered  }
0x9b: {  	s22 =	simm.s32 $0x1BFF;
	s21 =	sshll.u32 s5, $0x1;
	s2 =	sadd.s32 s19, s18  }
0x9c: {  	s6 =	simm.s32 $0x0;
	s20 =	sshll.u32 s4, $0x1;
	s4 =	sadd.s32 s21, s2  }
0x9d: {  	[timem:s6], [sflag:s22] =	dma.local [hbm:s4], s20  }
0x9e: {  	_ =	swait.ge [sflag:s22], s20  }
0x9f: {  	s3 =	ssub.s32 $0x0, s20;
	[sflag:s22] =	ssyncset.done $0x0  }
0xa0: {  	[sflag:s22] =	ssyncadd.s32 s3;
	_ =	sdelay $0x1  }
0xa1: {  	s23 =	simm.s32 $0x1B8B  }
0xa2: {  	_ =	swait.ge [sflag:s23], $0x1  }
0xa3: {  	[sflag:s23] =	ssyncset.done $0x0  }
0xa4: {  	s25 =	simm.s32 $0x1B8E;
	s24 =	sld [smem:$0x3FFE];
	[sflag:s23] =	ssyncadd.s32 $0xFFFFFFFF  }
0xa5: {  	s26 =	simm.s32 $execute0_lowered;
	[smem:$0x3FD2] =	sst s25  }
0xa6: {  	s4 =	sshll.u32 s26, $0x1;
	_ =	strace $0x8000004C;
	[dreg:$0x1] =	wrdreg $0xFFFFFFFF  }
0xa7: {  	s28 =	simm.s32 $_size_execute0_lowered;
	s2 =	sadd.s32 s2, s4;
	[dreg:$0x0] =	wrdreg $0x0  }
0xa8: {  	s4 =	sshll.u32 s28, $0x1;
	[dreg:$0x2] =	wrdreg s2  }
0xa9: {  	[dreg:$0x3] =	wrdreg s4  }
0xaa: {  	[dreg:$0x4] =	wrdreg $0xC0  }
0xab: {  	_ =	task [dreg:s6], $0x5FFFF  }
0xac: {  	[dreg:$0x1] =	wrdreg $0xFFFFFFFF  }
0xad: {  	[dreg:$0x0] =	wrdreg $0x60  }
0xae: {  	[dreg:$0x2] =	wrdreg s24  }
0xaf: {  	[dreg:$0x3] =	wrdreg $0x71000  }
0xb0: {  	[dreg:$0x4] =	wrdreg $0xC1000  }
0xb1: {  	[dreg:$0x5] =	wrdreg $0x9  }
0xb2: {  	_ =	task.clear_ibuf [dreg:s6], $0x6FFFF;
	_ =	strace $0x9000004C  }
0xb3: {  	s29 =	simm.s32 $0x9;
	_ =	strace $0x8000004E  }
0xb4: {  	_ =	swait.ge [sflag:s29], $0x1  }
0xb5: {  	[sflag:s29] =	ssyncadd.s32 $0xFFFFFFFF  }
0xb6: {  	_ =	strace $0x9000004E  }
0xb7: {  	_ =	sfence  }
0xb8: {  	s30 =	sld [smem:$0x0];
	_ =	sdelay $0x2  }
0xb9: {  	s31 =	sshll.u32 s1, $0xD;
	s1 =	sshrl.u32 s1, $0x2  }
0xba: {  	s3 =	sand.u32 $0x4000, s31;
	s1 =	sadd.s32 s1, s30  }
0xbb: {  	s0 =	sor.u32 s3, s0;
	s1 =	sshll.u32 s1, $0x11  }
0xbc: {  	s0 =	sor.u32 s1, s0  }
0xbd: {  	s0 =	sadd.s32 $0x8F2B, s0  }
0xbe: {  	[sflag:s0] =	ssyncadd.remote.s32 $0x1  }
0xbf: {  	_ =	sfence.sel $0xFFFF  }
0xc0: {  	[dreg:$0x0] =	wrdreg $0xFFFFFFFF;
	(pc) =	sbr.abs _section_cstart, $3  }
0xc1: {  	[dreg:$0x1] =	wrdreg $0xFFFFFFFF  }
0xc2: {  	_ =	task.clear_ibuf [dreg:s6], $0x2FFFF;
	_ =	strace $0x9FFFFFFF  }
0xc3: {  	(tm) =	ssettm $0x7FFFFFFF  }
tec
execute0_lowered:
.L_overlay_start_1:
0x0: {  	(tag) =	ssettag $0x1  }
0x1: {  	s5 =	rddreg [dreg:$0x0];
	s0 =	stileid.u32  }
0x2: {  	s1 =	srdreg.scid;
	s2 =	rddreg [dreg:$0x1]  }
0x3: {  	s3 =	rddreg [dreg:$0x2];
	s4 =	simm.s32 $0x0;
	s15 =	simm.s32 $0x3  }
0x4: {  	s16 =	simm.s32 $0x2880;
	s19 =	simm.s32 $0x5100;
	s20 =	simm.s32 $0x80  }
0x5: {  	s21 =	simm.s32 $0x6100;
	s22 =	simm.s32 $0x1;
	s7 =	smul.u32 $0xA000, s0  }
0x6: {  	s23 =	simm.s32 $0x2;
	s24 =	simm.s32 $0x5080;
	s9 =	smul.u32 $0x2880, s0  }
0x7: {  	s26 =	simm.s32 $0x0;
	s6 =	sand.u32 $0x1, s1;
	s12 =	smul.u32 $0x14000, s0  }
0x8: {  	[smem:$0x7FF] =	sst s4;
	s17 =	sshll.u32 s0, $0x6;
	s8 =	smul.u32 $0x28800, s6  }
0x9: {  	s11 =	smul.u32 $0xA0000, s6;
	_ =	strace $0x8000004D;
	s6 =	ssub.s32 $0x2, s6  }
0xa: {  	s17 =	sor.u32 $0x1C03, s17;
	s10 =	sshrl.u32 s7, $0x4;
	s30 =	sshrl.u32 s6, $0x1  }
0xb: {  	s13 =	sshrl.u32 s7, $0x1;
	s31 =	sshrl.u32 s12, $0x2;
	s10 =	sadd.s32 s10, s5  }
0xc: {  	s8 =	sadd.s32 s9, s8;
	s29 =	sadd.s32 s7, s11;
	s11 =	ssub.s32 s6, s30  }
0xd: {  	s18 =	sadd.s32 s13, s2;
	s25 =	sadd.s32 s13, s3;
	s8 =	sshrl.u32 s8, $0x3  }
0xe: {  	s9 =	sshrl.u32 s29, $0x4;
	s7 =	sadd.s32 $0x1A200, s10;
	s10 =	smax.u32 s11, $0x1  }
0xf: {  	s18 =	sshrl.u32 s18, $0x3;
	s8 =	sadd.s32 s8, s5;
	s9 =	sadd.s32 s9, s5  }
0x10: {  	s5 =	sadd.s32 $0x5800, s8;
	s6 =	sadd.s32 $0xFA00, s8;
	s8 =	sadd.s32 s31, s3  }
0x11: {  	s25 =	sshrl.u32 s25, $0x3;
	s9 =	sadd.s32 $0x24200, s9;
	s11 =	sadd.s32 $0x1000, s8  }
0x12: {  	v0 =	vimm.bf16 $0.0e+00;
	s12 =	sadd.s32 $0x2000, s8;
	s13 =	sadd.s32 $0x3000, s8;
	s14 =	sadd.s32 $0x4000, s8  }
.LBB2_1:
0x13: {  	[tilespmem:s4], [sflag:$0x3] =	stream.linear.gather [hbm4b:s5+s4], $0x2880, $0x38;
	[tilespmem:$0x11100] =	vst v63  }
0x14: {  	_ =	swait.ge [sflag:s15], $0x2880  }
0x15: {  	[sflag:s15] =	ssyncset.done $0x0  }
0x16: {  	[sflag:s15] =	ssyncadd.s32 $0xFFFFD780  }
0x17: {  	[tilespmem:s16], [sflag:$0x3] =	stream.linear.gather [hbm4b:s6+s4], $0x2880, $0x38;
	[tilespmem:$0x11100] =	vst v63  }
0x18: {  	_ =	swait.ge [sflag:s15], $0x2880  }
0x19: {  	[sflag:s15] =	ssyncset.done $0x0  }
0x1a: {  	[sflag:s15] =	ssyncadd.s32 $0xFFFFD780  }
0x1b: {  	[spmem:s18], [sflag:s17] =	dma.local [hbm:s7], $0xA00  }
0x1c: {  	_ =	swait.ge [sflag:s15], $0xA00  }
0x1d: {  	[sflag:s15] =	ssyncset.done $0x0  }
0x1e: {  	s28 =	simm.s32 $0x80;
	s29 =	simm.s32 $0x0;
	[sflag:s15] =	ssyncadd.s32 $0xFFFFF600  }
.LBB2_2:
0x1f: {  	p0 =	sne.s32 s28, $0x3F80;
	[tilespmem:s29+$0x5100] =	vst v0;
	s30 =	smov.u32 s28;
	s28 =	sadd.s32 $0x80, s28  }
.Ltmp0:
0x20: {  	[tilespmem:s29+$0x5110] =	vst v0;
	(pc) =	sbr.rel @p0 .LBB2_2-.Ltmp0, $2  }
0x21: {  	_ =	sdelay $0x2  }
0x22: {  	s29 =	sshra.s32 s30, $0x2  }
0x23: {  	[tilespmem:s29+$0x5100] =	vst v0  }
0x24: {  	[tilespmem:s29+$0x5110] =	vst v0  }
0x25: {  	[spmem:s8] =	stream.linear.scatter [tilespmem:s19], [sflag:$0x3], $0x1000, $0x38;
	[tilespmem:$0x11100] =	vst v63  }
0x26: {  	_ =	swait.ge [sflag:s15], $0x1000  }
0x27: {  	[sflag:s15] =	ssyncset.done $0x0  }
0x28: {  	[sflag:s15] =	ssyncadd.s32 $0xFFFFF000  }
0x29: {  	[spmem:s11] =	stream.linear.scatter [tilespmem:s19], [sflag:$0x3], $0x1000, $0x38;
	[tilespmem:$0x11100] =	vst v63  }
0x2a: {  	_ =	swait.ge [sflag:s15], $0x1000  }
0x2b: {  	[sflag:s15] =	ssyncset.done $0x0  }
0x2c: {  	[sflag:s15] =	ssyncadd.s32 $0xFFFFF000  }
0x2d: {  	[spmem:s12] =	stream.linear.scatter [tilespmem:s19], [sflag:$0x3], $0x1000, $0x38;
	[tilespmem:$0x11100] =	vst v63  }
0x2e: {  	_ =	swait.ge [sflag:s15], $0x1000  }
0x2f: {  	[sflag:s15] =	ssyncset.done $0x0  }
0x30: {  	[sflag:s15] =	ssyncadd.s32 $0xFFFFF000  }
0x31: {  	[spmem:s13] =	stream.linear.scatter [tilespmem:s19], [sflag:$0x3], $0x1000, $0x38;
	[tilespmem:$0x11100] =	vst v63  }
0x32: {  	_ =	swait.ge [sflag:s15], $0x1000  }
0x33: {  	[sflag:s15] =	ssyncset.done $0x0  }
0x34: {  	[sflag:s15] =	ssyncadd.s32 $0xFFFFF000  }
0x35: {  	[spmem:s14] =	stream.linear.scatter [tilespmem:s19], [sflag:$0x3], $0x1000, $0x38;
	[tilespmem:$0x11100] =	vst v63  }
0x36: {  	_ =	swait.ge [sflag:s15], $0x1000  }
0x37: {  	[sflag:s15] =	ssyncset.done $0x0  }
0x38: {  	[sflag:s15] =	ssyncadd.s32 $0xFFFFF000  }
0x39: {  	s28 =	simm.s32 $0x0;
	[bflag:$0x0] =	sbarrier.arrive $0xFFFF  }
0x3a: {  	[tilespmem:s19], [sflag:$0x1] =	stream.indirect.gather [spmem:s2], $0x20, s28, s20, $0xb8;
	[tilespmem:$0x11100] =	vst v63  }
0x3b: {  	s28 =	simm.s32 $0x80  }
0x3c: {  	[tilespmem:s21], [sflag:$0x2] =	stream.indirect.gather [spmem:s2], $0x20, s28, s20, $0xb8;
	[tilespmem:$0x11100] =	vst v63  }
0x3d: {  	_ =	swait.ge [sflag:s22], $0x1000  }
0x3e: {  	[sflag:s22] =	ssyncset.done $0x0  }
0x3f: {  	s28 =	simm.s32 $0x2880;
	[sflag:s22] =	ssyncadd.s32 $0xFFFFF000  }
0x40: {  	[spmem:s3] =	stream.indirect.scatter.add.bf16 [tilespmem:s19], [sflag:$0x3], $0x20, s28, s20, $0xb8;
	[tilespmem:$0x11100] =	vst v63  }
0x41: {  	_ =	swait.ge [sflag:s15], $0x1000  }
0x42: {  	[sflag:s15] =	ssyncset.done $0x0  }
0x43: {  	s28 =	simm.s32 $0x100;
	[sflag:s15] =	ssyncadd.s32 $0xFFFFF000  }
0x44: {  	[tilespmem:s19], [sflag:$0x1] =	stream.indirect.gather [spmem:s2], $0x20, s28, s20, $0xb8;
	[tilespmem:$0x11100] =	vst v63  }
0x45: {  	_ =	swait.ge [sflag:s23], $0x1000  }
0x46: {  	[sflag:s23] =	ssyncset.done $0x0  }
0x47: {  	s28 =	simm.s32 $0x2900;
	[sflag:s23] =	ssyncadd.s32 $0xFFFFF000  }
0x48: {  	[spmem:s3] =	stream.indirect.scatter.add.bf16 [tilespmem:s21], [sflag:$0x3], $0x20, s28, s20, $0xb8;
	[tilespmem:$0x11100] =	vst v63  }
0x49: {  	_ =	swait.ge [sflag:s15], $0x1000  }
0x4a: {  	s29 =	simm.s32 $0x800;
	s28 =	simm.s32 $0x100;
	[sflag:s15] =	ssyncset.done $0x0  }
.LBB2_4:
0x4b: {  	s30 =	sadd.s32 $0x80, s28  }
0x4c: {  	[sflag:s15] =	ssyncadd.s32 $0xFFFFF000;
	s31 =	smov.u32 s29;
	s1 =	sadd.s32 $0x400, s29  }
0x4d: {  	[tilespmem:s21], [sflag:$0x2] =	stream.indirect.gather [spmem:s2], $0x20, s30, s20, $0xb8;
	[tilespmem:$0x11100] =	vst v63  }
0x4e: {  	p0 =	sne.s32 s29, $0x9C00;
	_ =	swait.ge [sflag:s22], $0x1000  }
0x4f: {  	[sflag:s22] =	ssyncset.done $0x0  }
0x50: {  	s29 =	sadd.s32 $0x2880, s28;
	[sflag:s22] =	ssyncadd.s32 $0xFFFFF000  }
0x51: {  	[spmem:s3] =	stream.indirect.scatter.add.bf16 [tilespmem:s19], [sflag:$0x3], $0x20, s29, s20, $0xb8;
	[tilespmem:$0x11100] =	vst v63  }
0x52: {  	_ =	swait.ge [sflag:s15], $0x1000  }
0x53: {  	[sflag:s15] =	ssyncset.done $0x0  }
0x54: {  	s29 =	sadd.s32 $0x100, s28;
	[sflag:s15] =	ssyncadd.s32 $0xFFFFF000  }
0x55: {  	[tilespmem:s19], [sflag:$0x1] =	stream.indirect.gather [spmem:s2], $0x20, s29, s20, $0xb8;
	[tilespmem:$0x11100] =	vst v63  }
0x56: {  	_ =	swait.ge [sflag:s23], $0x1000  }
.Ltmp1:
0x57: {  	[sflag:s23] =	ssyncset.done $0x0;
	(pc) =	sbr.rel @p0 .LBB2_4-.Ltmp1, $4  }
0x58: {  	s28 =	sadd.s32 $0x2900, s28;
	[sflag:s23] =	ssyncadd.s32 $0xFFFFF000  }
0x59: {  	[spmem:s3] =	stream.indirect.scatter.add.bf16 [tilespmem:s21], [sflag:$0x3], $0x20, s28, s20, $0xb8;
	[tilespmem:$0x11100] =	vst v63  }
0x5a: {  	_ =	swait.ge [sflag:s15], $0x1000  }
0x5b: {  	s29 =	smov.u32 s1;
	s28 =	sshra.s32 s31, $0x2;
	[sflag:s15] =	ssyncset.done $0x0  }
0x5c: {  	s1 =	sadd.s32 $0x80, s28;
	[sflag:s15] =	ssyncadd.s32 $0xFFFFF000  }
0x5d: {  	[tilespmem:s21], [sflag:$0x2] =	stream.indirect.gather [spmem:s2], $0x20, s1, s20, $0xb8;
	[tilespmem:$0x11100] =	vst v63  }
0x5e: {  	_ =	swait.ge [sflag:s22], $0x1000  }
0x5f: {  	[sflag:s22] =	ssyncset.done $0x0  }
0x60: {  	s29 =	sadd.s32 $0x2880, s28;
	[sflag:s22] =	ssyncadd.s32 $0xFFFFF000  }
0x61: {  	[spmem:s3] =	stream.indirect.scatter.add.bf16 [tilespmem:s19], [sflag:$0x3], $0x20, s29, s20, $0xb8;
	[tilespmem:$0x11100] =	vst v63  }
0x62: {  	_ =	swait.ge [sflag:s15], $0x1000  }
0x63: {  	[sflag:s15] =	ssyncset.done $0x0  }
0x64: {  	s30 =	sadd.s32 $0x100, s28;
	[sflag:s15] =	ssyncadd.s32 $0xFFFFF000  }
0x65: {  	[tilespmem:s19], [sflag:$0x1] =	stream.indirect.gather [spmem:s2], $0x20, s30, s20, $0xb8;
	[tilespmem:$0x11100] =	vst v63  }
0x66: {  	_ =	swait.ge [sflag:s23], $0x1000  }
0x67: {  	[sflag:s23] =	ssyncset.done $0x0  }
0x68: {  	s31 =	sadd.s32 $0x2900, s28;
	[sflag:s23] =	ssyncadd.s32 $0xFFFFF000  }
0x69: {  	[spmem:s3] =	stream.indirect.scatter.add.bf16 [tilespmem:s21], [sflag:$0x3], $0x20, s31, s20, $0xb8;
	[tilespmem:$0x11100] =	vst v63  }
0x6a: {  	_ =	swait.ge [sflag:s15], $0x1000  }
0x6b: {  	[sflag:s15] =	ssyncset.done $0x0  }
0x6c: {  	[sflag:s15] =	ssyncadd.s32 $0xFFFFF000  }
0x6d: {  	_ =	swait.ge [sflag:s22], $0x1000  }
0x6e: {  	[sflag:s22] =	ssyncset.done $0x0  }
0x6f: {  	[sflag:s22] =	ssyncadd.s32 $0xFFFFF000  }
0x70: {  	[spmem:s3] =	stream.indirect.scatter.add.bf16 [tilespmem:s19], [sflag:$0x3], $0x20, s24, s20, $0xb8;
	[tilespmem:$0x11100] =	vst v63  }
0x71: {  	_ =	swait.ge [sflag:s15], $0x1000  }
0x72: {  	s26 =	sadd.s32 $0x1, s26;
	[sflag:s15] =	ssyncset.done $0x0  }
0x73: {  	p0 =	sne.s32 s26, s10;
	[sflag:s15] =	ssyncadd.s32 $0xFFFFF000  }
.Ltmp2:
0x74: {  	[bflag:$0x0] =	sbarrier.arrive $0xFFFF;
	(pc) =	sbr.rel @p0 .LBB2_1-.Ltmp2, $4  }
0x75: {  	[hbm:s9], [sflag:s17] =	dma.local [spmem:s25], $0xA00  }
0x76: {  	_ =	swait.ge [sflag:s15], $0xA00  }
0x77: {  	[sflag:s15] =	ssyncset.done $0x0  }
0x78: {  	[sflag:s15] =	ssyncadd.s32 $0xFFFFF600  }
0x79: {  	_ =	sfence.sel $0x180000  }
0x7a: {  	[bflag:$0x0] =	sbarrier.arrive $0xFFFF  }
0x7b: {  	_ =	strace $0x9000004D  }
0x7c: {  	[bflag:$0x2] =	sbarrier.arrive $0xFFFF  }
0x7d: {  	p0 =	sne.s32 s0, $0x0;
	s0 =	rddreg [dreg:$0x3]  }
0x7e: {  	s0 =	sadd.s32 @!p0 $0x100000, s0  }
0x7f: {  	[sflag:s0] =	ssyncadd.tile.s32 @!p0 $0x1;
	_ =	shalt  }
.Lfunc_end2:
_tile_overlayer_lowered:
.L_overlay_start_2:
0x80: {  	(tag) =	ssettag $0x2  }
0x81: {  	s0 =	rddreg [dreg:$0x0];
	s2 =	stileid.u32  }
0x82: {  	s1 =	rddreg [dreg:$0x1];
	p0 =	sne.s32 s2, $0x0  }
0x83: {  	s3 =	rddreg [dreg:$0x2];
	[bflag:$0x3] =	sbarrier.arrive $0xFFFF;
	s2 =	simm.s32 @!p0 $0x1C03  }
0x84: {  	[timem:s3], [sflag:s2] =	dma.local @!p0 [hbm:s0], s1  }
0x85: {  	s0 =	simm.s32 @!p0 $0x3  }
0x86: {  	_ =	swait.ge @!p0 [sflag:s0], s1  }
0x87: {  	s1 =	ssub.s32 @!p0 $0x0, s1;
	[sflag:s0] =	ssyncset.done @!p0 $0x0  }
0x88: {  	[sflag:s0] =	ssyncadd.s32 @!p0 s1  }
0x89: {  	[bflag:$0x3] =	sbarrier.arrive $0xFFFF  }
0x8a: {  	_ =	shalt  }

// kernel: kernel.20.cloned.1.call-start
scs
__scs_entry_jumppad:
0x0: {  	(pc) =	sbr.rel $0x88, $3  }
0x1: {  	(tag) =	ssettag $0x0;
	lr =	simm.s32 $0x1  }
0x2: {  	[smem:$0x3F96] =	sst lr;
	_ =	strace $0xD0000000  }
0x3: {  	_ = 	snop  }
0x4: {  	_ = 	snop  }
0x5: {  	_ = 	snop  }
0x6: {  	_ = 	snop  }
0x7: {  	_ = 	snop  }
__scs_overlays_trampoline_lowered:
0x8: {  	[smem:$0x3FA5] =	sst s0  }
0x9: {  	[smem:$0x3FA6] =	sst s1  }
0xa: {  	[smem:$0x3FA7] =	sst s2  }
0xb: {  	[smem:$0x3FA8] =	sst s3  }
0xc: {  	[smem:$0x3FA9] =	sst s4  }
0xd: {  	[smem:$0x3FAA] =	sst s5  }
0xe: {  	[smem:$0x3FAB] =	sst s6  }
0xf: {  	[smem:$0x3FAC] =	sst s7  }
0x10: {  	[smem:$0x3FAD] =	sst s8  }
0x11: {  	[smem:$0x3FAE] =	sst s9;
	s0 =	simm.s32 @!p0 $0x0  }
0x12: {  	s1 =	sld [smem:$0x3F94];
	s0 =	simm.s32 @p0 $0x1  }
0x13: {  	[smem:$0x3FAF] =	sst s0;
	s0 =	simm.s32 @!p1 $0x0  }
0x14: {  	s2 =	sld [smem:$0x3F93];
	s0 =	simm.s32 @p1 $0x1  }
0x15: {  	[smem:$0x3FB0] =	sst s0;
	s0 =	simm.s32 @!p2 $0x0  }
0x16: {  	s3 =	sld [smem:$0x3FDB];
	s0 =	simm.s32 @p2 $0x1  }
0x17: {  	s4 =	simm.s32 $0x1BF5;
	[smem:$0x3FB2] =	sst s0  }
0x18: {  	s0 =	sld [smem:$0x3F95];
	_ =	swait.ge [sflag:s4], $0x0  }
0x19: {  	s7 =	sld [smem:$0x3F96]  }
0x1a: {  	s8 =	sadd.s32 $0xFFFFE003, lr  }
0x1b: {  	s9 =	sadd.s32 $0xFFFFFEF7, lr;
	s5 =	simm.s32 $0xFFFFFFFF;
	p2 =	slt.u32 s8, $0xFFFFF086  }
0x1c: {  	p1 =	slt.u32 s9, $0xF7A;
	s5 =	simm.s32 @!p2 $0x0  }
0x1d: {  	s5 =	simm.s32 @p1 $0x1;
	p0 =	seq.s32 s7, s2  }
0x1e: {  	s7 =	smul.u32 @!p0 $0xF7A, s2;
	p2 =	seq.s32 @!p0 s5, $0x0  }
0x1f: {  	s9 =	smul.u32 $0xF7A, s1;
	s8 =	simm.s32 @!p0 $0x1BF5;
	p2 =	por !p2, p0  }
0x20: {  	[sflag:s8] =	ssyncset.s32 @!p0 $0xFFFFF086;
	s6 =	sadd.s32 @!p0 s3, s7;
	s7 =	simm.s32 @!p0 $0x108  }
0x21: {  	s3 =	sadd.s32 s3, s9;
	s6 =	sadd.s32 @!p0 $0x88, s6;
	s7 =	simm.s32 @p2 $0x1082  }
0x22: {  	[simem:s7], [sflag:s8] =	dma.local @!p0 [hbm:s6], $0xF7A  }
0x23: {  	s9 =	sor.u32 $0xD0000000, s2;
	s6 =	simm.s32 $0x108;
	_ =	swait.ge @!p0 [sflag:s8], $0x0  }
0x24: {  	s3 =	sadd.s32 $0x88, s3;
	s6 =	simm.s32 @!p1 $0x1082;
	[sflag:s4] =	ssyncset.s32 $0xFFFFF086  }
0x25: {  	[simem:s6], [sflag:s4] =	dma.local [hbm:s3], $0xF7A  }
0x26: {  	[smem:$0x3F96] =	sst s1;
	(tag) =	ssettag s2;
	_ =	strace s9  }
0x27: {  	s1 =	sld [smem:$0x3FA6]  }
0x28: {  	s2 =	sld [smem:$0x3FA7]  }
0x29: {  	s4 =	sld [smem:$0x3FA9]  }
0x2a: {  	p0 =	seq.s32 s5, $0x0;
	s5 =	sld [smem:$0x3FAA]  }
0x2b: {  	s6 =	sld [smem:$0x3FAB]  }
0x2c: {  	s7 =	sld [smem:$0x3FAC]  }
0x2d: {  	s3 =	simm.s32 $0x108;
	s8 =	sld [smem:$0x3FAD]  }
0x2e: {  	s3 =	simm.s32 @!p0 $0x1082;
	s9 =	sld [smem:$0x3FAE]  }
0x2f: {  	lr =	sadd.s32 s0, s3;
	s0 =	sld [smem:$0x3FA5]  }
0x30: {  	s3 =	sld [smem:$0x3FA8]  }
0x31: {  	[smem:$0x3FB1] =	sst s10  }
0x32: {  	s10 =	sld [smem:$0x3FAF];
	_ =	sdelay $0x3  }
0x33: {  	p0 =	seq.s32 s10, $0x1;
	s10 =	sld [smem:$0x3FB1];
	_ =	sdelay $0x3  }
0x34: {  	[smem:$0x3FB1] =	sst s10  }
0x35: {  	s10 =	sld [smem:$0x3FB0];
	_ =	sdelay $0x3  }
0x36: {  	p1 =	seq.s32 s10, $0x1;
	s10 =	sld [smem:$0x3FB1];
	_ =	sdelay $0x3  }
0x37: {  	[smem:$0x3FB1] =	sst s10  }
0x38: {  	s10 =	sld [smem:$0x3FB2]  }
0x39: {  	_ = 	snop;
	(pc) =	sbr.ind lr, $3  }
0x3a: {  	_ = 	snop  }
0x3b: {  	_ = 	snop  }
0x3c: {  	p2 =	seq.s32 s10, $0x1;
	s10 =	sld [smem:$0x3FB1]  }
0x3d: {  	_ =	shalt  }
0x3e: {  	_ =	shalt  }
0x3f: {  	_ =	shalt  }
0x40: {  	_ =	shalt  }
0x41: {  	_ =	shalt  }
0x42: {  	_ =	shalt  }
0x43: {  	_ =	shalt  }
0x44: {  	_ =	shalt  }
0x45: {  	_ =	shalt  }
0x46: {  	_ =	shalt  }
0x47: {  	_ =	shalt  }
0x48: {  	_ =	shalt  }
0x49: {  	_ =	shalt  }
0x4a: {  	_ =	shalt  }
0x4b: {  	_ =	shalt  }
0x4c: {  	_ =	shalt  }
0x4d: {  	_ =	shalt  }
0x4e: {  	_ =	shalt  }
0x4f: {  	_ =	shalt  }
0x50: {  	_ =	shalt  }
0x51: {  	_ =	shalt  }
0x52: {  	_ =	shalt  }
0x53: {  	_ =	shalt  }
0x54: {  	_ =	shalt  }
0x55: {  	_ =	shalt  }
0x56: {  	_ =	shalt  }
0x57: {  	_ =	shalt  }
0x58: {  	_ =	shalt  }
0x59: {  	_ =	shalt  }
0x5a: {  	_ =	shalt  }
0x5b: {  	_ =	shalt  }
0x5c: {  	_ =	shalt  }
0x5d: {  	_ =	shalt  }
0x5e: {  	_ =	shalt  }
0x5f: {  	_ =	shalt  }
0x60: {  	_ =	shalt  }
0x61: {  	_ =	shalt  }
0x62: {  	_ =	shalt  }
0x63: {  	_ =	shalt  }
0x64: {  	_ =	shalt  }
0x65: {  	_ =	shalt  }
0x66: {  	_ =	shalt  }
0x67: {  	_ =	shalt  }
0x68: {  	_ =	shalt  }
0x69: {  	_ =	shalt  }
0x6a: {  	_ =	shalt  }
0x6b: {  	_ =	shalt  }
0x6c: {  	_ =	shalt  }
0x6d: {  	_ =	shalt  }
0x6e: {  	_ =	shalt  }
0x6f: {  	_ =	shalt  }
0x70: {  	_ =	shalt  }
0x71: {  	_ =	shalt  }
0x72: {  	_ =	shalt  }
0x73: {  	_ =	shalt  }
0x74: {  	_ =	shalt  }
0x75: {  	_ =	shalt  }
0x76: {  	_ =	shalt  }
0x77: {  	_ =	shalt  }
0x78: {  	_ =	shalt  }
0x79: {  	_ =	shalt  }
0x7a: {  	_ =	shalt  }
0x7b: {  	_ =	shalt  }
0x7c: {  	_ =	shalt  }
0x7d: {  	_ =	shalt  }
0x7e: {  	_ =	shalt  }
0x7f: {  	_ =	shalt  }
0x80: {  	_ =	shalt  }
0x81: {  	_ =	shalt  }
0x82: {  	_ =	shalt  }
0x83: {  	_ =	shalt  }
0x84: {  	_ =	shalt  }
0x85: {  	_ =	shalt  }
0x86: {  	_ =	shalt  }
0x87: {  	_ =	shalt  }
.Lfunc_end0:
.L_simem_size_0:
called_computation.3_lowered:
.L_overlay_start_0:
0x88: {  	s2 =	sld [smem:$0x3FD9]  }
0x89: {  	s3 =	sld [smem:$0x3FFE];
	_ =	sdelay $0x1  }
0x8a: {  	s1 =	srdreg.scid  }
0x8b: {  	s0 =	sand.u32 $0x1, s1  }
0x8c: {  	s16 =	sshll.u32 s0, $0xA;
	s2 =	sadd.s32 s3, s2  }
0x8d: {  	s2 =	sadd.s32 s2, s16  }
0x8e: {  	[smem:$0x3FBD] =	sst s2  }
0x8f: {  	_ = 	snop  }
0x90: {  	(tm) =	ssettm $0x1  }
0x91: {  	s17 =	sld [smem:$0x3FFB];
	_ =	sdelay $0x3  }
0x92: {  	_ =	strace s17  }
0x93: {  	s2 =	sld [smem:$0x3FFC];
	_ =	sdelay $0x3  }
0x94: {  	_ =	strace s2  }
0x95: {  	s2 =	sld [smem:$0x3FFD];
	_ =	sdelay $0x3  }
0x96: {  	_ =	strace s2  }
0x97: {  	_ =	strace $0x8FFFFFFF  }
0x98: {  	s18 =	sld [smem:$0x3FDB];
	_ =	sdelay $0x1  }
0x99: {  	s19 =	simm.s32 $_scs_section_size  }
0x9a: {  	s4 =	simm.s32 $_size__tile_overlayer_lowered;
	s5 =	simm.s32 $_tile_overlayer_lowered  }
0x9b: {  	s22 =	simm.s32 $0x1BFF;
	s21 =	sshll.u32 s5, $0x1;
	s2 =	sadd.s32 s19, s18  }
0x9c: {  	s6 =	simm.s32 $0x0;
	s20 =	sshll.u32 s4, $0x1;
	s4 =	sadd.s32 s21, s2  }
0x9d: {  	[timem:s6], [sflag:s22] =	dma.local [hbm:s4], s20  }
0x9e: {  	_ =	swait.ge [sflag:s22], s20  }
0x9f: {  	s3 =	ssub.s32 $0x0, s20;
	[sflag:s22] =	ssyncset.done $0x0  }
0xa0: {  	[sflag:s22] =	ssyncadd.s32 s3;
	_ =	sdelay $0x1  }
0xa1: {  	s23 =	simm.s32 $0x1B8B  }
0xa2: {  	_ =	swait.ge [sflag:s23], $0x1  }
0xa3: {  	[sflag:s23] =	ssyncset.done $0x0  }
0xa4: {  	s25 =	simm.s32 $0x1B8E;
	s24 =	sld [smem:$0x3FFE];
	[sflag:s23] =	ssyncadd.s32 $0xFFFFFFFF  }
0xa5: {  	s26 =	simm.s32 $execute0_lowered;
	[smem:$0x3FD2] =	sst s25  }
0xa6: {  	s4 =	sshll.u32 s26, $0x1;
	_ =	strace $0x8000004F;
	[dreg:$0x1] =	wrdreg $0xFFFFFFFF  }
0xa7: {  	s28 =	simm.s32 $_size_execute0_lowered;
	s2 =	sadd.s32 s2, s4;
	[dreg:$0x0] =	wrdreg $0x0  }
0xa8: {  	s4 =	sshll.u32 s28, $0x1;
	[dreg:$0x2] =	wrdreg s2  }
0xa9: {  	[dreg:$0x3] =	wrdreg s4  }
0xaa: {  	[dreg:$0x4] =	wrdreg $0xC0  }
0xab: {  	_ =	task [dreg:s6], $0x5FFFF  }
0xac: {  	[dreg:$0x1] =	wrdreg $0xFFFFFFFF  }
0xad: {  	[dreg:$0x0] =	wrdreg $0x60  }
0xae: {  	[dreg:$0x2] =	wrdreg s24  }
0xaf: {  	[dreg:$0x3] =	wrdreg $0x91000  }
0xb0: {  	[dreg:$0x4] =	wrdreg $0x131000  }
0xb1: {  	[dreg:$0x5] =	wrdreg $0x9  }
0xb2: {  	_ =	task.clear_ibuf [dreg:s6], $0x6FFFF;
	_ =	strace $0x9000004F  }
0xb3: {  	s29 =	simm.s32 $0x9;
	_ =	strace $0x80000051  }
0xb4: {  	_ =	swait.ge [sflag:s29], $0x1  }
0xb5: {  	[sflag:s29] =	ssyncadd.s32 $0xFFFFFFFF  }
0xb6: {  	_ =	strace $0x90000051  }
0xb7: {  	_ =	sfence  }
0xb8: {  	s30 =	sld [smem:$0x0];
	_ =	sdelay $0x2  }
0xb9: {  	s31 =	sshll.u32 s1, $0xD;
	s1 =	sshrl.u32 s1, $0x2  }
0xba: {  	s3 =	sand.u32 $0x4000, s31;
	s1 =	sadd.s32 s1, s30  }
0xbb: {  	s0 =	sor.u32 s3, s0;
	s1 =	sshll.u32 s1, $0x11  }
0xbc: {  	s0 =	sor.u32 s1, s0  }
0xbd: {  	s0 =	sadd.s32 $0x8F2B, s0  }
0xbe: {  	[sflag:s0] =	ssyncadd.remote.s32 $0x1  }
0xbf: {  	_ =	sfence.sel $0xFFFF  }
0xc0: {  	[dreg:$0x0] =	wrdreg $0xFFFFFFFF;
	(pc) =	sbr.abs _section_cstart, $3  }
0xc1: {  	[dreg:$0x1] =	wrdreg $0xFFFFFFFF  }
0xc2: {  	_ =	task.clear_ibuf [dreg:s6], $0x2FFFF;
	_ =	strace $0x9FFFFFFF  }
0xc3: {  	(tm) =	ssettm $0x7FFFFFFF  }
tec
execute0_lowered:
.L_overlay_start_1:
0x0: {  	(tag) =	ssettag $0x1  }
0x1: {  	s5 =	rddreg [dreg:$0x0];
	s0 =	stileid.u32  }
0x2: {  	s1 =	srdreg.scid;
	s2 =	rddreg [dreg:$0x1]  }
0x3: {  	s3 =	rddreg [dreg:$0x2];
	s4 =	simm.s32 $0x0;
	s15 =	simm.s32 $0x3  }
0x4: {  	s16 =	simm.s32 $0x2880;
	s19 =	simm.s32 $0x5100;
	s20 =	simm.s32 $0x80  }
0x5: {  	s21 =	simm.s32 $0x7100;
	s22 =	simm.s32 $0x1;
	s7 =	smul.u32 $0x14000, s0  }
0x6: {  	s23 =	simm.s32 $0x2;
	s24 =	simm.s32 $0x5080;
	s9 =	smul.u32 $0x2880, s0  }
0x7: {  	s26 =	simm.s32 $0x0;
	s6 =	sand.u32 $0x1, s1;
	s12 =	smul.u32 $0x28000, s0  }
0x8: {  	[smem:$0x7FF] =	sst s4;
	s17 =	sshll.u32 s0, $0x6;
	s8 =	smul.u32 $0x28800, s6  }
0x9: {  	s11 =	smul.u32 $0x140000, s6;
	_ =	strace $0x80000050;
	s6 =	ssub.s32 $0x2, s6  }
0xa: {  	s17 =	sor.u32 $0x1C03, s17;
	s10 =	sshrl.u32 s7, $0x4;
	s30 =	sshrl.u32 s6, $0x1  }
0xb: {  	s13 =	sshrl.u32 s7, $0x1;
	s31 =	sshrl.u32 s12, $0x2;
	s10 =	sadd.s32 s10, s5  }
0xc: {  	s8 =	sadd.s32 s9, s8;
	s29 =	sadd.s32 s7, s11;
	s11 =	ssub.s32 s6, s30  }
0xd: {  	s18 =	sadd.s32 s13, s2;
	s25 =	sadd.s32 s13, s3;
	s8 =	sshrl.u32 s8, $0x3  }
0xe: {  	s9 =	sshrl.u32 s29, $0x4;
	s7 =	sadd.s32 $0x1A200, s10;
	s10 =	smax.u32 s11, $0x1  }
0xf: {  	s18 =	sshrl.u32 s18, $0x3;
	s8 =	sadd.s32 s8, s5;
	s9 =	sadd.s32 s9, s5  }
0x10: {  	s5 =	sadd.s32 $0x5800, s8;
	s6 =	sadd.s32 $0xFA00, s8;
	s8 =	sadd.s32 s31, s3  }
0x11: {  	s25 =	sshrl.u32 s25, $0x3;
	s9 =	sadd.s32 $0x92C00, s9;
	s11 =	sadd.s32 $0x2000, s8  }
0x12: {  	v0 =	vimm.bf16 $0.0e+00;
	s12 =	sadd.s32 $0x4000, s8;
	s13 =	sadd.s32 $0x6000, s8;
	s14 =	sadd.s32 $0x8000, s8  }
.LBB2_1:
0x13: {  	[tilespmem:s4], [sflag:$0x3] =	stream.linear.gather [hbm4b:s5+s4], $0x2880, $0x38;
	[tilespmem:$0x1D100] =	vst v63  }
0x14: {  	_ =	swait.ge [sflag:s15], $0x2880  }
0x15: {  	[sflag:s15] =	ssyncset.done $0x0  }
0x16: {  	[sflag:s15] =	ssyncadd.s32 $0xFFFFD780  }
0x17: {  	[tilespmem:s16], [sflag:$0x3] =	stream.linear.gather [hbm4b:s6+s4], $0x2880, $0x38;
	[tilespmem:$0x1D100] =	vst v63  }
0x18: {  	_ =	swait.ge [sflag:s15], $0x2880  }
0x19: {  	[sflag:s15] =	ssyncset.done $0x0  }
0x1a: {  	[sflag:s15] =	ssyncadd.s32 $0xFFFFD780  }
0x1b: {  	[spmem:s18], [sflag:s17] =	dma.local [hbm:s7], $0x1400  }
0x1c: {  	_ =	swait.ge [sflag:s15], $0x1400  }
0x1d: {  	[sflag:s15] =	ssyncset.done $0x0  }
0x1e: {  	s29 =	simm.s32 $0x100;
	s28 =	simm.s32 $0x0;
	[sflag:s15] =	ssyncadd.s32 $0xFFFFEC00  }
.LBB2_2:
0x1f: {  	p0 =	sne.s32 s29, $0x7F00;
	[tilespmem:s28+$0x5130] =	vst v0;
	s30 =	smov.u32 s29;
	s29 =	sadd.s32 $0x100, s29  }
.Ltmp0:
0x20: {  	[tilespmem:s28+$0x5120] =	vst v0;
	(pc) =	sbr.rel @p0 .LBB2_2-.Ltmp0, $3  }
0x21: {  	[tilespmem:s28+$0x5100] =	vst v0  }
0x22: {  	[tilespmem:s28+$0x5110] =	vst v0;
	_ =	sdelay $0x1  }
0x23: {  	s28 =	sshra.s32 s30, $0x2  }
0x24: {  	[tilespmem:s28+$0x5130] =	vst v0  }
0x25: {  	[tilespmem:s28+$0x5120] =	vst v0  }
0x26: {  	[tilespmem:s28+$0x5100] =	vst v0  }
0x27: {  	[tilespmem:s28+$0x5110] =	vst v0  }
0x28: {  	[spmem:s8] =	stream.linear.scatter [tilespmem:s19], [sflag:$0x3], $0x2000, $0x38;
	[tilespmem:$0x1D100] =	vst v63  }
0x29: {  	_ =	swait.ge [sflag:s15], $0x2000  }
0x2a: {  	[sflag:s15] =	ssyncset.done $0x0  }
0x2b: {  	[sflag:s15] =	ssyncadd.s32 $0xFFFFE000  }
0x2c: {  	[spmem:s11] =	stream.linear.scatter [tilespmem:s19], [sflag:$0x3], $0x2000, $0x38;
	[tilespmem:$0x1D100] =	vst v63  }
0x2d: {  	_ =	swait.ge [sflag:s15], $0x2000  }
0x2e: {  	[sflag:s15] =	ssyncset.done $0x0  }
0x2f: {  	[sflag:s15] =	ssyncadd.s32 $0xFFFFE000  }
0x30: {  	[spmem:s12] =	stream.linear.scatter [tilespmem:s19], [sflag:$0x3], $0x2000, $0x38;
	[tilespmem:$0x1D100] =	vst v63  }
0x31: {  	_ =	swait.ge [sflag:s15], $0x2000  }
0x32: {  	[sflag:s15] =	ssyncset.done $0x0  }
0x33: {  	[sflag:s15] =	ssyncadd.s32 $0xFFFFE000  }
0x34: {  	[spmem:s13] =	stream.linear.scatter [tilespmem:s19], [sflag:$0x3], $0x2000, $0x38;
	[tilespmem:$0x1D100] =	vst v63  }
0x35: {  	_ =	swait.ge [sflag:s15], $0x2000  }
0x36: {  	[sflag:s15] =	ssyncset.done $0x0  }
0x37: {  	[sflag:s15] =	ssyncadd.s32 $0xFFFFE000  }
0x38: {  	[spmem:s14] =	stream.linear.scatter [tilespmem:s19], [sflag:$0x3], $0x2000, $0x38;
	[tilespmem:$0x1D100] =	vst v63  }
0x39: {  	_ =	swait.ge [sflag:s15], $0x2000  }
0x3a: {  	[sflag:s15] =	ssyncset.done $0x0  }
0x3b: {  	[sflag:s15] =	ssyncadd.s32 $0xFFFFE000  }
0x3c: {  	s28 =	simm.s32 $0x0;
	[bflag:$0x0] =	sbarrier.arrive $0xFFFF  }
0x3d: {  	[tilespmem:s19], [sflag:$0x1] =	stream.indirect.gather [spmem:s2], $0x40, s28, s20, $0xb8;
	[tilespmem:$0x1D100] =	vst v63  }
0x3e: {  	s28 =	simm.s32 $0x80  }
0x3f: {  	[tilespmem:s21], [sflag:$0x2] =	stream.indirect.gather [spmem:s2], $0x40, s28, s20, $0xb8;
	[tilespmem:$0x1D100] =	vst v63  }
0x40: {  	_ =	swait.ge [sflag:s22], $0x2000  }
0x41: {  	[sflag:s22] =	ssyncset.done $0x0  }
0x42: {  	s28 =	simm.s32 $0x2880;
	[sflag:s22] =	ssyncadd.s32 $0xFFFFE000  }
0x43: {  	[spmem:s3] =	stream.indirect.scatter.add.bf16 [tilespmem:s19], [sflag:$0x3], $0x40, s28, s20, $0xb8;
	[tilespmem:$0x1D100] =	vst v63  }
0x44: {  	_ =	swait.ge [sflag:s15], $0x2000  }
0x45: {  	[sflag:s15] =	ssyncset.done $0x0  }
0x46: {  	s28 =	simm.s32 $0x100;
	[sflag:s15] =	ssyncadd.s32 $0xFFFFE000  }
0x47: {  	[tilespmem:s19], [sflag:$0x1] =	stream.indirect.gather [spmem:s2], $0x40, s28, s20, $0xb8;
	[tilespmem:$0x1D100] =	vst v63  }
0x48: {  	_ =	swait.ge [sflag:s23], $0x2000  }
0x49: {  	[sflag:s23] =	ssyncset.done $0x0  }
0x4a: {  	s28 =	simm.s32 $0x2900;
	[sflag:s23] =	ssyncadd.s32 $0xFFFFE000  }
0x4b: {  	[spmem:s3] =	stream.indirect.scatter.add.bf16 [tilespmem:s21], [sflag:$0x3], $0x40, s28, s20, $0xb8;
	[tilespmem:$0x1D100] =	vst v63  }
0x4c: {  	_ =	swait.ge [sflag:s15], $0x2000  }
0x4d: {  	s29 =	simm.s32 $0x800;
	s28 =	simm.s32 $0x100;
	[sflag:s15] =	ssyncset.done $0x0  }
.LBB2_4:
0x4e: {  	s30 =	sadd.s32 $0x80, s28  }
0x4f: {  	[sflag:s15] =	ssyncadd.s32 $0xFFFFE000;
	s31 =	smov.u32 s29;
	s1 =	sadd.s32 $0x400, s29  }
0x50: {  	[tilespmem:s21], [sflag:$0x2] =	stream.indirect.gather [spmem:s2], $0x40, s30, s20, $0xb8;
	[tilespmem:$0x1D100] =	vst v63  }
0x51: {  	p0 =	sne.s32 s29, $0x9C00;
	_ =	swait.ge [sflag:s22], $0x2000  }
0x52: {  	[sflag:s22] =	ssyncset.done $0x0  }
0x53: {  	s29 =	sadd.s32 $0x2880, s28;
	[sflag:s22] =	ssyncadd.s32 $0xFFFFE000  }
0x54: {  	[spmem:s3] =	stream.indirect.scatter.add.bf16 [tilespmem:s19], [sflag:$0x3], $0x40, s29, s20, $0xb8;
	[tilespmem:$0x1D100] =	vst v63  }
0x55: {  	_ =	swait.ge [sflag:s15], $0x2000  }
0x56: {  	[sflag:s15] =	ssyncset.done $0x0  }
0x57: {  	s29 =	sadd.s32 $0x100, s28;
	[sflag:s15] =	ssyncadd.s32 $0xFFFFE000  }
0x58: {  	[tilespmem:s19], [sflag:$0x1] =	stream.indirect.gather [spmem:s2], $0x40, s29, s20, $0xb8;
	[tilespmem:$0x1D100] =	vst v63  }
0x59: {  	_ =	swait.ge [sflag:s23], $0x2000  }
.Ltmp1:
0x5a: {  	[sflag:s23] =	ssyncset.done $0x0;
	(pc) =	sbr.rel @p0 .LBB2_4-.Ltmp1, $4  }
0x5b: {  	s28 =	sadd.s32 $0x2900, s28;
	[sflag:s23] =	ssyncadd.s32 $0xFFFFE000  }
0x5c: {  	[spmem:s3] =	stream.indirect.scatter.add.bf16 [tilespmem:s21], [sflag:$0x3], $0x40, s28, s20, $0xb8;
	[tilespmem:$0x1D100] =	vst v63  }
0x5d: {  	_ =	swait.ge [sflag:s15], $0x2000  }
0x5e: {  	s29 =	smov.u32 s1;
	s28 =	sshra.s32 s31, $0x2;
	[sflag:s15] =	ssyncset.done $0x0  }
0x5f: {  	s1 =	sadd.s32 $0x80, s28;
	[sflag:s15] =	ssyncadd.s32 $0xFFFFE000  }
0x60: {  	[tilespmem:s21], [sflag:$0x2] =	stream.indirect.gather [spmem:s2], $0x40, s1, s20, $0xb8;
	[tilespmem:$0x1D100] =	vst v63  }
0x61: {  	_ =	swait.ge [sflag:s22], $0x2000  }
0x62: {  	[sflag:s22] =	ssyncset.done $0x0  }
0x63: {  	s29 =	sadd.s32 $0x2880, s28;
	[sflag:s22] =	ssyncadd.s32 $0xFFFFE000  }
0x64: {  	[spmem:s3] =	stream.indirect.scatter.add.bf16 [tilespmem:s19], [sflag:$0x3], $0x40, s29, s20, $0xb8;
	[tilespmem:$0x1D100] =	vst v63  }
0x65: {  	_ =	swait.ge [sflag:s15], $0x2000  }
0x66: {  	[sflag:s15] =	ssyncset.done $0x0  }
0x67: {  	s30 =	sadd.s32 $0x100, s28;
	[sflag:s15] =	ssyncadd.s32 $0xFFFFE000  }
0x68: {  	[tilespmem:s19], [sflag:$0x1] =	stream.indirect.gather [spmem:s2], $0x40, s30, s20, $0xb8;
	[tilespmem:$0x1D100] =	vst v63  }
0x69: {  	_ =	swait.ge [sflag:s23], $0x2000  }
0x6a: {  	[sflag:s23] =	ssyncset.done $0x0  }
0x6b: {  	s31 =	sadd.s32 $0x2900, s28;
	[sflag:s23] =	ssyncadd.s32 $0xFFFFE000  }
0x6c: {  	[spmem:s3] =	stream.indirect.scatter.add.bf16 [tilespmem:s21], [sflag:$0x3], $0x40, s31, s20, $0xb8;
	[tilespmem:$0x1D100] =	vst v63  }
0x6d: {  	_ =	swait.ge [sflag:s15], $0x2000  }
0x6e: {  	[sflag:s15] =	ssyncset.done $0x0  }
0x6f: {  	[sflag:s15] =	ssyncadd.s32 $0xFFFFE000  }
0x70: {  	_ =	swait.ge [sflag:s22], $0x2000  }
0x71: {  	[sflag:s22] =	ssyncset.done $0x0  }
0x72: {  	[sflag:s22] =	ssyncadd.s32 $0xFFFFE000  }
0x73: {  	[spmem:s3] =	stream.indirect.scatter.add.bf16 [tilespmem:s19], [sflag:$0x3], $0x40, s24, s20, $0xb8;
	[tilespmem:$0x1D100] =	vst v63  }
0x74: {  	_ =	swait.ge [sflag:s15], $0x2000  }
0x75: {  	s26 =	sadd.s32 $0x1, s26;
	[sflag:s15] =	ssyncset.done $0x0  }
0x76: {  	p0 =	sne.s32 s26, s10;
	[sflag:s15] =	ssyncadd.s32 $0xFFFFE000  }
.Ltmp2:
0x77: {  	[bflag:$0x0] =	sbarrier.arrive $0xFFFF;
	(pc) =	sbr.rel @p0 .LBB2_1-.Ltmp2, $4  }
0x78: {  	[hbm:s9], [sflag:s17] =	dma.local [spmem:s25], $0x1400  }
0x79: {  	_ =	swait.ge [sflag:s15], $0x1400  }
0x7a: {  	[sflag:s15] =	ssyncset.done $0x0  }
0x7b: {  	[sflag:s15] =	ssyncadd.s32 $0xFFFFEC00  }
0x7c: {  	_ =	sfence.sel $0x180000  }
0x7d: {  	[bflag:$0x0] =	sbarrier.arrive $0xFFFF  }
0x7e: {  	_ =	strace $0x90000050  }
0x7f: {  	[bflag:$0x2] =	sbarrier.arrive $0xFFFF  }
0x80: {  	p0 =	sne.s32 s0, $0x0;
	s0 =	rddreg [dreg:$0x3]  }
0x81: {  	s0 =	sadd.s32 @!p0 $0x100000, s0  }
0x82: {  	[sflag:s0] =	ssyncadd.tile.s32 @!p0 $0x1;
	_ =	shalt  }
.Lfunc_end2:
_tile_overlayer_lowered:
.L_overlay_start_2:
0x83: {  	(tag) =	ssettag $0x2  }
0x84: {  	s0 =	rddreg [dreg:$0x0];
	s2 =	stileid.u32  }
0x85: {  	s1 =	rddreg [dreg:$0x1];
	p0 =	sne.s32 s2, $0x0  }
0x86: {  	s3 =	rddreg [dreg:$0x2];
	[bflag:$0x3] =	sbarrier.arrive $0xFFFF;
	s2 =	simm.s32 @!p0 $0x1C03  }
0x87: {  	[timem:s3], [sflag:s2] =	dma.local @!p0 [hbm:s0], s1  }
0x88: {  	s0 =	simm.s32 @!p0 $0x3  }
0x89: {  	_ =	swait.ge @!p0 [sflag:s0], s1  }
0x8a: {  	s1 =	ssub.s32 @!p0 $0x0, s1;
	[sflag:s0] =	ssyncset.done @!p0 $0x0  }
0x8b: {  	[sflag:s0] =	ssyncadd.s32 @!p0 s1  }
0x8c: {  	[bflag:$0x3] =	sbarrier.arrive $0xFFFF  }
0x8d: {  	_ =	shalt  }

</sc_bundles>
